<compile_context>
chip_gen: v7x
topology: tpu7x:2x2x1
jax: 0.10.2.dev20260603
libtpu: 0.0.44.dev20260713+nightly
codegen_flags: <defaults>
</compile_context>

<pallas_src>
import functools

import jax
import jax.numpy as jnp
from jax import lax
from jax.experimental import pallas as pl
from jax.experimental.pallas import tpu as pltpu
from jax.experimental.pallas import tpu_sc as plsc

N_NODES = 10000
D_FEAT = 128
HIDDEN = 16
E1 = 320000
E2 = 640000

NC = 2
NS = 16
NW = NC * NS
K = 128
SINK = N_NODES
NP = 10240
RPT = NP // NS

RPW1 = 80
STEPS1 = NW * RPW1
EP1 = STEPS1 * K
RPW2 = 160
STEPS2 = NW * RPW2
EP2 = STEPS2 * K
EPW2 = RPW2 * K

_mesh = plsc.VectorSubcoreMesh(core_axis_name="c", subcore_axis_name="s")
_sc_params = pltpu.CompilerParams(use_tc_tiling_on_sc=False, needs_layout_passes=False)



@functools.partial(
    pl.kernel,
    mesh=_mesh,
    compiler_params=_sc_params,
    out_type=jax.ShapeDtypeStruct((NC, NP, HIDDEN), jnp.float32),
    scratch_types=[
        pltpu.VMEM((RPW1, K), jnp.int32),
        pltpu.VMEM((K, HIDDEN), jnp.float32),
        pltpu.VMEM((RPT, HIDDEN), jnp.float32),
        pltpu.VMEM_SHARED((NP, HIDDEN), jnp.float32),
    ],
)
def _deg_sc(dst_hbm, out_hbm, dstb, ones, zbuf, acc):
    c = lax.axis_index("c")
    s = lax.axis_index("s")
    wid = s * NC + c
    pltpu.sync_copy(dst_hbm.at[pl.ds(wid * RPW1, RPW1)], dstb)

    one_v = jnp.ones((HIDDEN,), jnp.float32)
    zero_v = jnp.zeros((HIDDEN,), jnp.float32)

    def fill_ones(i, carry):
        ones[i, :] = one_v
        return carry

    lax.fori_loop(0, K, fill_ones, 0)

    def fill_zero(i, carry):
        zbuf[i, :] = zero_v
        return carry

    lax.fori_loop(0, RPT, fill_zero, 0)
    base = s * RPT
    pltpu.sync_copy(zbuf, acc.at[pl.ds(base, RPT)])
    plsc.subcore_barrier()

    def body(j, carry):
        pltpu.sync_copy(ones, acc.at[dstb.at[j]], add=True)
        return carry

    lax.fori_loop(0, RPW1, body, 0)
    plsc.subcore_barrier()
    pltpu.sync_copy(acc.at[pl.ds(base, RPT)], out_hbm.at[c, pl.ds(base, RPT)])


@functools.partial(
    pl.kernel,
    mesh=_mesh,
    compiler_params=_sc_params,
    out_type=jax.ShapeDtypeStruct((NC, NP, HIDDEN), jnp.float32),
    scratch_types=[
        pltpu.VMEM((RPW1, K), jnp.int32),
        pltpu.VMEM((RPW1, K), jnp.int32),
        pltpu.VMEM((K, HIDDEN), jnp.float32),
        pltpu.SemaphoreType.DMA,
        pltpu.VMEM_SHARED((NP, HIDDEN), jnp.float32),
    ],
)
def _agg_sc(hs_hbm, src_hbm, dst_hbm, out_hbm, srcb, dstb, rows, sem, acc):
    c = lax.axis_index("c")
    s = lax.axis_index("s")
    wid = s * NC + c
    pltpu.sync_copy(src_hbm.at[pl.ds(wid * RPW1, RPW1)], srcb)
    pltpu.sync_copy(dst_hbm.at[pl.ds(wid * RPW1, RPW1)], dstb)
    base = s * RPT
    pltpu.sync_copy(hs_hbm.at[pl.ds(base, RPT)], acc.at[pl.ds(base, RPT)])
    plsc.subcore_barrier()

    def body(j, carry):
        pltpu.async_copy(hs_hbm.at[srcb.at[j]], rows, sem).wait()
        pltpu.sync_copy(rows, acc.at[dstb.at[j]], add=True)
        return carry

    lax.fori_loop(0, RPW1, body, 0)
    plsc.subcore_barrier()
    pltpu.sync_copy(acc.at[pl.ds(base, RPT)], out_hbm.at[c, pl.ds(base, RPT)])


@functools.partial(
    pl.kernel,
    mesh=_mesh,
    compiler_params=_sc_params,
    out_type=jax.ShapeDtypeStruct((EP2,), jnp.float32),
    scratch_types=[
        pltpu.VMEM((RPW2, K), jnp.int32),
        pltpu.VMEM((RPW2, K), jnp.int32),
        pltpu.VMEM((K, HIDDEN), jnp.float32),
        pltpu.VMEM((K, HIDDEN), jnp.float32),
        pltpu.VMEM((NP,), jnp.float32),
        pltpu.VMEM((EPW2,), jnp.float32),
        pltpu.SemaphoreType.DMA,
        pltpu.SemaphoreType.DMA,
    ],
)
def _dec_sc(q_hbm, a2_hbm, p_hbm, src_hbm, tar_hbm, out_hbm,
            srcb, tarb, qb, ab, pbuf, outbuf, sem1, sem2):
    c = lax.axis_index("c")
    s = lax.axis_index("s")
    wid = s * NC + c
    pltpu.sync_copy(src_hbm.at[pl.ds(wid * RPW2, RPW2)], srcb)
    pltpu.sync_copy(tar_hbm.at[pl.ds(wid * RPW2, RPW2)], tarb)
    pltpu.sync_copy(p_hbm, pbuf)
    iota = lax.iota(jnp.int32, 16)

    def body(j, carry):
        cp1 = pltpu.async_copy(q_hbm.at[srcb.at[j]], qb, sem1)
        cp2 = pltpu.async_copy(a2_hbm.at[tarb.at[j]], ab, sem2)
        cp1.wait()
        cp2.wait()
        for g in range(K // 16):
            rows = iota + (g * 16)
            sidx = srcb[j, pl.ds(g * 16, 16)]
            tidx = tarb[j, pl.ds(g * 16, 16)]
            acc = plsc.load_gather(pbuf, [sidx]) + plsc.load_gather(pbuf, [tidx])
            for d in range(HIDDEN):
                col = jnp.full((16,), d, jnp.int32)
                qv = plsc.load_gather(qb, [rows, col])
                av = plsc.load_gather(ab, [rows, col])
                acc = acc + qv * av
            outbuf[pl.ds(j * K + g * 16, 16)] = 1.0 / (1.0 + jnp.exp(-acc))
        return carry

    lax.fori_loop(0, RPW2, body, 0)
    pltpu.sync_copy(outbuf, out_hbm.at[pl.ds(wid * EPW2, EPW2)])



def _tc_a_body(x_ref, w1_ref, dacc_ref, hs_ref, dis_ref):
    deg = dacc_ref[0, :, 0:1] + dacc_ref[1, :, 0:1] + 1.0
    dis = lax.rsqrt(deg)
    h1 = jnp.dot(x_ref[...], w1_ref[...], preferred_element_type=jnp.float32)
    hs_ref[...] = h1 * dis
    dis_ref[...] = jnp.broadcast_to(dis, (NP, HIDDEN))


_tc_a = pl.pallas_call(
    _tc_a_body,
    out_shape=[jax.ShapeDtypeStruct((NP, HIDDEN), jnp.float32),
               jax.ShapeDtypeStruct((NP, HIDDEN), jnp.float32)],
)


def _tc_b_body(acc1_ref, hs_ref, dis_ref, b1_ref, rs_ref):
    dis = dis_ref[...]
    a1 = dis * (acc1_ref[0] + acc1_ref[1] - hs_ref[...])
    r = jnp.maximum(a1 + b1_ref[...], 0.0)
    rs_ref[...] = dis * r


_tc_b = pl.pallas_call(
    _tc_b_body,
    out_shape=[jax.ShapeDtypeStruct((NP, HIDDEN), jnp.float32)],
)


def _tc_c_body(acc2_ref, rs_ref, dis_ref, w2_ref, b2_ref, q_ref, a2_ref, p_ref):
    dis = dis_ref[...]
    a2 = dis * (acc2_ref[0] + acc2_ref[1] - rs_ref[...])
    w2 = w2_ref[...]
    b2 = b2_ref[...]
    g = lax.dot_general(w2, w2, (((1,), (1,)), ((), ())),
                        preferred_element_type=jnp.float32)
    u = lax.dot_general(w2, b2, (((1,), (1,)), ((), ())),
                        preferred_element_type=jnp.float32)
    c = jnp.sum(b2 * b2)
    q_ref[...] = jnp.dot(a2, g, preferred_element_type=jnp.float32)
    a2_ref[...] = a2
    p = jnp.dot(a2, u, preferred_element_type=jnp.float32) + 0.5 * c
    p_ref[...] = jnp.broadcast_to(p, (NP, HIDDEN))


_tc_c = pl.pallas_call(
    _tc_c_body,
    out_shape=[jax.ShapeDtypeStruct((NP, HIDDEN), jnp.float32),
               jax.ShapeDtypeStruct((NP, HIDDEN), jnp.float32),
               jax.ShapeDtypeStruct((NP, HIDDEN), jnp.float32)],
)



def kernel(x, pos_edge_index, neg_edge_index, W1, b1, W2, b2):
    i32 = jnp.int32
    ps = pos_edge_index.astype(i32)
    ns = neg_edge_index.astype(i32)

    pad1 = jnp.full((EP1 - E1,), SINK, i32)
    src1 = jnp.concatenate([ps[0], pad1]).reshape(STEPS1, K)
    dst1 = jnp.concatenate([ps[1], pad1]).reshape(STEPS1, K)
    x_ext = jnp.concatenate(
        [x, jnp.zeros((NP - N_NODES, D_FEAT), x.dtype)], axis=0)

    dacc = _deg_sc(dst1)
    hs, dis16 = _tc_a(x_ext, W1, dacc)
    acc1 = _agg_sc(hs, src1, dst1)
    (rs,) = _tc_b(acc1, hs, dis16, b1.reshape(1, HIDDEN))
    acc2 = _agg_sc(rs, src1, dst1)
    q, a2, p16 = _tc_c(acc2, rs, dis16, W2, b2.reshape(1, D_FEAT))

    pad2 = jnp.full((EP2 - E2,), SINK, i32)
    src2 = jnp.concatenate([ps[0], ns[0], pad2]).reshape(STEPS2, K)
    tar2 = jnp.concatenate([ps[1], ns[1], pad2]).reshape(STEPS2, K)
    logits = _dec_sc(q, a2, p16[:, 0], src2, tar2)
    return logits[:E2][:, None]

# --- scband reference (transcript-rebuilt; emitter-appended) ---
"""Pipeline reference for scband-gnn-l-32727650795998 (READ-ONLY COPY).

The authoritative reference and input builder live on the scoring server;
editing this copy changes nothing except your own understanding.
"""

import jax, jax.numpy as jnp
import numpy as np

N_NODES = 10000
N_EDGES = 320000
D_FEAT = 128
HIDDEN = 16


def gcn_conv(x, edge_index, W, b):
    # Faithful PyG GCNConv (default: add_self_loops=True, normalize=True, bias=True)
    N = x.shape[0]
    loop = jnp.arange(N, dtype=edge_index.dtype)
    ei = jnp.concatenate([edge_index, jnp.stack([loop, loop], axis=0)], axis=1)
    src = ei[0]
    dst = ei[1]
    # linear transform first (lin has no bias in PyG GCNConv)
    h = x @ W
    # symmetric normalization: deg computed via scatter-add of edge weights (1.0) on dst
    deg = jnp.zeros((N,), dtype=x.dtype).at[dst].add(1.0)
    deg_inv_sqrt = jnp.where(deg > 0, deg ** -0.5, 0.0)
    norm = deg_inv_sqrt[src] * deg_inv_sqrt[dst]
    # gather messages from src, scale, scatter-add into dst
    msg = h[src] * norm[:, None]
    out = jnp.zeros((N, h.shape[1]), dtype=x.dtype).at[dst].add(msg)
    return out + b


def setup_inputs(seed: int = 0) -> dict:
    key = jax.random.key(seed)
    k_x, k_p, k_n, k_w1, k_b1, k_w2, k_b2 = jax.random.split(key, 7)
    x = jax.random.normal(k_x, (N_NODES, D_FEAT), dtype=jnp.float32)
    pos_edge_index = jax.random.randint(k_p, (2, N_EDGES), 0, N_NODES, dtype=jnp.int64)
    neg_edge_index = jax.random.randint(k_n, (2, N_EDGES), 0, N_NODES, dtype=jnp.int64)
    W1 = jax.random.normal(k_w1, (D_FEAT, HIDDEN), dtype=jnp.float32) * (1.0 / np.sqrt(D_FEAT))
    b1 = jnp.zeros((HIDDEN,), dtype=jnp.float32)
    W2 = jax.random.normal(k_w2, (HIDDEN, D_FEAT), dtype=jnp.float32) * (1.0 / np.sqrt(HIDDEN))
    b2 = jnp.zeros((D_FEAT,), dtype=jnp.float32)
    return {"x": x, "pos_edge_index": pos_edge_index, "neg_edge_index": neg_edge_index,
            "W1": W1, "b1": b1, "W2": W2, "b2": b2}


def reference(x, pos_edge_index, neg_edge_index, W1, b1, W2, b2):
    # GCN_Encoder
    h = gcn_conv(x, pos_edge_index, W1, b1)
    h = jax.nn.relu(h)
    z = gcn_conv(h, pos_edge_index, W2, b2)
    # Decoder: dot-product link prediction over pos + neg edges
    fwd_ei = jnp.concatenate([pos_edge_index, neg_edge_index], axis=-1)
    src = fwd_ei[0]
    tar = fwd_ei[1]
    logits = (z[src] * z[tar]).sum(axis=-1)
    logits = logits[:, None]
    return jax.nn.sigmoid(logits)

if __name__ == "__main__":
    import jax
    _d = setup_inputs()
    print(jax.jit(kernel)(*tuple(_d.values())))

</pallas_src>

<mosaic_0001>
#map = affine_map<(d0, d1) -> (0, 0)>
#map1 = affine_map<(d0, d1) -> (0)>
module attributes {stable_mosaic.version = 14 : i64} {
  func.func @_dec_sc(%arg0: i32, %arg1: i32, %arg2: memref<10240x16xf32, #tpu.memory_space<hbm>>, %arg3: memref<10240x16xf32, #tpu.memory_space<hbm>>, %arg4: memref<10240xf32, #tpu.memory_space<hbm>>, %arg5: memref<5120x128xi32, #tpu.memory_space<hbm>>, %arg6: memref<5120x128xi32, #tpu.memory_space<hbm>>, %arg7: memref<655360xf32, #tpu.memory_space<hbm>>, %arg8: memref<160x128xi32, #tpu.memory_space<vmem>>, %arg9: memref<160x128xi32, #tpu.memory_space<vmem>>, %arg10: memref<128x16xf32, #tpu.memory_space<vmem>>, %arg11: memref<128x16xf32, #tpu.memory_space<vmem>>, %arg12: memref<10240xf32, #tpu.memory_space<vmem>>, %arg13: memref<20480xf32, #tpu.memory_space<vmem>>, %arg14: memref<!tpu.dma_semaphore, #tpu.memory_space<semaphore_mem>>, %arg15: memref<!tpu.dma_semaphore, #tpu.memory_space<semaphore_mem>>) attributes {dimension_semantics = [#tpu.dimension_semantics<core_parallel>, #tpu.dimension_semantics<subcore_parallel>], iteration_bounds = array<i64: 2, 16>, scalar_prefetch = 0 : i64, scratch_operands = 8 : i64, tpu.core_type = #tpu.core_type<sc_vector_subcore>, window_params = [{transform_indices = #map}, {transform_indices = #map}, {transform_indices = #map1}, {transform_indices = #map}, {transform_indices = #map}, {transform_indices = #map1}]} {
    %mul3A = arith.constant 2 : i32
    %mul3A_0 = arith.muli %arg1, %mul3A : i32
    %add3A = arith.addi %mul3A_0, %arg0 : i32
    %mul3A_1 = arith.constant 160 : i32
    %mul3A_2 = arith.muli %add3A, %mul3A_1 : i32
    "tpu.region"() ({
      %run_scoped3A = tpu.sem_alloc : memref<!tpu.dma_semaphore, #tpu.memory_space<semaphore_mem>>
      %dma_start3A = arith.constant 0 : i32
      %dma_start3A_12 = tpu.memref_slice %arg5[%mul3A_2, %dma_start3A] : memref<5120x128xi32, #tpu.memory_space<hbm>> -> memref<160x128xi32, #tpu.memory_space<hbm>>
      %dma_start3A_13 = arith.constant 0 : i32
      %dma_start3A_14 = tpu.memref_slice %arg5[%mul3A_2, %dma_start3A_13] : memref<5120x128xi32, #tpu.memory_space<hbm>> -> memref<160x128xi32, #tpu.memory_space<hbm>>
      tpu.enqueue_dma source(%dma_start3A_14 : memref<160x128xi32, #tpu.memory_space<hbm>>) target(%arg8 : memref<160x128xi32, #tpu.memory_space<vmem>>) target_semaphore(%run_scoped3A : memref<!tpu.dma_semaphore, #tpu.memory_space<semaphore_mem>>)
      %dma_wait3A = arith.constant 0 : i32
      %dma_wait3A_15 = tpu.memref_slice %arg5[%mul3A_2, %dma_wait3A] : memref<5120x128xi32, #tpu.memory_space<hbm>> -> memref<160x128xi32, #tpu.memory_space<hbm>>
      %dma_wait3A_16 = arith.constant 0 : i32
      %dma_wait3A_17 = tpu.memref_slice %arg5[%mul3A_2, %dma_wait3A_16] : memref<5120x128xi32, #tpu.memory_space<hbm>> -> memref<160x128xi32, #tpu.memory_space<hbm>>
      tpu.wait_dma2 semaphore(%run_scoped3A : memref<!tpu.dma_semaphore, #tpu.memory_space<semaphore_mem>>) src(%dma_wait3A_17 : memref<160x128xi32, #tpu.memory_space<hbm>>) dst(%arg8 : memref<160x128xi32, #tpu.memory_space<vmem>>)
      tpu.yield
    }) : () -> ()
    %mul3A_3 = arith.constant 160 : i32
    %mul3A_4 = arith.muli %add3A, %mul3A_3 : i32
    "tpu.region"() ({
      %run_scoped3A = tpu.sem_alloc : memref<!tpu.dma_semaphore, #tpu.memory_space<semaphore_mem>>
      %dma_start3A = arith.constant 0 : i32
      %dma_start3A_12 = tpu.memref_slice %arg6[%mul3A_4, %dma_start3A] : memref<5120x128xi32, #tpu.memory_space<hbm>> -> memref<160x128xi32, #tpu.memory_space<hbm>>
      %dma_start3A_13 = arith.constant 0 : i32
      %dma_start3A_14 = tpu.memref_slice %arg6[%mul3A_4, %dma_start3A_13] : memref<5120x128xi32, #tpu.memory_space<hbm>> -> memref<160x128xi32, #tpu.memory_space<hbm>>
      tpu.enqueue_dma source(%dma_start3A_14 : memref<160x128xi32, #tpu.memory_space<hbm>>) target(%arg9 : memref<160x128xi32, #tpu.memory_space<vmem>>) target_semaphore(%run_scoped3A : memref<!tpu.dma_semaphore, #tpu.memory_space<semaphore_mem>>)
      %dma_wait3A = arith.constant 0 : i32
      %dma_wait3A_15 = tpu.memref_slice %arg6[%mul3A_4, %dma_wait3A] : memref<5120x128xi32, #tpu.memory_space<hbm>> -> memref<160x128xi32, #tpu.memory_space<hbm>>
      %dma_wait3A_16 = arith.constant 0 : i32
      %dma_wait3A_17 = tpu.memref_slice %arg6[%mul3A_4, %dma_wait3A_16] : memref<5120x128xi32, #tpu.memory_space<hbm>> -> memref<160x128xi32, #tpu.memory_space<hbm>>
      tpu.wait_dma2 semaphore(%run_scoped3A : memref<!tpu.dma_semaphore, #tpu.memory_space<semaphore_mem>>) src(%dma_wait3A_17 : memref<160x128xi32, #tpu.memory_space<hbm>>) dst(%arg9 : memref<160x128xi32, #tpu.memory_space<vmem>>)
      tpu.yield
    }) : () -> ()
    "tpu.region"() ({
      %run_scoped3A = tpu.sem_alloc : memref<!tpu.dma_semaphore, #tpu.memory_space<semaphore_mem>>
      tpu.enqueue_dma source(%arg4 : memref<10240xf32, #tpu.memory_space<hbm>>) target(%arg12 : memref<10240xf32, #tpu.memory_space<vmem>>) target_semaphore(%run_scoped3A : memref<!tpu.dma_semaphore, #tpu.memory_space<semaphore_mem>>)
      tpu.wait_dma2 semaphore(%run_scoped3A : memref<!tpu.dma_semaphore, #tpu.memory_space<semaphore_mem>>) src(%arg4 : memref<10240xf32, #tpu.memory_space<hbm>>) dst(%arg12 : memref<10240xf32, #tpu.memory_space<vmem>>)
      tpu.yield
    }) : () -> ()
    %iota3A = tpu.iota {dimensions = array<i32: 0>} : vector<16xi32>
    %scan3A = arith.constant 0 : i32
    %scan3A_5 = arith.constant 0 : i32
    %scan3A_6 = arith.constant 160 : i32
    %scan3A_7 = arith.addi %scan3A_5, %scan3A_6 : i32
    %scan3A_8 = arith.constant 1 : i32
    scf.for %scan3A_12 = %scan3A_5 to %scan3A_7 step %scan3A_8  : i32 {
      %dma_start3A = arith.constant 0 : i32
      %dma_start3A_13 = tpu.memref_slice %arg8[%scan3A_12, %dma_start3A] : memref<160x128xi32, #tpu.memory_space<vmem>> -> memref<1x128xi32, #tpu.memory_space<vmem>>
      %dma_start3A_14 = tpu.memref_squeeze %dma_start3A_13 : memref<1x128xi32, #tpu.memory_space<vmem>> -> memref<128xi32, #tpu.memory_space<vmem>>
      %dma_start3A_15 = arith.constant 0 : i32
      %dma_start3A_16 = arith.constant 0 : i32
      %dma_start3A_17 = tpu.memref_slice %arg2[%dma_start3A_15, %dma_start3A_16] : memref<10240x16xf32, #tpu.memory_space<hbm>> -> memref<10240x16xf32, #tpu.memory_space<hbm>>
      tpu.enqueue_indirect_dma source(%dma_start3A_17 : memref<10240x16xf32, #tpu.memory_space<hbm>>) target(%arg10 : memref<128x16xf32, #tpu.memory_space<vmem>>) offsets(%dma_start3A_14 : memref<128xi32, #tpu.memory_space<vmem>>) semaphore(%arg14 : memref<!tpu.dma_semaphore, #tpu.memory_space<semaphore_mem>>)
      %dma_start3A_18 = arith.constant 0 : i32
      %dma_start3A_19 = tpu.memref_slice %arg9[%scan3A_12, %dma_start3A_18] : memref<160x128xi32, #tpu.memory_space<vmem>> -> memref<1x128xi32, #tpu.memory_space<vmem>>
      %dma_start3A_20 = tpu.memref_squeeze %dma_start3A_19 : memref<1x128xi32, #tpu.memory_space<vmem>> -> memref<128xi32, #tpu.memory_space<vmem>>
      %dma_start3A_21 = arith.constant 0 : i32
      %dma_start3A_22 = arith.constant 0 : i32
      %dma_start3A_23 = tpu.memref_slice %arg3[%dma_start3A_21, %dma_start3A_22] : memref<10240x16xf32, #tpu.memory_space<hbm>> -> memref<10240x16xf32, #tpu.memory_space<hbm>>
      tpu.enqueue_indirect_dma source(%dma_start3A_23 : memref<10240x16xf32, #tpu.memory_space<hbm>>) target(%arg11 : memref<128x16xf32, #tpu.memory_space<vmem>>) offsets(%dma_start3A_20 : memref<128xi32, #tpu.memory_space<vmem>>) semaphore(%arg15 : memref<!tpu.dma_semaphore, #tpu.memory_space<semaphore_mem>>)
      %dma_wait3A = arith.constant 0 : i32
      %dma_wait3A_24 = tpu.memref_slice %arg8[%scan3A_12, %dma_wait3A] : memref<160x128xi32, #tpu.memory_space<vmem>> -> memref<1x128xi32, #tpu.memory_space<vmem>>
      %dma_wait3A_25 = tpu.memref_squeeze %dma_wait3A_24 : memref<1x128xi32, #tpu.memory_space<vmem>> -> memref<128xi32, #tpu.memory_space<vmem>>
      %dma_wait3A_26 = arith.constant 0 : i32
      %dma_wait3A_27 = arith.constant 0 : i32
      %dma_wait3A_28 = tpu.memref_slice %arg2[%dma_wait3A_26, %dma_wait3A_27] : memref<10240x16xf32, #tpu.memory_space<hbm>> -> memref<10240x16xf32, #tpu.memory_space<hbm>>
      tpu.wait_indirect_dma semaphore(%arg14 : memref<!tpu.dma_semaphore, #tpu.memory_space<semaphore_mem>>) src(%dma_wait3A_28 : memref<10240x16xf32, #tpu.memory_space<hbm>>) dst(%arg10 : memref<128x16xf32, #tpu.memory_space<vmem>>)
      %dma_wait3A_29 = arith.constant 0 : i32
      %dma_wait3A_30 = tpu.memref_slice %arg9[%scan3A_12, %dma_wait3A_29] : memref<160x128xi32, #tpu.memory_space<vmem>> -> memref<1x128xi32, #tpu.memory_space<vmem>>
      %dma_wait3A_31 = tpu.memref_squeeze %dma_wait3A_30 : memref<1x128xi32, #tpu.memory_space<vmem>> -> memref<128xi32, #tpu.memory_space<vmem>>
      %dma_wait3A_32 = arith.constant 0 : i32
      %dma_wait3A_33 = arith.constant 0 : i32
      %dma_wait3A_34 = tpu.memref_slice %arg3[%dma_wait3A_32, %dma_wait3A_33] : memref<10240x16xf32, #tpu.memory_space<hbm>> -> memref<10240x16xf32, #tpu.memory_space<hbm>>
      tpu.wait_indirect_dma semaphore(%arg15 : memref<!tpu.dma_semaphore, #tpu.memory_space<semaphore_mem>>) src(%dma_wait3A_34 : memref<10240x16xf32, #tpu.memory_space<hbm>>) dst(%arg11 : memref<128x16xf32, #tpu.memory_space<vmem>>)
      %add3A_35 = arith.constant 0 : i32
      %add3A_36 = vector.broadcast %add3A_35 : i32 to vector<16xi32>
      %add3A_37 = arith.addi %iota3A, %add3A_36 : vector<16xi32>
      %get3A = arith.index_cast %scan3A_12 : i32 to index
      %get3A_38 = arith.constant 0 : index
      %get3A_39 = tpu.vector_load %arg8[%get3A, %get3A_38] {strides = array<i32>} : memref<160x128xi32, #tpu.memory_space<vmem>>, vector<16xi32>,
      %get3A_40 = arith.index_cast %scan3A_12 : i32 to index
      %get3A_41 = arith.constant 0 : index
      %get3A_42 = tpu.vector_load %arg9[%get3A_40, %get3A_41] {strides = array<i32>} : memref<160x128xi32, #tpu.memory_space<vmem>>, vector<16xi32>,
      %gather3A = tpu.vector_load_idx %arg12[%get3A_39] : memref<10240xf32, #tpu.memory_space<vmem>>[vector<16xi32>], vector<16xf32>,
      %gather3A_43 = tpu.vector_load_idx %arg12[%get3A_42] : memref<10240xf32, #tpu.memory_space<vmem>>[vector<16xi32>], vector<16xf32>,
      %add3A_44 = arith.addf %gather3A, %gather3A_43 : vector<16xf32>
      %broadcast_in_dim3A = arith.constant 0 : i32
      %broadcast_in_dim3A_45 = vector.broadcast %broadcast_in_dim3A : i32 to vector<16xi32>
      %gather3A_46 = tpu.vector_load_idx %arg10[%add3A_37, %broadcast_in_dim3A_45] : memref<128x16xf32, #tpu.memory_space<vmem>>[vector<16xi32>, vector<16xi32>], vector<16xf32>,
      %gather3A_47 = tpu.vector_load_idx %arg11[%add3A_37, %broadcast_in_dim3A_45] : memref<128x16xf32, #tpu.memory_space<vmem>>[vector<16xi32>, vector<16xi32>], vector<16xf32>,
      %mul3A_48 = arith.mulf %gather3A_46, %gather3A_47 : vector<16xf32>
      %add3A_49 = arith.addf %add3A_44, %mul3A_48 : vector<16xf32>
      %broadcast_in_dim3A_50 = arith.constant 1 : i32
      %broadcast_in_dim3A_51 = vector.broadcast %broadcast_in_dim3A_50 : i32 to vector<16xi32>
      %gather3A_52 = tpu.vector_load_idx %arg10[%add3A_37, %broadcast_in_dim3A_51] : memref<128x16xf32, #tpu.memory_space<vmem>>[vector<16xi32>, vector<16xi32>], vector<16xf32>,
      %gather3A_53 = tpu.vector_load_idx %arg11[%add3A_37, %broadcast_in_dim3A_51] : memref<128x16xf32, #tpu.memory_space<vmem>>[vector<16xi32>, vector<16xi32>], vector<16xf32>,
      %mul3A_54 = arith.mulf %gather3A_52, %gather3A_53 : vector<16xf32>
      %add3A_55 = arith.addf %add3A_49, %mul3A_54 : vector<16xf32>
      %broadcast_in_dim3A_56 = arith.constant 2 : i32
      %broadcast_in_dim3A_57 = vector.broadcast %broadcast_in_dim3A_56 : i32 to vector<16xi32>
      %gather3A_58 = tpu.vector_load_idx %arg10[%add3A_37, %broadcast_in_dim3A_57] : memref<128x16xf32, #tpu.memory_space<vmem>>[vector<16xi32>, vector<16xi32>], vector<16xf32>,
      %gather3A_59 = tpu.vector_load_idx %arg11[%add3A_37, %broadcast_in_dim3A_57] : memref<128x16xf32, #tpu.memory_space<vmem>>[vector<16xi32>, vector<16xi32>], vector<16xf32>,
      %mul3A_60 = arith.mulf %gather3A_58, %gather3A_59 : vector<16xf32>
      %add3A_61 = arith.addf %add3A_55, %mul3A_60 : vector<16xf32>
      %broadcast_in_dim3A_62 = arith.constant 3 : i32
      %broadcast_in_dim3A_63 = vector.broadcast %broadcast_in_dim3A_62 : i32 to vector<16xi32>
      %gather3A_64 = tpu.vector_load_idx %arg10[%add3A_37, %broadcast_in_dim3A_63] : memref<128x16xf32, #tpu.memory_space<vmem>>[vector<16xi32>, vector<16xi32>], vector<16xf32>,
      %gather3A_65 = tpu.vector_load_idx %arg11[%add3A_37, %broadcast_in_dim3A_63] : memref<128x16xf32, #tpu.memory_space<vmem>>[vector<16xi32>, vector<16xi32>], vector<16xf32>,
      %mul3A_66 = arith.mulf %gather3A_64, %gather3A_65 : vector<16xf32>
      %add3A_67 = arith.addf %add3A_61, %mul3A_66 : vector<16xf32>
      %broadcast_in_dim3A_68 = arith.constant 4 : i32
      %broadcast_in_dim3A_69 = vector.broadcast %broadcast_in_dim3A_68 : i32 to vector<16xi32>
      %gather3A_70 = tpu.vector_load_idx %arg10[%add3A_37, %broadcast_in_dim3A_69] : memref<128x16xf32, #tpu.memory_space<vmem>>[vector<16xi32>, vector<16xi32>], vector<16xf32>,
      %gather3A_71 = tpu.vector_load_idx %arg11[%add3A_37, %broadcast_in_dim3A_69] : memref<128x16xf32, #tpu.memory_space<vmem>>[vector<16xi32>, vector<16xi32>], vector<16xf32>,
      %mul3A_72 = arith.mulf %gather3A_70, %gather3A_71 : vector<16xf32>
      %add3A_73 = arith.addf %add3A_67, %mul3A_72 : vector<16xf32>
      %broadcast_in_dim3A_74 = arith.constant 5 : i32
      %broadcast_in_dim3A_75 = vector.broadcast %broadcast_in_dim3A_74 : i32 to vector<16xi32>
      %gather3A_76 = tpu.vector_load_idx %arg10[%add3A_37, %broadcast_in_dim3A_75] : memref<128x16xf32, #tpu.memory_space<vmem>>[vector<16xi32>, vector<16xi32>], vector<16xf32>,
      %gather3A_77 = tpu.vector_load_idx %arg11[%add3A_37, %broadcast_in_dim3A_75] : memref<128x16xf32, #tpu.memory_space<vmem>>[vector<16xi32>, vector<16xi32>], vector<16xf32>,
      %mul3A_78 = arith.mulf %gather3A_76, %gather3A_77 : vector<16xf32>
      %add3A_79 = arith.addf %add3A_73, %mul3A_78 : vector<16xf32>
      %broadcast_in_dim3A_80 = arith.constant 6 : i32
      %broadcast_in_dim3A_81 = vector.broadcast %broadcast_in_dim3A_80 : i32 to vector<16xi32>
      %gather3A_82 = tpu.vector_load_idx %arg10[%add3A_37, %broadcast_in_dim3A_81] : memref<128x16xf32, #tpu.memory_space<vmem>>[vector<16xi32>, vector<16xi32>], vector<16xf32>,
      %gather3A_83 = tpu.vector_load_idx %arg11[%add3A_37, %broadcast_in_dim3A_81] : memref<128x16xf32, #tpu.memory_space<vmem>>[vector<16xi32>, vector<16xi32>], vector<16xf32>,
      %mul3A_84 = arith.mulf %gather3A_82, %gather3A_83 : vector<16xf32>
      %add3A_85 = arith.addf %add3A_79, %mul3A_84 : vector<16xf32>
      %broadcast_in_dim3A_86 = arith.constant 7 : i32
      %broadcast_in_dim3A_87 = vector.broadcast %broadcast_in_dim3A_86 : i32 to vector<16xi32>
      %gather3A_88 = tpu.vector_load_idx %arg10[%add3A_37, %broadcast_in_dim3A_87] : memref<128x16xf32, #tpu.memory_space<vmem>>[vector<16xi32>, vector<16xi32>], vector<16xf32>,
      %gather3A_89 = tpu.vector_load_idx %arg11[%add3A_37, %broadcast_in_dim3A_87] : memref<128x16xf32, #tpu.memory_space<vmem>>[vector<16xi32>, vector<16xi32>], vector<16xf32>,
      %mul3A_90 = arith.mulf %gather3A_88, %gather3A_89 : vector<16xf32>
      %add3A_91 = arith.addf %add3A_85, %mul3A_90 : vector<16xf32>
      %broadcast_in_dim3A_92 = arith.constant 8 : i32
      %broadcast_in_dim3A_93 = vector.broadcast %broadcast_in_dim3A_92 : i32 to vector<16xi32>
      %gather3A_94 = tpu.vector_load_idx %arg10[%add3A_37, %broadcast_in_dim3A_93] : memref<128x16xf32, #tpu.memory_space<vmem>>[vector<16xi32>, vector<16xi32>], vector<16xf32>,
      %gather3A_95 = tpu.vector_load_idx %arg11[%add3A_37, %broadcast_in_dim3A_93] : memref<128x16xf32, #tpu.memory_space<vmem>>[vector<16xi32>, vector<16xi32>], vector<16xf32>,
      %mul3A_96 = arith.mulf %gather3A_94, %gather3A_95 : vector<16xf32>
      %add3A_97 = arith.addf %add3A_91, %mul3A_96 : vector<16xf32>
      %broadcast_in_dim3A_98 = arith.constant 9 : i32
      %broadcast_in_dim3A_99 = vector.broadcast %broadcast_in_dim3A_98 : i32 to vector<16xi32>
      %gather3A_100 = tpu.vector_load_idx %arg10[%add3A_37, %broadcast_in_dim3A_99] : memref<128x16xf32, #tpu.memory_space<vmem>>[vector<16xi32>, vector<16xi32>], vector<16xf32>,
      %gather3A_101 = tpu.vector_load_idx %arg11[%add3A_37, %broadcast_in_dim3A_99] : memref<128x16xf32, #tpu.memory_space<vmem>>[vector<16xi32>, vector<16xi32>], vector<16xf32>,
      %mul3A_102 = arith.mulf %gather3A_100, %gather3A_101 : vector<16xf32>
      %add3A_103 = arith.addf %add3A_97, %mul3A_102 : vector<16xf32>
      %broadcast_in_dim3A_104 = arith.constant 10 : i32
      %broadcast_in_dim3A_105 = vector.broadcast %broadcast_in_dim3A_104 : i32 to vector<16xi32>
      %gather3A_106 = tpu.vector_load_idx %arg10[%add3A_37, %broadcast_in_dim3A_105] : memref<128x16xf32, #tpu.memory_space<vmem>>[vector<16xi32>, vector<16xi32>], vector<16xf32>,
      %gather3A_107 = tpu.vector_load_idx %arg11[%add3A_37, %broadcast_in_dim3A_105] : memref<128x16xf32, #tpu.memory_space<vmem>>[vector<16xi32>, vector<16xi32>], vector<16xf32>,
      %mul3A_108 = arith.mulf %gather3A_106, %gather3A_107 : vector<16xf32>
      %add3A_109 = arith.addf %add3A_103, %mul3A_108 : vector<16xf32>
      %broadcast_in_dim3A_110 = arith.constant 11 : i32
      %broadcast_in_dim3A_111 = vector.broadcast %broadcast_in_dim3A_110 : i32 to vector<16xi32>
      %gather3A_112 = tpu.vector_load_idx %arg10[%add3A_37, %broadcast_in_dim3A_111] : memref<128x16xf32, #tpu.memory_space<vmem>>[vector<16xi32>, vector<16xi32>], vector<16xf32>,
      %gather3A_113 = tpu.vector_load_idx %arg11[%add3A_37, %broadcast_in_dim3A_111] : memref<128x16xf32, #tpu.memory_space<vmem>>[vector<16xi32>, vector<16xi32>], vector<16xf32>,
      %mul3A_114 = arith.mulf %gather3A_112, %gather3A_113 : vector<16xf32>
      %add3A_115 = arith.addf %add3A_109, %mul3A_114 : vector<16xf32>
      %broadcast_in_dim3A_116 = arith.constant 12 : i32
      %broadcast_in_dim3A_117 = vector.broadcast %broadcast_in_dim3A_116 : i32 to vector<16xi32>
      %gather3A_118 = tpu.vector_load_idx %arg10[%add3A_37, %broadcast_in_dim3A_117] : memref<128x16xf32, #tpu.memory_space<vmem>>[vector<16xi32>, vector<16xi32>], vector<16xf32>,
      %gather3A_119 = tpu.vector_load_idx %arg11[%add3A_37, %broadcast_in_dim3A_117] : memref<128x16xf32, #tpu.memory_space<vmem>>[vector<16xi32>, vector<16xi32>], vector<16xf32>,
      %mul3A_120 = arith.mulf %gather3A_118, %gather3A_119 : vector<16xf32>
      %add3A_121 = arith.addf %add3A_115, %mul3A_120 : vector<16xf32>
      %broadcast_in_dim3A_122 = arith.constant 13 : i32
      %broadcast_in_dim3A_123 = vector.broadcast %broadcast_in_dim3A_122 : i32 to vector<16xi32>
      %gather3A_124 = tpu.vector_load_idx %arg10[%add3A_37, %broadcast_in_dim3A_123] : memref<128x16xf32, #tpu.memory_space<vmem>>[vector<16xi32>, vector<16xi32>], vector<16xf32>,
      %gather3A_125 = tpu.vector_load_idx %arg11[%add3A_37, %broadcast_in_dim3A_123] : memref<128x16xf32, #tpu.memory_space<vmem>>[vector<16xi32>, vector<16xi32>], vector<16xf32>,
      %mul3A_126 = arith.mulf %gather3A_124, %gather3A_125 : vector<16xf32>
      %add3A_127 = arith.addf %add3A_121, %mul3A_126 : vector<16xf32>
      %broadcast_in_dim3A_128 = arith.constant 14 : i32
      %broadcast_in_dim3A_129 = vector.broadcast %broadcast_in_dim3A_128 : i32 to vector<16xi32>
      %gather3A_130 = tpu.vector_load_idx %arg10[%add3A_37, %broadcast_in_dim3A_129] : memref<128x16xf32, #tpu.memory_space<vmem>>[vector<16xi32>, vector<16xi32>], vector<16xf32>,
      %gather3A_131 = tpu.vector_load_idx %arg11[%add3A_37, %broadcast_in_dim3A_129] : memref<128x16xf32, #tpu.memory_space<vmem>>[vector<16xi32>, vector<16xi32>], vector<16xf32>,
      %mul3A_132 = arith.mulf %gather3A_130, %gather3A_131 : vector<16xf32>
      %add3A_133 = arith.addf %add3A_127, %mul3A_132 : vector<16xf32>
      %broadcast_in_dim3A_134 = arith.constant 15 : i32
      %broadcast_in_dim3A_135 = vector.broadcast %broadcast_in_dim3A_134 : i32 to vector<16xi32>
      %gather3A_136 = tpu.vector_load_idx %arg10[%add3A_37, %broadcast_in_dim3A_135] : memref<128x16xf32, #tpu.memory_space<vmem>>[vector<16xi32>, vector<16xi32>], vector<16xf32>,
      %gather3A_137 = tpu.vector_load_idx %arg11[%add3A_37, %broadcast_in_dim3A_135] : memref<128x16xf32, #tpu.memory_space<vmem>>[vector<16xi32>, vector<16xi32>], vector<16xf32>,
      %mul3A_138 = arith.mulf %gather3A_136, %gather3A_137 : vector<16xf32>
      %add3A_139 = arith.addf %add3A_133, %mul3A_138 : vector<16xf32>
      %neg3A = arith.constant 0.000000e+00 : f32
      %neg3A_140 = vector.broadcast %neg3A : f32 to vector<16xf32>
      %neg3A_141 = arith.subf %neg3A_140, %add3A_139 : vector<16xf32>
      %exp3A = math.exp %neg3A_141 : vector<16xf32>
      %add3A_142 = arith.constant 1.000000e+00 : f32
      %add3A_143 = vector.broadcast %add3A_142 : f32 to vector<16xf32>
      %add3A_144 = arith.addf %add3A_143, %exp3A : vector<16xf32>
      %div3A = arith.constant 1.000000e+00 : f32
      %div3A_145 = vector.broadcast %div3A : f32 to vector<16xf32>
      %div3A_146 = arith.divf %div3A_145, %add3A_144 : vector<16xf32>
      %mul3A_147 = arith.constant 128 : i32
      %mul3A_148 = arith.muli %scan3A_12, %mul3A_147 : i32
      %add3A_149 = arith.constant 0 : i32
      %add3A_150 = arith.addi %mul3A_148, %add3A_149 : i32
      %swap3A = arith.index_cast %add3A_150 : i32 to index
      %swap3A_151 = tpu.vector_load %arg13[%swap3A] {strides = array<i32>} : memref<20480xf32, #tpu.memory_space<vmem>>, vector<16xf32>,
      tpu.vector_store %arg13[%swap3A], %div3A_146 {strides = array<i32>} : memref<20480xf32, #tpu.memory_space<vmem>>, vector<16xf32>,
      %add3A_152 = arith.constant 16 : i32
      %add3A_153 = vector.broadcast %add3A_152 : i32 to vector<16xi32>
      %add3A_154 = arith.addi %iota3A, %add3A_153 : vector<16xi32>
      %get3A_155 = arith.index_cast %scan3A_12 : i32 to index
      %get3A_156 = arith.constant 16 : index
      %get3A_157 = tpu.vector_load %arg8[%get3A_155, %get3A_156] {strides = array<i32>} : memref<160x128xi32, #tpu.memory_space<vmem>>, vector<16xi32>,
      %get3A_158 = arith.index_cast %scan3A_12 : i32 to index
      %get3A_159 = arith.constant 16 : index
      %get3A_160 = tpu.vector_load %arg9[%get3A_158, %get3A_159] {strides = array<i32>} : memref<160x128xi32, #tpu.memory_space<vmem>>, vector<16xi32>,
      %gather3A_161 = tpu.vector_load_idx %arg12[%get3A_157] : memref<10240xf32, #tpu.memory_space<vmem>>[vector<16xi32>], vector<16xf32>,
      %gather3A_162 = tpu.vector_load_idx %arg12[%get3A_160] : memref<10240xf32, #tpu.memory_space<vmem>>[vector<16xi32>], vector<16xf32>,
      %add3A_163 = arith.addf %gather3A_161, %gather3A_162 : vector<16xf32>
      %broadcast_in_dim3A_164 = arith.constant 0 : i32
      %broadcast_in_dim3A_165 = vector.broadcast %broadcast_in_dim3A_164 : i32 to vector<16xi32>
      %gather3A_166 = tpu.vector_load_idx %arg10[%add3A_154, %broadcast_in_dim3A_165] : memref<128x16xf32, #tpu.memory_space<vmem>>[vector<16xi32>, vector<16xi32>], vector<16xf32>,
      %gather3A_167 = tpu.vector_load_idx %arg11[%add3A_154, %broadcast_in_dim3A_165] : memref<128x16xf32, #tpu.memory_space<vmem>>[vector<16xi32>, vector<16xi32>], vector<16xf32>,
      %mul3A_168 = arith.mulf %gather3A_166, %gather3A_167 : vector<16xf32>
      %add3A_169 = arith.addf %add3A_163, %mul3A_168 : vector<16xf32>
      %broadcast_in_dim3A_170 = arith.constant 1 : i32
      %broadcast_in_dim3A_171 = vector.broadcast %broadcast_in_dim3A_170 : i32 to vector<16xi32>
      %gather3A_172 = tpu.vector_load_idx %arg10[%add3A_154, %broadcast_in_dim3A_171] : memref<128x16xf32, #tpu.memory_space<vmem>>[vector<16xi32>, vector<16xi32>], vector<16xf32>,
      %gather3A_173 = tpu.vector_load_idx %arg11[%add3A_154, %broadcast_in_dim3A_171] : memref<128x16xf32, #tpu.memory_space<vmem>>[vector<16xi32>, vector<16xi32>], vector<16xf32>,
      %mul3A_174 = arith.mulf %gather3A_172, %gather3A_173 : vector<16xf32>
      %add3A_175 = arith.addf %add3A_169, %mul3A_174 : vector<16xf32>
      %broadcast_in_dim3A_176 = arith.constant 2 : i32
      %broadcast_in_dim3A_177 = vector.broadcast %broadcast_in_dim3A_176 : i32 to vector<16xi32>
      %gather3A_178 = tpu.vector_load_idx %arg10[%add3A_154, %broadcast_in_dim3A_177] : memref<128x16xf32, #tpu.memory_space<vmem>>[vector<16xi32>, vector<16xi32>], vector<16xf32>,
      %gather3A_179 = tpu.vector_load_idx %arg11[%add3A_154, %broadcast_in_dim3A_177] : memref<128x16xf32, #tpu.memory_space<vmem>>[vector<16xi32>, vector<16xi32>], vector<16xf32>,
      %mul3A_180 = arith.mulf %gather3A_178, %gather3A_179 : vector<16xf32>
      %add3A_181 = arith.addf %add3A_175, %mul3A_180 : vector<16xf32>
      %broadcast_in_dim3A_182 = arith.constant 3 : i32
      %broadcast_in_dim3A_183 = vector.broadcast %broadcast_in_dim3A_182 : i32 to vector<16xi32>
      %gather3A_184 = tpu.vector_load_idx %arg10[%add3A_154, %broadcast_in_dim3A_183] : memref<128x16xf32, #tpu.memory_space<vmem>>[vector<16xi32>, vector<16xi32>], vector<16xf32>,
      %gather3A_185 = tpu.vector_load_idx %arg11[%add3A_154, %broadcast_in_dim3A_183] : memref<128x16xf32, #tpu.memory_space<vmem>>[vector<16xi32>, vector<16xi32>], vector<16xf32>,
      %mul3A_186 = arith.mulf %gather3A_184, %gather3A_185 : vector<16xf32>
      %add3A_187 = arith.addf %add3A_181, %mul3A_186 : vector<16xf32>
      %broadcast_in_dim3A_188 = arith.constant 4 : i32
      %broadcast_in_dim3A_189 = vector.broadcast %broadcast_in_dim3A_188 : i32 to vector<16xi32>
      %gather3A_190 = tpu.vector_load_idx %arg10[%add3A_154, %broadcast_in_dim3A_189] : memref<128x16xf32, #tpu.memory_space<vmem>>[vector<16xi32>, vector<16xi32>], vector<16xf32>,
      %gather3A_191 = tpu.vector_load_idx %arg11[%add3A_154, %broadcast_in_dim3A_189] : memref<128x16xf32, #tpu.memory_space<vmem>>[vector<16xi32>, vector<16xi32>], vector<16xf32>,
      %mul3A_192 = arith.mulf %gather3A_190, %gather3A_191 : vector<16xf32>
      %add3A_193 = arith.addf %add3A_187, %mul3A_192 : vector<16xf32>
      %broadcast_in_dim3A_194 = arith.constant 5 : i32
      %broadcast_in_dim3A_195 = vector.broadcast %broadcast_in_dim3A_194 : i32 to vector<16xi32>
      %gather3A_196 = tpu.vector_load_idx %arg10[%add3A_154, %broadcast_in_dim3A_195] : memref<128x16xf32, #tpu.memory_space<vmem>>[vector<16xi32>, vector<16xi32>], vector<16xf32>,
      %gather3A_197 = tpu.vector_load_idx %arg11[%add3A_154, %broadcast_in_dim3A_195] : memref<128x16xf32, #tpu.memory_space<vmem>>[vector<16xi32>, vector<16xi32>], vector<16xf32>,
      %mul3A_198 = arith.mulf %gather3A_196, %gather3A_197 : vector<16xf32>
      %add3A_199 = arith.addf %add3A_193, %mul3A_198 : vector<16xf32>
      %broadcast_in_dim3A_200 = arith.constant 6 : i32
      %broadcast_in_dim3A_201 = vector.broadcast %broadcast_in_dim3A_200 : i32 to vector<16xi32>
      %gather3A_202 = tpu.vector_load_idx %arg10[%add3A_154, %broadcast_in_dim3A_201] : memref<128x16xf32, #tpu.memory_space<vmem>>[vector<16xi32>, vector<16xi32>], vector<16xf32>,
      %gather3A_203 = tpu.vector_load_idx %arg11[%add3A_154, %broadcast_in_dim3A_201] : memref<128x16xf32, #tpu.memory_space<vmem>>[vector<16xi32>, vector<16xi32>], vector<16xf32>,
      %mul3A_204 = arith.mulf %gather3A_202, %gather3A_203 : vector<16xf32>
      %add3A_205 = arith.addf %add3A_199, %mul3A_204 : vector<16xf32>
      %broadcast_in_dim3A_206 = arith.constant 7 : i32
      %broadcast_in_dim3A_207 = vector.broadcast %broadcast_in_dim3A_206 : i32 to vector<16xi32>
      %gather3A_208 = tpu.vector_load_idx %arg10[%add3A_154, %broadcast_in_dim3A_207] : memref<128x16xf32, #tpu.memory_space<vmem>>[vector<16xi32>, vector<16xi32>], vector<16xf32>,
      %gather3A_209 = tpu.vector_load_idx %arg11[%add3A_154, %broadcast_in_dim3A_207] : memref<128x16xf32, #tpu.memory_space<vmem>>[vector<16xi32>, vector<16xi32>], vector<16xf32>,
      %mul3A_210 = arith.mulf %gather3A_208, %gather3A_209 : vector<16xf32>
      %add3A_211 = arith.addf %add3A_205, %mul3A_210 : vector<16xf32>
      %broadcast_in_dim3A_212 = arith.constant 8 : i32
      %broadcast_in_dim3A_213 = vector.broadcast %broadcast_in_dim3A_212 : i32 to vector<16xi32>
      %gather3A_214 = tpu.vector_load_idx %arg10[%add3A_154, %broadcast_in_dim3A_213] : memref<128x16xf32, #tpu.memory_space<vmem>>[vector<16xi32>, vector<16xi32>], vector<16xf32>,
      %gather3A_215 = tpu.vector_load_idx %arg11[%add3A_154, %broadcast_in_dim3A_213] : memref<128x16xf32, #tpu.memory_space<vmem>>[vector<16xi32>, vector<16xi32>], vector<16xf32>,
      %mul3A_216 = arith.mulf %gather3A_214, %gather3A_215 : vector<16xf32>
      %add3A_217 = arith.addf %add3A_211, %mul3A_216 : vector<16xf32>
      %broadcast_in_dim3A_218 = arith.constant 9 : i32
      %broadcast_in_dim3A_219 = vector.broadcast %broadcast_in_dim3A_218 : i32 to vector<16xi32>
      %gather3A_220 = tpu.vector_load_idx %arg10[%add3A_154, %broadcast_in_dim3A_219] : memref<128x16xf32, #tpu.memory_space<vmem>>[vector<16xi32>, vector<16xi32>], vector<16xf32>,
      %gather3A_221 = tpu.vector_load_idx %arg11[%add3A_154, %broadcast_in_dim3A_219] : memref<128x16xf32, #tpu.memory_space<vmem>>[vector<16xi32>, vector<16xi32>], vector<16xf32>,
      %mul3A_222 = arith.mulf %gather3A_220, %gather3A_221 : vector<16xf32>
      %add3A_223 = arith.addf %add3A_217, %mul3A_222 : vector<16xf32>
      %broadcast_in_dim3A_224 = arith.constant 10 : i32
      %broadcast_in_dim3A_225 = vector.broadcast %broadcast_in_dim3A_224 : i32 to vector<16xi32>
      %gather3A_226 = tpu.vector_load_idx %arg10[%add3A_154, %broadcast_in_dim3A_225] : memref<128x16xf32, #tpu.memory_space<vmem>>[vector<16xi32>, vector<16xi32>], vector<16xf32>,
      %gather3A_227 = tpu.vector_load_idx %arg11[%add3A_154, %broadcast_in_dim3A_225] : memref<128x16xf32, #tpu.memory_space<vmem>>[vector<16xi32>, vector<16xi32>], vector<16xf32>,
      %mul3A_228 = arith.mulf %gather3A_226, %gather3A_227 : vector<16xf32>
      %add3A_229 = arith.addf %add3A_223, %mul3A_228 : vector<16xf32>
      %broadcast_in_dim3A_230 = arith.constant 11 : i32
      %broadcast_in_dim3A_231 = vector.broadcast %broadcast_in_dim3A_230 : i32 to vector<16xi32>
      %gather3A_232 = tpu.vector_load_idx %arg10[%add3A_154, %broadcast_in_dim3A_231] : memref<128x16xf32, #tpu.memory_space<vmem>>[vector<16xi32>, vector<16xi32>], vector<16xf32>,
      %gather3A_233 = tpu.vector_load_idx %arg11[%add3A_154, %broadcast_in_dim3A_231] : memref<128x16xf32, #tpu.memory_space<vmem>>[vector<16xi32>, vector<16xi32>], vector<16xf32>,
      %mul3A_234 = arith.mulf %gather3A_232, %gather3A_233 : vector<16xf32>
      %add3A_235 = arith.addf %add3A_229, %mul3A_234 : vector<16xf32>
      %broadcast_in_dim3A_236 = arith.constant 12 : i32
      %broadcast_in_dim3A_237 = vector.broadcast %broadcast_in_dim3A_236 : i32 to vector<16xi32>
      %gather3A_238 = tpu.vector_load_idx %arg10[%add3A_154, %broadcast_in_dim3A_237] : memref<128x16xf32, #tpu.memory_space<vmem>>[vector<16xi32>, vector<16xi32>], vector<16xf32>,
      %gather3A_239 = tpu.vector_load_idx %arg11[%add3A_154, %broadcast_in_dim3A_237] : memref<128x16xf32, #tpu.memory_space<vmem>>[vector<16xi32>, vector<16xi32>], vector<16xf32>,
      %mul3A_240 = arith.mulf %gather3A_238, %gather3A_239 : vector<16xf32>
      %add3A_241 = arith.addf %add3A_235, %mul3A_240 : vector<16xf32>
      %broadcast_in_dim3A_242 = arith.constant 13 : i32
      %broadcast_in_dim3A_243 = vector.broadcast %broadcast_in_dim3A_242 : i32 to vector<16xi32>
      %gather3A_244 = tpu.vector_load_idx %arg10[%add3A_154, %broadcast_in_dim3A_243] : memref<128x16xf32, #tpu.memory_space<vmem>>[vector<16xi32>, vector<16xi32>], vector<16xf32>,
      %gather3A_245 = tpu.vector_load_idx %arg11[%add3A_154, %broadcast_in_dim3A_243] : memref<128x16xf32, #tpu.memory_space<vmem>>[vector<16xi32>, vector<16xi32>], vector<16xf32>,
      %mul3A_246 = arith.mulf %gather3A_244, %gather3A_245 : vector<16xf32>
      %add3A_247 = arith.addf %add3A_241, %mul3A_246 : vector<16xf32>
      %broadcast_in_dim3A_248 = arith.constant 14 : i32
      %broadcast_in_dim3A_249 = vector.broadcast %broadcast_in_dim3A_248 : i32 to vector<16xi32>
      %gather3A_250 = tpu.vector_load_idx %arg10[%add3A_154, %broadcast_in_dim3A_249] : memref<128x16xf32, #tpu.memory_space<vmem>>[vector<16xi32>, vector<16xi32>], vector<16xf32>,
      %gather3A_251 = tpu.vector_load_idx %arg11[%add3A_154, %broadcast_in_dim3A_249] : memref<128x16xf32, #tpu.memory_space<vmem>>[vector<16xi32>, vector<16xi32>], vector<16xf32>,
      %mul3A_252 = arith.mulf %gather3A_250, %gather3A_251 : vector<16xf32>
      %add3A_253 = arith.addf %add3A_247, %mul3A_252 : vector<16xf32>
      %broadcast_in_dim3A_254 = arith.constant 15 : i32
      %broadcast_in_dim3A_255 = vector.broadcast %broadcast_in_dim3A_254 : i32 to vector<16xi32>
      %gather3A_256 = tpu.vector_load_idx %arg10[%add3A_154, %broadcast_in_dim3A_255] : memref<128x16xf32, #tpu.memory_space<vmem>>[vector<16xi32>, vector<16xi32>], vector<16xf32>,
      %gather3A_257 = tpu.vector_load_idx %arg11[%add3A_154, %broadcast_in_dim3A_255] : memref<128x16xf32, #tpu.memory_space<vmem>>[vector<16xi32>, vector<16xi32>], vector<16xf32>,
      %mul3A_258 = arith.mulf %gather3A_256, %gather3A_257 : vector<16xf32>
      %add3A_259 = arith.addf %add3A_253, %mul3A_258 : vector<16xf32>
      %neg3A_260 = arith.constant 0.000000e+00 : f32
      %neg3A_261 = vector.broadcast %neg3A_260 : f32 to vector<16xf32>
      %neg3A_262 = arith.subf %neg3A_261, %add3A_259 : vector<16xf32>
      %exp3A_263 = math.exp %neg3A_262 : vector<16xf32>
      %add3A_264 = arith.constant 1.000000e+00 : f32
      %add3A_265 = vector.broadcast %add3A_264 : f32 to vector<16xf32>
      %add3A_266 = arith.addf %add3A_265, %exp3A_263 : vector<16xf32>
      %div3A_267 = arith.constant 1.000000e+00 : f32
      %div3A_268 = vector.broadcast %div3A_267 : f32 to vector<16xf32>
      %div3A_269 = arith.divf %div3A_268, %add3A_266 : vector<16xf32>
      %mul3A_270 = arith.constant 128 : i32
      %mul3A_271 = arith.muli %scan3A_12, %mul3A_270 : i32
      %add3A_272 = arith.constant 16 : i32
      %add3A_273 = arith.addi %mul3A_271, %add3A_272 : i32
      %swap3A_274 = arith.index_cast %add3A_273 : i32 to index
      %swap3A_275 = tpu.vector_load %arg13[%swap3A_274] {strides = array<i32>} : memref<20480xf32, #tpu.memory_space<vmem>>, vector<16xf32>,
      tpu.vector_store %arg13[%swap3A_274], %div3A_269 {strides = array<i32>} : memref<20480xf32, #tpu.memory_space<vmem>>, vector<16xf32>,
      %add3A_276 = arith.constant 32 : i32
      %add3A_277 = vector.broadcast %add3A_276 : i32 to vector<16xi32>
      %add3A_278 = arith.addi %iota3A, %add3A_277 : vector<16xi32>
      %get3A_279 = arith.index_cast %scan3A_12 : i32 to index
      %get3A_280 = arith.constant 32 : index
      %get3A_281 = tpu.vector_load %arg8[%get3A_279, %get3A_280] {strides = array<i32>} : memref<160x128xi32, #tpu.memory_space<vmem>>, vector<16xi32>,
      %get3A_282 = arith.index_cast %scan3A_12 : i32 to index
      %get3A_283 = arith.constant 32 : index
      %get3A_284 = tpu.vector_load %arg9[%get3A_282, %get3A_283] {strides = array<i32>} : memref<160x128xi32, #tpu.memory_space<vmem>>, vector<16xi32>,
      %gather3A_285 = tpu.vector_load_idx %arg12[%get3A_281] : memref<10240xf32, #tpu.memory_space<vmem>>[vector<16xi32>], vector<16xf32>,
      %gather3A_286 = tpu.vector_load_idx %arg12[%get3A_284] : memref<10240xf32, #tpu.memory_space<vmem>>[vector<16xi32>], vector<16xf32>,
      %add3A_287 = arith.addf %gather3A_285, %gather3A_286 : vector<16xf32>
      %broadcast_in_dim3A_288 = arith.constant 0 : i32
      %broadcast_in_dim3A_289 = vector.broadcast %broadcast_in_dim3A_288 : i32 to vector<16xi32>
      %gather3A_290 = tpu.vector_load_idx %arg10[%add3A_278, %broadcast_in_dim3A_289] : memref<128x16xf32, #tpu.memory_space<vmem>>[vector<16xi32>, vector<16xi32>], vector<16xf32>,
      %gather3A_291 = tpu.vector_load_idx %arg11[%add3A_278, %broadcast_in_dim3A_289] : memref<128x16xf32, #tpu.memory_space<vmem>>[vector<16xi32>, vector<16xi32>], vector<16xf32>,
      %mul3A_292 = arith.mulf %gather3A_290, %gather3A_291 : vector<16xf32>
      %add3A_293 = arith.addf %add3A_287, %mul3A_292 : vector<16xf32>
      %broadcast_in_dim3A_294 = arith.constant 1 : i32
      %broadcast_in_dim3A_295 = vector.broadcast %broadcast_in_dim3A_294 : i32 to vector<16xi32>
      %gather3A_296 = tpu.vector_load_idx %arg10[%add3A_278, %broadcast_in_dim3A_295] : memref<128x16xf32, #tpu.memory_space<vmem>>[vector<16xi32>, vector<16xi32>], vector<16xf32>,
      %gather3A_297 = tpu.vector_load_idx %arg11[%add3A_278, %broadcast_in_dim3A_295] : memref<128x16xf32, #tpu.memory_space<vmem>>[vector<16xi32>, vector<16xi32>], vector<16xf32>,
      %mul3A_298 = arith.mulf %gather3A_296, %gather3A_297 : vector<16xf32>
      %add3A_299 = arith.addf %add3A_293, %mul3A_298 : vector<16xf32>
      %broadcast_in_dim3A_300 = arith.constant 2 : i32
      %broadcast_in_dim3A_301 = vector.broadcast %broadcast_in_dim3A_300 : i32 to vector<16xi32>
      %gather3A_302 = tpu.vector_load_idx %arg10[%add3A_278, %broadcast_in_dim3A_301] : memref<128x16xf32, #tpu.memory_space<vmem>>[vector<16xi32>, vector<16xi32>], vector<16xf32>,
      %gather3A_303 = tpu.vector_load_idx %arg11[%add3A_278, %broadcast_in_dim3A_301] : memref<128x16xf32, #tpu.memory_space<vmem>>[vector<16xi32>, vector<16xi32>], vector<16xf32>,
      %mul3A_304 = arith.mulf %gather3A_302, %gather3A_303 : vector<16xf32>
      %add3A_305 = arith.addf %add3A_299, %mul3A_304 : vector<16xf32>
      %broadcast_in_dim3A_306 = arith.constant 3 : i32
      %broadcast_in_dim3A_307 = vector.broadcast %broadcast_in_dim3A_306 : i32 to vector<16xi32>
      %gather3A_308 = tpu.vector_load_idx %arg10[%add3A_278, %broadcast_in_dim3A_307] : memref<128x16xf32, #tpu.memory_space<vmem>>[vector<16xi32>, vector<16xi32>], vector<16xf32>,
      %gather3A_309 = tpu.vector_load_idx %arg11[%add3A_278, %broadcast_in_dim3A_307] : memref<128x16xf32, #tpu.memory_space<vmem>>[vector<16xi32>, vector<16xi32>], vector<16xf32>,
      %mul3A_310 = arith.mulf %gather3A_308, %gather3A_309 : vector<16xf32>
      %add3A_311 = arith.addf %add3A_305, %mul3A_310 : vector<16xf32>
      %broadcast_in_dim3A_312 = arith.constant 4 : i32
      %broadcast_in_dim3A_313 = vector.broadcast %broadcast_in_dim3A_312 : i32 to vector<16xi32>
      %gather3A_314 = tpu.vector_load_idx %arg10[%add3A_278, %broadcast_in_dim3A_313] : memref<128x16xf32, #tpu.memory_space<vmem>>[vector<16xi32>, vector<16xi32>], vector<16xf32>,
      %gather3A_315 = tpu.vector_load_idx %arg11[%add3A_278, %broadcast_in_dim3A_313] : memref<128x16xf32, #tpu.memory_space<vmem>>[vector<16xi32>, vector<16xi32>], vector<16xf32>,
      %mul3A_316 = arith.mulf %gather3A_314, %gather3A_315 : vector<16xf32>
      %add3A_317 = arith.addf %add3A_311, %mul3A_316 : vector<16xf32>
      %broadcast_in_dim3A_318 = arith.constant 5 : i32
      %broadcast_in_dim3A_319 = vector.broadcast %broadcast_in_dim3A_318 : i32 to vector<16xi32>
      %gather3A_320 = tpu.vector_load_idx %arg10[%add3A_278, %broadcast_in_dim3A_319] : memref<128x16xf32, #tpu.memory_space<vmem>>[vector<16xi32>, vector<16xi32>], vector<16xf32>,
      %gather3A_321 = tpu.vector_load_idx %arg11[%add3A_278, %broadcast_in_dim3A_319] : memref<128x16xf32, #tpu.memory_space<vmem>>[vector<16xi32>, vector<16xi32>], vector<16xf32>,
      %mul3A_322 = arith.mulf %gather3A_320, %gather3A_321 : vector<16xf32>
      %add3A_323 = arith.addf %add3A_317, %mul3A_322 : vector<16xf32>
      %broadcast_in_dim3A_324 = arith.constant 6 : i32
      %broadcast_in_dim3A_325 = vector.broadcast %broadcast_in_dim3A_324 : i32 to vector<16xi32>
      %gather3A_326 = tpu.vector_load_idx %arg10[%add3A_278, %broadcast_in_dim3A_325] : memref<128x16xf32, #tpu.memory_space<vmem>>[vector<16xi32>, vector<16xi32>], vector<16xf32>,
      %gather3A_327 = tpu.vector_load_idx %arg11[%add3A_278, %broadcast_in_dim3A_325] : memref<128x16xf32, #tpu.memory_space<vmem>>[vector<16xi32>, vector<16xi32>], vector<16xf32>,
      %mul3A_328 = arith.mulf %gather3A_326, %gather3A_327 : vector<16xf32>
      %add3A_329 = arith.addf %add3A_323, %mul3A_328 : vector<16xf32>
      %broadcast_in_dim3A_330 = arith.constant 7 : i32
      %broadcast_in_dim3A_331 = vector.broadcast %broadcast_in_dim3A_330 : i32 to vector<16xi32>
      %gather3A_332 = tpu.vector_load_idx %arg10[%add3A_278, %broadcast_in_dim3A_331] : memref<128x16xf32, #tpu.memory_space<vmem>>[vector<16xi32>, vector<16xi32>], vector<16xf32>,
      %gather3A_333 = tpu.vector_load_idx %arg11[%add3A_278, %broadcast_in_dim3A_331] : memref<128x16xf32, #tpu.memory_space<vmem>>[vector<16xi32>, vector<16xi32>], vector<16xf32>,
      %mul3A_334 = arith.mulf %gather3A_332, %gather3A_333 : vector<16xf32>
      %add3A_335 = arith.addf %add3A_329, %mul3A_334 : vector<16xf32>
      %broadcast_in_dim3A_336 = arith.constant 8 : i32
      %broadcast_in_dim3A_337 = vector.broadcast %broadcast_in_dim3A_336 : i32 to vector<16xi32>
      %gather3A_338 = tpu.vector_load_idx %arg10[%add3A_278, %broadcast_in_dim3A_337] : memref<128x16xf32, #tpu.memory_space<vmem>>[vector<16xi32>, vector<16xi32>], vector<16xf32>,
      %gather3A_339 = tpu.vector_load_idx %arg11[%add3A_278, %broadcast_in_dim3A_337] : memref<128x16xf32, #tpu.memory_space<vmem>>[vector<16xi32>, vector<16xi32>], vector<16xf32>,
      %mul3A_340 = arith.mulf %gather3A_338, %gather3A_339 : vector<16xf32>
      %add3A_341 = arith.addf %add3A_335, %mul3A_340 : vector<16xf32>
      %broadcast_in_dim3A_342 = arith.constant 9 : i32
      %broadcast_in_dim3A_343 = vector.broadcast %broadcast_in_dim3A_342 : i32 to vector<16xi32>
      %gather3A_344 = tpu.vector_load_idx %arg10[%add3A_278, %broadcast_in_dim3A_343] : memref<128x16xf32, #tpu.memory_space<vmem>>[vector<16xi32>, vector<16xi32>], vector<16xf32>,
      %gather3A_345 = tpu.vector_load_idx %arg11[%add3A_278, %broadcast_in_dim3A_343] : memref<128x16xf32, #tpu.memory_space<vmem>>[vector<16xi32>, vector<16xi32>], vector<16xf32>,
      %mul3A_346 = arith.mulf %gather3A_344, %gather3A_345 : vector<16xf32>
      %add3A_347 = arith.addf %add3A_341, %mul3A_346 : vector<16xf32>
      %broadcast_in_dim3A_348 = arith.constant 10 : i32
      %broadcast_in_dim3A_349 = vector.broadcast %broadcast_in_dim3A_348 : i32 to vector<16xi32>
      %gather3A_350 = tpu.vector_load_idx %arg10[%add3A_278, %broadcast_in_dim3A_349] : memref<128x16xf32, #tpu.memory_space<vmem>>[vector<16xi32>, vector<16xi32>], vector<16xf32>,
      %gather3A_351 = tpu.vector_load_idx %arg11[%add3A_278, %broadcast_in_dim3A_349] : memref<128x16xf32, #tpu.memory_space<vmem>>[vector<16xi32>, vector<16xi32>], vector<16xf32>,
      %mul3A_352 = arith.mulf %gather3A_350, %gather3A_351 : vector<16xf32>
      %add3A_353 = arith.addf %add3A_347, %mul3A_352 : vector<16xf32>
      %broadcast_in_dim3A_354 = arith.constant 11 : i32
      %broadcast_in_dim3A_355 = vector.broadcast %broadcast_in_dim3A_354 : i32 to vector<16xi32>
      %gather3A_356 = tpu.vector_load_idx %arg10[%add3A_278, %broadcast_in_dim3A_355] : memref<128x16xf32, #tpu.memory_space<vmem>>[vector<16xi32>, vector<16xi32>], vector<16xf32>,
      %gather3A_357 = tpu.vector_load_idx %arg11[%add3A_278, %broadcast_in_dim3A_355] : memref<128x16xf32, #tpu.memory_space<vmem>>[vector<16xi32>, vector<16xi32>], vector<16xf32>,
      %mul3A_358 = arith.mulf %gather3A_356, %gather3A_357 : vector<16xf32>
      %add3A_359 = arith.addf %add3A_353, %mul3A_358 : vector<16xf32>
      %broadcast_in_dim3A_360 = arith.constant 12 : i32
      %broadcast_in_dim3A_361 = vector.broadcast %broadcast_in_dim3A_360 : i32 to vector<16xi32>
      %gather3A_362 = tpu.vector_load_idx %arg10[%add3A_278, %broadcast_in_dim3A_361] : memref<128x16xf32, #tpu.memory_space<vmem>>[vector<16xi32>, vector<16xi32>], vector<16xf32>,
      %gather3A_363 = tpu.vector_load_idx %arg11[%add3A_278, %broadcast_in_dim3A_361] : memref<128x16xf32, #tpu.memory_space<vmem>>[vector<16xi32>, vector<16xi32>], vector<16xf32>,
      %mul3A_364 = arith.mulf %gather3A_362, %gather3A_363 : vector<16xf32>
      %add3A_365 = arith.addf %add3A_359, %mul3A_364 : vector<16xf32>
      %broadcast_in_dim3A_366 = arith.constant 13 : i32
      %broadcast_in_dim3A_367 = vector.broadcast %broadcast_in_dim3A_366 : i32 to vector<16xi32>
      %gather3A_368 = tpu.vector_load_idx %arg10[%add3A_278, %broadcast_in_dim3A_367] : memref<128x16xf32, #tpu.memory_space<vmem>>[vector<16xi32>, vector<16xi32>], vector<16xf32>,
      %gather3A_369 = tpu.vector_load_idx %arg11[%add3A_278, %broadcast_in_dim3A_367] : memref<128x16xf32, #tpu.memory_space<vmem>>[vector<16xi32>, vector<16xi32>], vector<16xf32>,
      %mul3A_370 = arith.mulf %gather3A_368, %gather3A_369 : vector<16xf32>
      %add3A_371 = arith.addf %add3A_365, %mul3A_370 : vector<16xf32>
      %broadcast_in_dim3A_372 = arith.constant 14 : i32
      %broadcast_in_dim3A_373 = vector.broadcast %broadcast_in_dim3A_372 : i32 to vector<16xi32>
      %gather3A_374 = tpu.vector_load_idx %arg10[%add3A_278, %broadcast_in_dim3A_373] : memref<128x16xf32, #tpu.memory_space<vmem>>[vector<16xi32>, vector<16xi32>], vector<16xf32>,
      %gather3A_375 = tpu.vector_load_idx %arg11[%add3A_278, %broadcast_in_dim3A_373] : memref<128x16xf32, #tpu.memory_space<vmem>>[vector<16xi32>, vector<16xi32>], vector<16xf32>,
      %mul3A_376 = arith.mulf %gather3A_374, %gather3A_375 : vector<16xf32>
      %add3A_377 = arith.addf %add3A_371, %mul3A_376 : vector<16xf32>
      %broadcast_in_dim3A_378 = arith.constant 15 : i32
      %broadcast_in_dim3A_379 = vector.broadcast %broadcast_in_dim3A_378 : i32 to vector<16xi32>
      %gather3A_380 = tpu.vector_load_idx %arg10[%add3A_278, %broadcast_in_dim3A_379] : memref<128x16xf32, #tpu.memory_space<vmem>>[vector<16xi32>, vector<16xi32>], vector<16xf32>,
      %gather3A_381 = tpu.vector_load_idx %arg11[%add3A_278, %broadcast_in_dim3A_379] : memref<128x16xf32, #tpu.memory_space<vmem>>[vector<16xi32>, vector<16xi32>], vector<16xf32>,
      %mul3A_382 = arith.mulf %gather3A_380, %gather3A_381 : vector<16xf32>
      %add3A_383 = arith.addf %add3A_377, %mul3A_382 : vector<16xf32>
      %neg3A_384 = arith.constant 0.000000e+00 : f32
      %neg3A_385 = vector.broadcast %neg3A_384 : f32 to vector<16xf32>
      %neg3A_386 = arith.subf %neg3A_385, %add3A_383 : vector<16xf32>
      %exp3A_387 = math.exp %neg3A_386 : vector<16xf32>
      %add3A_388 = arith.constant 1.000000e+00 : f32
      %add3A_389 = vector.broadcast %add3A_388 : f32 to vector<16xf32>
      %add3A_390 = arith.addf %add3A_389, %exp3A_387 : vector<16xf32>
      %div3A_391 = arith.constant 1.000000e+00 : f32
      %div3A_392 = vector.broadcast %div3A_391 : f32 to vector<16xf32>
      %div3A_393 = arith.divf %div3A_392, %add3A_390 : vector<16xf32>
      %mul3A_394 = arith.constant 128 : i32
      %mul3A_395 = arith.muli %scan3A_12, %mul3A_394 : i32
      %add3A_396 = arith.constant 32 : i32
      %add3A_397 = arith.addi %mul3A_395, %add3A_396 : i32
      %swap3A_398 = arith.index_cast %add3A_397 : i32 to index
      %swap3A_399 = tpu.vector_load %arg13[%swap3A_398] {strides = array<i32>} : memref<20480xf32, #tpu.memory_space<vmem>>, vector<16xf32>,
      tpu.vector_store %arg13[%swap3A_398], %div3A_393 {strides = array<i32>} : memref<20480xf32, #tpu.memory_space<vmem>>, vector<16xf32>,
      %add3A_400 = arith.constant 48 : i32
      %add3A_401 = vector.broadcast %add3A_400 : i32 to vector<16xi32>
      %add3A_402 = arith.addi %iota3A, %add3A_401 : vector<16xi32>
      %get3A_403 = arith.index_cast %scan3A_12 : i32 to index
      %get3A_404 = arith.constant 48 : index
      %get3A_405 = tpu.vector_load %arg8[%get3A_403, %get3A_404] {strides = array<i32>} : memref<160x128xi32, #tpu.memory_space<vmem>>, vector<16xi32>,
      %get3A_406 = arith.index_cast %scan3A_12 : i32 to index
      %get3A_407 = arith.constant 48 : index
      %get3A_408 = tpu.vector_load %arg9[%get3A_406, %get3A_407] {strides = array<i32>} : memref<160x128xi32, #tpu.memory_space<vmem>>, vector<16xi32>,
      %gather3A_409 = tpu.vector_load_idx %arg12[%get3A_405] : memref<10240xf32, #tpu.memory_space<vmem>>[vector<16xi32>], vector<16xf32>,
      %gather3A_410 = tpu.vector_load_idx %arg12[%get3A_408] : memref<10240xf32, #tpu.memory_space<vmem>>[vector<16xi32>], vector<16xf32>,
      %add3A_411 = arith.addf %gather3A_409, %gather3A_410 : vector<16xf32>
      %broadcast_in_dim3A_412 = arith.constant 0 : i32
      %broadcast_in_dim3A_413 = vector.broadcast %broadcast_in_dim3A_412 : i32 to vector<16xi32>
      %gather3A_414 = tpu.vector_load_idx %arg10[%add3A_402, %broadcast_in_dim3A_413] : memref<128x16xf32, #tpu.memory_space<vmem>>[vector<16xi32>, vector<16xi32>], vector<16xf32>,
      %gather3A_415 = tpu.vector_load_idx %arg11[%add3A_402, %broadcast_in_dim3A_413] : memref<128x16xf32, #tpu.memory_space<vmem>>[vector<16xi32>, vector<16xi32>], vector<16xf32>,
      %mul3A_416 = arith.mulf %gather3A_414, %gather3A_415 : vector<16xf32>
      %add3A_417 = arith.addf %add3A_411, %mul3A_416 : vector<16xf32>
      %broadcast_in_dim3A_418 = arith.constant 1 : i32
      %broadcast_in_dim3A_419 = vector.broadcast %broadcast_in_dim3A_418 : i32 to vector<16xi32>
      %gather3A_420 = tpu.vector_load_idx %arg10[%add3A_402, %broadcast_in_dim3A_419] : memref<128x16xf32, #tpu.memory_space<vmem>>[vector<16xi32>, vector<16xi32>], vector<16xf32>,
      %gather3A_421 = tpu.vector_load_idx %arg11[%add3A_402, %broadcast_in_dim3A_419] : memref<128x16xf32, #tpu.memory_space<vmem>>[vector<16xi32>, vector<16xi32>], vector<16xf32>,
      %mul3A_422 = arith.mulf %gather3A_420, %gather3A_421 : vector<16xf32>
      %add3A_423 = arith.addf %add3A_417, %mul3A_422 : vector<16xf32>
      %broadcast_in_dim3A_424 = arith.constant 2 : i32
      %broadcast_in_dim3A_425 = vector.broadcast %broadcast_in_dim3A_424 : i32 to vector<16xi32>
      %gather3A_426 = tpu.vector_load_idx %arg10[%add3A_402, %broadcast_in_dim3A_425] : memref<128x16xf32, #tpu.memory_space<vmem>>[vector<16xi32>, vector<16xi32>], vector<16xf32>,
      %gather3A_427 = tpu.vector_load_idx %arg11[%add3A_402, %broadcast_in_dim3A_425] : memref<128x16xf32, #tpu.memory_space<vmem>>[vector<16xi32>, vector<16xi32>], vector<16xf32>,
      %mul3A_428 = arith.mulf %gather3A_426, %gather3A_427 : vector<16xf32>
      %add3A_429 = arith.addf %add3A_423, %mul3A_428 : vector<16xf32>
      %broadcast_in_dim3A_430 = arith.constant 3 : i32
      %broadcast_in_dim3A_431 = vector.broadcast %broadcast_in_dim3A_430 : i32 to vector<16xi32>
      %gather3A_432 = tpu.vector_load_idx %arg10[%add3A_402, %broadcast_in_dim3A_431] : memref<128x16xf32, #tpu.memory_space<vmem>>[vector<16xi32>, vector<16xi32>], vector<16xf32>,
      %gather3A_433 = tpu.vector_load_idx %arg11[%add3A_402, %broadcast_in_dim3A_431] : memref<128x16xf32, #tpu.memory_space<vmem>>[vector<16xi32>, vector<16xi32>], vector<16xf32>,
      %mul3A_434 = arith.mulf %gather3A_432, %gather3A_433 : vector<16xf32>
      %add3A_435 = arith.addf %add3A_429, %mul3A_434 : vector<16xf32>
      %broadcast_in_dim3A_436 = arith.constant 4 : i32
      %broadcast_in_dim3A_437 = vector.broadcast %broadcast_in_dim3A_436 : i32 to vector<16xi32>
      %gather3A_438 = tpu.vector_load_idx %arg10[%add3A_402, %broadcast_in_dim3A_437] : memref<128x16xf32, #tpu.memory_space<vmem>>[vector<16xi32>, vector<16xi32>], vector<16xf32>,
      %gather3A_439 = tpu.vector_load_idx %arg11[%add3A_402, %broadcast_in_dim3A_437] : memref<128x16xf32, #tpu.memory_space<vmem>>[vector<16xi32>, vector<16xi32>], vector<16xf32>,
      %mul3A_440 = arith.mulf %gather3A_438, %gather3A_439 : vector<16xf32>
      %add3A_441 = arith.addf %add3A_435, %mul3A_440 : vector<16xf32>
      %broadcast_in_dim3A_442 = arith.constant 5 : i32
      %broadcast_in_dim3A_443 = vector.broadcast %broadcast_in_dim3A_442 : i32 to vector<16xi32>
      %gather3A_444 = tpu.vector_load_idx %arg10[%add3A_402, %broadcast_in_dim3A_443] : memref<128x16xf32, #tpu.memory_space<vmem>>[vector<16xi32>, vector<16xi32>], vector<16xf32>,
      %gather3A_445 = tpu.vector_load_idx %arg11[%add3A_402, %broadcast_in_dim3A_443] : memref<128x16xf32, #tpu.memory_space<vmem>>[vector<16xi32>, vector<16xi32>], vector<16xf32>,
      %mul3A_446 = arith.mulf %gather3A_444, %gather3A_445 : vector<16xf32>
      %add3A_447 = arith.addf %add3A_441, %mul3A_446 : vector<16xf32>
      %broadcast_in_dim3A_448 = arith.constant 6 : i32
      %broadcast_in_dim3A_449 = vector.broadcast %broadcast_in_dim3A_448 : i32 to vector<16xi32>
      %gather3A_450 = tpu.vector_load_idx %arg10[%add3A_402, %broadcast_in_dim3A_449] : memref<128x16xf32, #tpu.memory_space<vmem>>[vector<16xi32>, vector<16xi32>], vector<16xf32>,
      %gather3A_451 = tpu.vector_load_idx %arg11[%add3A_402, %broadcast_in_dim3A_449] : memref<128x16xf32, #tpu.memory_space<vmem>>[vector<16xi32>, vector<16xi32>], vector<16xf32>,
      %mul3A_452 = arith.mulf %gather3A_450, %gather3A_451 : vector<16xf32>
      %add3A_453 = arith.addf %add3A_447, %mul3A_452 : vector<16xf32>
      %broadcast_in_dim3A_454 = arith.constant 7 : i32
      %broadcast_in_dim3A_455 = vector.broadcast %broadcast_in_dim3A_454 : i32 to vector<16xi32>
      %gather3A_456 = tpu.vector_load_idx %arg10[%add3A_402, %broadcast_in_dim3A_455] : memref<128x16xf32, #tpu.memory_space<vmem>>[vector<16xi32>, vector<16xi32>], vector<16xf32>,
      %gather3A_457 = tpu.vector_load_idx %arg11[%add3A_402, %broadcast_in_dim3A_455] : memref<128x16xf32, #tpu.memory_space<vmem>>[vector<16xi32>, vector<16xi32>], vector<16xf32>,
      %mul3A_458 = arith.mulf %gather3A_456, %gather3A_457 : vector<16xf32>
      %add3A_459 = arith.addf %add3A_453, %mul3A_458 : vector<16xf32>
      %broadcast_in_dim3A_460 = arith.constant 8 : i32
      %broadcast_in_dim3A_461 = vector.broadcast %broadcast_in_dim3A_460 : i32 to vector<16xi32>
      %gather3A_462 = tpu.vector_load_idx %arg10[%add3A_402, %broadcast_in_dim3A_461] : memref<128x16xf32, #tpu.memory_space<vmem>>[vector<16xi32>, vector<16xi32>], vector<16xf32>,
      %gather3A_463 = tpu.vector_load_idx %arg11[%add3A_402, %broadcast_in_dim3A_461] : memref<128x16xf32, #tpu.memory_space<vmem>>[vector<16xi32>, vector<16xi32>], vector<16xf32>,
      %mul3A_464 = arith.mulf %gather3A_462, %gather3A_463 : vector<16xf32>
      %add3A_465 = arith.addf %add3A_459, %mul3A_464 : vector<16xf32>
      %broadcast_in_dim3A_466 = arith.constant 9 : i32
      %broadcast_in_dim3A_467 = vector.broadcast %broadcast_in_dim3A_466 : i32 to vector<16xi32>
      %gather3A_468 = tpu.vector_load_idx %arg10[%add3A_402, %broadcast_in_dim3A_467] : memref<128x16xf32, #tpu.memory_space<vmem>>[vector<16xi32>, vector<16xi32>], vector<16xf32>,
      %gather3A_469 = tpu.vector_load_idx %arg11[%add3A_402, %broadcast_in_dim3A_467] : memref<128x16xf32, #tpu.memory_space<vmem>>[vector<16xi32>, vector<16xi32>], vector<16xf32>,
      %mul3A_470 = arith.mulf %gather3A_468, %gather3A_469 : vector<16xf32>
      %add3A_471 = arith.addf %add3A_465, %mul3A_470 : vector<16xf32>
      %broadcast_in_dim3A_472 = arith.constant 10 : i32
      %broadcast_in_dim3A_473 = vector.broadcast %broadcast_in_dim3A_472 : i32 to vector<16xi32>
      %gather3A_474 = tpu.vector_load_idx %arg10[%add3A_402, %broadcast_in_dim3A_473] : memref<128x16xf32, #tpu.memory_space<vmem>>[vector<16xi32>, vector<16xi32>], vector<16xf32>,
      %gather3A_475 = tpu.vector_load_idx %arg11[%add3A_402, %broadcast_in_dim3A_473] : memref<128x16xf32, #tpu.memory_space<vmem>>[vector<16xi32>, vector<16xi32>], vector<16xf32>,
      %mul3A_476 = arith.mulf %gather3A_474, %gather3A_475 : vector<16xf32>
      %add3A_477 = arith.addf %add3A_471, %mul3A_476 : vector<16xf32>
      %broadcast_in_dim3A_478 = arith.constant 11 : i32
      %broadcast_in_dim3A_479 = vector.broadcast %broadcast_in_dim3A_478 : i32 to vector<16xi32>
      %gather3A_480 = tpu.vector_load_idx %arg10[%add3A_402, %broadcast_in_dim3A_479] : memref<128x16xf32, #tpu.memory_space<vmem>>[vector<16xi32>, vector<16xi32>], vector<16xf32>,
      %gather3A_481 = tpu.vector_load_idx %arg11[%add3A_402, %broadcast_in_dim3A_479] : memref<128x16xf32, #tpu.memory_space<vmem>>[vector<16xi32>, vector<16xi32>], vector<16xf32>,
      %mul3A_482 = arith.mulf %gather3A_480, %gather3A_481 : vector<16xf32>
      %add3A_483 = arith.addf %add3A_477, %mul3A_482 : vector<16xf32>
      %broadcast_in_dim3A_484 = arith.constant 12 : i32
      %broadcast_in_dim3A_485 = vector.broadcast %broadcast_in_dim3A_484 : i32 to vector<16xi32>
      %gather3A_486 = tpu.vector_load_idx %arg10[%add3A_402, %broadcast_in_dim3A_485] : memref<128x16xf32, #tpu.memory_space<vmem>>[vector<16xi32>, vector<16xi32>], vector<16xf32>,
      %gather3A_487 = tpu.vector_load_idx %arg11[%add3A_402, %broadcast_in_dim3A_485] : memref<128x16xf32, #tpu.memory_space<vmem>>[vector<16xi32>, vector<16xi32>], vector<16xf32>,
      %mul3A_488 = arith.mulf %gather3A_486, %gather3A_487 : vector<16xf32>
      %add3A_489 = arith.addf %add3A_483, %mul3A_488 : vector<16xf32>
      %broadcast_in_dim3A_490 = arith.constant 13 : i32
      %broadcast_in_dim3A_491 = vector.broadcast %broadcast_in_dim3A_490 : i32 to vector<16xi32>
      %gather3A_492 = tpu.vector_load_idx %arg10[%add3A_402, %broadcast_in_dim3A_491] : memref<128x16xf32, #tpu.memory_space<vmem>>[vector<16xi32>, vector<16xi32>], vector<16xf32>,
      %gather3A_493 = tpu.vector_load_idx %arg11[%add3A_402, %broadcast_in_dim3A_491] : memref<128x16xf32, #tpu.memory_space<vmem>>[vector<16xi32>, vector<16xi32>], vector<16xf32>,
      %mul3A_494 = arith.mulf %gather3A_492, %gather3A_493 : vector<16xf32>
      %add3A_495 = arith.addf %add3A_489, %mul3A_494 : vector<16xf32>
      %broadcast_in_dim3A_496 = arith.constant 14 : i32
      %broadcast_in_dim3A_497 = vector.broadcast %broadcast_in_dim3A_496 : i32 to vector<16xi32>
      %gather3A_498 = tpu.vector_load_idx %arg10[%add3A_402, %broadcast_in_dim3A_497] : memref<128x16xf32, #tpu.memory_space<vmem>>[vector<16xi32>, vector<16xi32>], vector<16xf32>,
      %gather3A_499 = tpu.vector_load_idx %arg11[%add3A_402, %broadcast_in_dim3A_497] : memref<128x16xf32, #tpu.memory_space<vmem>>[vector<16xi32>, vector<16xi32>], vector<16xf32>,
      %mul3A_500 = arith.mulf %gather3A_498, %gather3A_499 : vector<16xf32>
      %add3A_501 = arith.addf %add3A_495, %mul3A_500 : vector<16xf32>
      %broadcast_in_dim3A_502 = arith.constant 15 : i32
      %broadcast_in_dim3A_503 = vector.broadcast %broadcast_in_dim3A_502 : i32 to vector<16xi32>
      %gather3A_504 = tpu.vector_load_idx %arg10[%add3A_402, %broadcast_in_dim3A_503] : memref<128x16xf32, #tpu.memory_space<vmem>>[vector<16xi32>, vector<16xi32>], vector<16xf32>,
      %gather3A_505 = tpu.vector_load_idx %arg11[%add3A_402, %broadcast_in_dim3A_503] : memref<128x16xf32, #tpu.memory_space<vmem>>[vector<16xi32>, vector<16xi32>], vector<16xf32>,
      %mul3A_506 = arith.mulf %gather3A_504, %gather3A_505 : vector<16xf32>
      %add3A_507 = arith.addf %add3A_501, %mul3A_506 : vector<16xf32>
      %neg3A_508 = arith.constant 0.000000e+00 : f32
      %neg3A_509 = vector.broadcast %neg3A_508 : f32 to vector<16xf32>
      %neg3A_510 = arith.subf %neg3A_509, %add3A_507 : vector<16xf32>
      %exp3A_511 = math.exp %neg3A_510 : vector<16xf32>
      %add3A_512 = arith.constant 1.000000e+00 : f32
      %add3A_513 = vector.broadcast %add3A_512 : f32 to vector<16xf32>
      %add3A_514 = arith.addf %add3A_513, %exp3A_511 : vector<16xf32>
      %div3A_515 = arith.constant 1.000000e+00 : f32
      %div3A_516 = vector.broadcast %div3A_515 : f32 to vector<16xf32>
      %div3A_517 = arith.divf %div3A_516, %add3A_514 : vector<16xf32>
      %mul3A_518 = arith.constant 128 : i32
      %mul3A_519 = arith.muli %scan3A_12, %mul3A_518 : i32
      %add3A_520 = arith.constant 48 : i32
      %add3A_521 = arith.addi %mul3A_519, %add3A_520 : i32
      %swap3A_522 = arith.index_cast %add3A_521 : i32 to index
      %swap3A_523 = tpu.vector_load %arg13[%swap3A_522] {strides = array<i32>} : memref<20480xf32, #tpu.memory_space<vmem>>, vector<16xf32>,
      tpu.vector_store %arg13[%swap3A_522], %div3A_517 {strides = array<i32>} : memref<20480xf32, #tpu.memory_space<vmem>>, vector<16xf32>,
      %add3A_524 = arith.constant 64 : i32
      %add3A_525 = vector.broadcast %add3A_524 : i32 to vector<16xi32>
      %add3A_526 = arith.addi %iota3A, %add3A_525 : vector<16xi32>
      %get3A_527 = arith.index_cast %scan3A_12 : i32 to index
      %get3A_528 = arith.constant 64 : index
      %get3A_529 = tpu.vector_load %arg8[%get3A_527, %get3A_528] {strides = array<i32>} : memref<160x128xi32, #tpu.memory_space<vmem>>, vector<16xi32>,
      %get3A_530 = arith.index_cast %scan3A_12 : i32 to index
      %get3A_531 = arith.constant 64 : index
      %get3A_532 = tpu.vector_load %arg9[%get3A_530, %get3A_531] {strides = array<i32>} : memref<160x128xi32, #tpu.memory_space<vmem>>, vector<16xi32>,
      %gather3A_533 = tpu.vector_load_idx %arg12[%get3A_529] : memref<10240xf32, #tpu.memory_space<vmem>>[vector<16xi32>], vector<16xf32>,
      %gather3A_534 = tpu.vector_load_idx %arg12[%get3A_532] : memref<10240xf32, #tpu.memory_space<vmem>>[vector<16xi32>], vector<16xf32>,
      %add3A_535 = arith.addf %gather3A_533, %gather3A_534 : vector<16xf32>
      %broadcast_in_dim3A_536 = arith.constant 0 : i32
      %broadcast_in_dim3A_537 = vector.broadcast %broadcast_in_dim3A_536 : i32 to vector<16xi32>
      %gather3A_538 = tpu.vector_load_idx %arg10[%add3A_526, %broadcast_in_dim3A_537] : memref<128x16xf32, #tpu.memory_space<vmem>>[vector<16xi32>, vector<16xi32>], vector<16xf32>,
      %gather3A_539 = tpu.vector_load_idx %arg11[%add3A_526, %broadcast_in_dim3A_537] : memref<128x16xf32, #tpu.memory_space<vmem>>[vector<16xi32>, vector<16xi32>], vector<16xf32>,
      %mul3A_540 = arith.mulf %gather3A_538, %gather3A_539 : vector<16xf32>
      %add3A_541 = arith.addf %add3A_535, %mul3A_540 : vector<16xf32>
      %broadcast_in_dim3A_542 = arith.constant 1 : i32
      %broadcast_in_dim3A_543 = vector.broadcast %broadcast_in_dim3A_542 : i32 to vector<16xi32>
      %gather3A_544 = tpu.vector_load_idx %arg10[%add3A_526, %broadcast_in_dim3A_543] : memref<128x16xf32, #tpu.memory_space<vmem>>[vector<16xi32>, vector<16xi32>], vector<16xf32>,
      %gather3A_545 = tpu.vector_load_idx %arg11[%add3A_526, %broadcast_in_dim3A_543] : memref<128x16xf32, #tpu.memory_space<vmem>>[vector<16xi32>, vector<16xi32>], vector<16xf32>,
      %mul3A_546 = arith.mulf %gather3A_544, %gather3A_545 : vector<16xf32>
      %add3A_547 = arith.addf %add3A_541, %mul3A_546 : vector<16xf32>
      %broadcast_in_dim3A_548 = arith.constant 2 : i32
      %broadcast_in_dim3A_549 = vector.broadcast %broadcast_in_dim3A_548 : i32 to vector<16xi32>
      %gather3A_550 = tpu.vector_load_idx %arg10[%add3A_526, %broadcast_in_dim3A_549] : memref<128x16xf32, #tpu.memory_space<vmem>>[vector<16xi32>, vector<16xi32>], vector<16xf32>,
      %gather3A_551 = tpu.vector_load_idx %arg11[%add3A_526, %broadcast_in_dim3A_549] : memref<128x16xf32, #tpu.memory_space<vmem>>[vector<16xi32>, vector<16xi32>], vector<16xf32>,
      %mul3A_552 = arith.mulf %gather3A_550, %gather3A_551 : vector<16xf32>
      %add3A_553 = arith.addf %add3A_547, %mul3A_552 : vector<16xf32>
      %broadcast_in_dim3A_554 = arith.constant 3 : i32
      %broadcast_in_dim3A_555 = vector.broadcast %broadcast_in_dim3A_554 : i32 to vector<16xi32>
      %gather3A_556 = tpu.vector_load_idx %arg10[%add3A_526, %broadcast_in_dim3A_555] : memref<128x16xf32, #tpu.memory_space<vmem>>[vector<16xi32>, vector<16xi32>], vector<16xf32>,
      %gather3A_557 = tpu.vector_load_idx %arg11[%add3A_526, %broadcast_in_dim3A_555] : memref<128x16xf32, #tpu.memory_space<vmem>>[vector<16xi32>, vector<16xi32>], vector<16xf32>,
      %mul3A_558 = arith.mulf %gather3A_556, %gather3A_557 : vector<16xf32>
      %add3A_559 = arith.addf %add3A_553, %mul3A_558 : vector<16xf32>
      %broadcast_in_dim3A_560 = arith.constant 4 : i32
      %broadcast_in_dim3A_561 = vector.broadcast %broadcast_in_dim3A_560 : i32 to vector<16xi32>
      %gather3A_562 = tpu.vector_load_idx %arg10[%add3A_526, %broadcast_in_dim3A_561] : memref<128x16xf32, #tpu.memory_space<vmem>>[vector<16xi32>, vector<16xi32>], vector<16xf32>,
      %gather3A_563 = tpu.vector_load_idx %arg11[%add3A_526, %broadcast_in_dim3A_561] : memref<128x16xf32, #tpu.memory_space<vmem>>[vector<16xi32>, vector<16xi32>], vector<16xf32>,
      %mul3A_564 = arith.mulf %gather3A_562, %gather3A_563 : vector<16xf32>
      %add3A_565 = arith.addf %add3A_559, %mul3A_564 : vector<16xf32>
      %broadcast_in_dim3A_566 = arith.constant 5 : i32
      %broadcast_in_dim3A_567 = vector.broadcast %broadcast_in_dim3A_566 : i32 to vector<16xi32>
      %gather3A_568 = tpu.vector_load_idx %arg10[%add3A_526, %broadcast_in_dim3A_567] : memref<128x16xf32, #tpu.memory_space<vmem>>[vector<16xi32>, vector<16xi32>], vector<16xf32>,
      %gather3A_569 = tpu.vector_load_idx %arg11[%add3A_526, %broadcast_in_dim3A_567] : memref<128x16xf32, #tpu.memory_space<vmem>>[vector<16xi32>, vector<16xi32>], vector<16xf32>,
      %mul3A_570 = arith.mulf %gather3A_568, %gather3A_569 : vector<16xf32>
      %add3A_571 = arith.addf %add3A_565, %mul3A_570 : vector<16xf32>
      %broadcast_in_dim3A_572 = arith.constant 6 : i32
      %broadcast_in_dim3A_573 = vector.broadcast %broadcast_in_dim3A_572 : i32 to vector<16xi32>
      %gather3A_574 = tpu.vector_load_idx %arg10[%add3A_526, %broadcast_in_dim3A_573] : memref<128x16xf32, #tpu.memory_space<vmem>>[vector<16xi32>, vector<16xi32>], vector<16xf32>,
      %gather3A_575 = tpu.vector_load_idx %arg11[%add3A_526, %broadcast_in_dim3A_573] : memref<128x16xf32, #tpu.memory_space<vmem>>[vector<16xi32>, vector<16xi32>], vector<16xf32>,
      %mul3A_576 = arith.mulf %gather3A_574, %gather3A_575 : vector<16xf32>
      %add3A_577 = arith.addf %add3A_571, %mul3A_576 : vector<16xf32>
      %broadcast_in_dim3A_578 = arith.constant 7 : i32
      %broadcast_in_dim3A_579 = vector.broadcast %broadcast_in_dim3A_578 : i32 to vector<16xi32>
      %gather3A_580 = tpu.vector_load_idx %arg10[%add3A_526, %broadcast_in_dim3A_579] : memref<128x16xf32, #tpu.memory_space<vmem>>[vector<16xi32>, vector<16xi32>], vector<16xf32>,
      %gather3A_581 = tpu.vector_load_idx %arg11[%add3A_526, %broadcast_in_dim3A_579] : memref<128x16xf32, #tpu.memory_space<vmem>>[vector<16xi32>, vector<16xi32>], vector<16xf32>,
      %mul3A_582 = arith.mulf %gather3A_580, %gather3A_581 : vector<16xf32>
      %add3A_583 = arith.addf %add3A_577, %mul3A_582 : vector<16xf32>
      %broadcast_in_dim3A_584 = arith.constant 8 : i32
      %broadcast_in_dim3A_585 = vector.broadcast %broadcast_in_dim3A_584 : i32 to vector<16xi32>
      %gather3A_586 = tpu.vector_load_idx %arg10[%add3A_526, %broadcast_in_dim3A_585] : memref<128x16xf32, #tpu.memory_space<vmem>>[vector<16xi32>, vector<16xi32>], vector<16xf32>,
      %gather3A_587 = tpu.vector_load_idx %arg11[%add3A_526, %broadcast_in_dim3A_585] : memref<128x16xf32, #tpu.memory_space<vmem>>[vector<16xi32>, vector<16xi32>], vector<16xf32>,
      %mul3A_588 = arith.mulf %gather3A_586, %gather3A_587 : vector<16xf32>
      %add3A_589 = arith.addf %add3A_583, %mul3A_588 : vector<16xf32>
      %broadcast_in_dim3A_590 = arith.constant 9 : i32
      %broadcast_in_dim3A_591 = vector.broadcast %broadcast_in_dim3A_590 : i32 to vector<16xi32>
      %gather3A_592 = tpu.vector_load_idx %arg10[%add3A_526, %broadcast_in_dim3A_591] : memref<128x16xf32, #tpu.memory_space<vmem>>[vector<16xi32>, vector<16xi32>], vector<16xf32>,
      %gather3A_593 = tpu.vector_load_idx %arg11[%add3A_526, %broadcast_in_dim3A_591] : memref<128x16xf32, #tpu.memory_space<vmem>>[vector<16xi32>, vector<16xi32>], vector<16xf32>,
      %mul3A_594 = arith.mulf %gather3A_592, %gather3A_593 : vector<16xf32>
      %add3A_595 = arith.addf %add3A_589, %mul3A_594 : vector<16xf32>
      %broadcast_in_dim3A_596 = arith.constant 10 : i32
      %broadcast_in_dim3A_597 = vector.broadcast %broadcast_in_dim3A_596 : i32 to vector<16xi32>
      %gather3A_598 = tpu.vector_load_idx %arg10[%add3A_526, %broadcast_in_dim3A_597] : memref<128x16xf32, #tpu.memory_space<vmem>>[vector<16xi32>, vector<16xi32>], vector<16xf32>,
      %gather3A_599 = tpu.vector_load_idx %arg11[%add3A_526, %broadcast_in_dim3A_597] : memref<128x16xf32, #tpu.memory_space<vmem>>[vector<16xi32>, vector<16xi32>], vector<16xf32>,
      %mul3A_600 = arith.mulf %gather3A_598, %gather3A_599 : vector<16xf32>
      %add3A_601 = arith.addf %add3A_595, %mul3A_600 : vector<16xf32>
      %broadcast_in_dim3A_602 = arith.constant 11 : i32
      %broadcast_in_dim3A_603 = vector.broadcast %broadcast_in_dim3A_602 : i32 to vector<16xi32>
      %gather3A_604 = tpu.vector_load_idx %arg10[%add3A_526, %broadcast_in_dim3A_603] : memref<128x16xf32, #tpu.memory_space<vmem>>[vector<16xi32>, vector<16xi32>], vector<16xf32>,
      %gather3A_605 = tpu.vector_load_idx %arg11[%add3A_526, %broadcast_in_dim3A_603] : memref<128x16xf32, #tpu.memory_space<vmem>>[vector<16xi32>, vector<16xi32>], vector<16xf32>,
      %mul3A_606 = arith.mulf %gather3A_604, %gather3A_605 : vector<16xf32>
      %add3A_607 = arith.addf %add3A_601, %mul3A_606 : vector<16xf32>
      %broadcast_in_dim3A_608 = arith.constant 12 : i32
      %broadcast_in_dim3A_609 = vector.broadcast %broadcast_in_dim3A_608 : i32 to vector<16xi32>
      %gather3A_610 = tpu.vector_load_idx %arg10[%add3A_526, %broadcast_in_dim3A_609] : memref<128x16xf32, #tpu.memory_space<vmem>>[vector<16xi32>, vector<16xi32>], vector<16xf32>,
      %gather3A_611 = tpu.vector_load_idx %arg11[%add3A_526, %broadcast_in_dim3A_609] : memref<128x16xf32, #tpu.memory_space<vmem>>[vector<16xi32>, vector<16xi32>], vector<16xf32>,
      %mul3A_612 = arith.mulf %gather3A_610, %gather3A_611 : vector<16xf32>
      %add3A_613 = arith.addf %add3A_607, %mul3A_612 : vector<16xf32>
      %broadcast_in_dim3A_614 = arith.constant 13 : i32
      %broadcast_in_dim3A_615 = vector.broadcast %broadcast_in_dim3A_614 : i32 to vector<16xi32>
      %gather3A_616 = tpu.vector_load_idx %arg10[%add3A_526, %broadcast_in_dim3A_615] : memref<128x16xf32, #tpu.memory_space<vmem>>[vector<16xi32>, vector<16xi32>], vector<16xf32>,
      %gather3A_617 = tpu.vector_load_idx %arg11[%add3A_526, %broadcast_in_dim3A_615] : memref<128x16xf32, #tpu.memory_space<vmem>>[vector<16xi32>, vector<16xi32>], vector<16xf32>,
      %mul3A_618 = arith.mulf %gather3A_616, %gather3A_617 : vector<16xf32>
      %add3A_619 = arith.addf %add3A_613, %mul3A_618 : vector<16xf32>
      %broadcast_in_dim3A_620 = arith.constant 14 : i32
      %broadcast_in_dim3A_621 = vector.broadcast %broadcast_in_dim3A_620 : i32 to vector<16xi32>
      %gather3A_622 = tpu.vector_load_idx %arg10[%add3A_526, %broadcast_in_dim3A_621] : memref<128x16xf32, #tpu.memory_space<vmem>>[vector<16xi32>, vector<16xi32>], vector<16xf32>,
      %gather3A_623 = tpu.vector_load_idx %arg11[%add3A_526, %broadcast_in_dim3A_621] : memref<128x16xf32, #tpu.memory_space<vmem>>[vector<16xi32>, vector<16xi32>], vector<16xf32>,
      %mul3A_624 = arith.mulf %gather3A_622, %gather3A_623 : vector<16xf32>
      %add3A_625 = arith.addf %add3A_619, %mul3A_624 : vector<16xf32>
      %broadcast_in_dim3A_626 = arith.constant 15 : i32
      %broadcast_in_dim3A_627 = vector.broadcast %broadcast_in_dim3A_626 : i32 to vector<16xi32>
      %gather3A_628 = tpu.vector_load_idx %arg10[%add3A_526, %broadcast_in_dim3A_627] : memref<128x16xf32, #tpu.memory_space<vmem>>[vector<16xi32>, vector<16xi32>], vector<16xf32>,
      %gather3A_629 = tpu.vector_load_idx %arg11[%add3A_526, %broadcast_in_dim3A_627] : memref<128x16xf32, #tpu.memory_space<vmem>>[vector<16xi32>, vector<16xi32>], vector<16xf32>,
      %mul3A_630 = arith.mulf %gather3A_628, %gather3A_629 : vector<16xf32>
      %add3A_631 = arith.addf %add3A_625, %mul3A_630 : vector<16xf32>
      %neg3A_632 = arith.constant 0.000000e+00 : f32
      %neg3A_633 = vector.broadcast %neg3A_632 : f32 to vector<16xf32>
      %neg3A_634 = arith.subf %neg3A_633, %add3A_631 : vector<16xf32>
      %exp3A_635 = math.exp %neg3A_634 : vector<16xf32>
      %add3A_636 = arith.constant 1.000000e+00 : f32
      %add3A_637 = vector.broadcast %add3A_636 : f32 to vector<16xf32>
      %add3A_638 = arith.addf %add3A_637, %exp3A_635 : vector<16xf32>
      %div3A_639 = arith.constant 1.000000e+00 : f32
      %div3A_640 = vector.broadcast %div3A_639 : f32 to vector<16xf32>
      %div3A_641 = arith.divf %div3A_640, %add3A_638 : vector<16xf32>
      %mul3A_642 = arith.constant 128 : i32
      %mul3A_643 = arith.muli %scan3A_12, %mul3A_642 : i32
      %add3A_644 = arith.constant 64 : i32
      %add3A_645 = arith.addi %mul3A_643, %add3A_644 : i32
      %swap3A_646 = arith.index_cast %add3A_645 : i32 to index
      %swap3A_647 = tpu.vector_load %arg13[%swap3A_646] {strides = array<i32>} : memref<20480xf32, #tpu.memory_space<vmem>>, vector<16xf32>,
      tpu.vector_store %arg13[%swap3A_646], %div3A_641 {strides = array<i32>} : memref<20480xf32, #tpu.memory_space<vmem>>, vector<16xf32>,
      %add3A_648 = arith.constant 80 : i32
      %add3A_649 = vector.broadcast %add3A_648 : i32 to vector<16xi32>
      %add3A_650 = arith.addi %iota3A, %add3A_649 : vector<16xi32>
      %get3A_651 = arith.index_cast %scan3A_12 : i32 to index
      %get3A_652 = arith.constant 80 : index
      %get3A_653 = tpu.vector_load %arg8[%get3A_651, %get3A_652] {strides = array<i32>} : memref<160x128xi32, #tpu.memory_space<vmem>>, vector<16xi32>,
      %get3A_654 = arith.index_cast %scan3A_12 : i32 to index
      %get3A_655 = arith.constant 80 : index
      %get3A_656 = tpu.vector_load %arg9[%get3A_654, %get3A_655] {strides = array<i32>} : memref<160x128xi32, #tpu.memory_space<vmem>>, vector<16xi32>,
      %gather3A_657 = tpu.vector_load_idx %arg12[%get3A_653] : memref<10240xf32, #tpu.memory_space<vmem>>[vector<16xi32>], vector<16xf32>,
      %gather3A_658 = tpu.vector_load_idx %arg12[%get3A_656] : memref<10240xf32, #tpu.memory_space<vmem>>[vector<16xi32>], vector<16xf32>,
      %add3A_659 = arith.addf %gather3A_657, %gather3A_658 : vector<16xf32>
      %broadcast_in_dim3A_660 = arith.constant 0 : i32
      %broadcast_in_dim3A_661 = vector.broadcast %broadcast_in_dim3A_660 : i32 to vector<16xi32>
      %gather3A_662 = tpu.vector_load_idx %arg10[%add3A_650, %broadcast_in_dim3A_661] : memref<128x16xf32, #tpu.memory_space<vmem>>[vector<16xi32>, vector<16xi32>], vector<16xf32>,
      %gather3A_663 = tpu.vector_load_idx %arg11[%add3A_650, %broadcast_in_dim3A_661] : memref<128x16xf32, #tpu.memory_space<vmem>>[vector<16xi32>, vector<16xi32>], vector<16xf32>,
      %mul3A_664 = arith.mulf %gather3A_662, %gather3A_663 : vector<16xf32>
      %add3A_665 = arith.addf %add3A_659, %mul3A_664 : vector<16xf32>
      %broadcast_in_dim3A_666 = arith.constant 1 : i32
      %broadcast_in_dim3A_667 = vector.broadcast %broadcast_in_dim3A_666 : i32 to vector<16xi32>
      %gather3A_668 = tpu.vector_load_idx %arg10[%add3A_650, %broadcast_in_dim3A_667] : memref<128x16xf32, #tpu.memory_space<vmem>>[vector<16xi32>, vector<16xi32>], vector<16xf32>,
      %gather3A_669 = tpu.vector_load_idx %arg11[%add3A_650, %broadcast_in_dim3A_667] : memref<128x16xf32, #tpu.memory_space<vmem>>[vector<16xi32>, vector<16xi32>], vector<16xf32>,
      %mul3A_670 = arith.mulf %gather3A_668, %gather3A_669 : vector<16xf32>
      %add3A_671 = arith.addf %add3A_665, %mul3A_670 : vector<16xf32>
      %broadcast_in_dim3A_672 = arith.constant 2 : i32
      %broadcast_in_dim3A_673 = vector.broadcast %broadcast_in_dim3A_672 : i32 to vector<16xi32>
      %gather3A_674 = tpu.vector_load_idx %arg10[%add3A_650, %broadcast_in_dim3A_673] : memref<128x16xf32, #tpu.memory_space<vmem>>[vector<16xi32>, vector<16xi32>], vector<16xf32>,
      %gather3A_675 = tpu.vector_load_idx %arg11[%add3A_650, %broadcast_in_dim3A_673] : memref<128x16xf32, #tpu.memory_space<vmem>>[vector<16xi32>, vector<16xi32>], vector<16xf32>,
      %mul3A_676 = arith.mulf %gather3A_674, %gather3A_675 : vector<16xf32>
      %add3A_677 = arith.addf %add3A_671, %mul3A_676 : vector<16xf32>
      %broadcast_in_dim3A_678 = arith.constant 3 : i32
      %broadcast_in_dim3A_679 = vector.broadcast %broadcast_in_dim3A_678 : i32 to vector<16xi32>
      %gather3A_680 = tpu.vector_load_idx %arg10[%add3A_650, %broadcast_in_dim3A_679] : memref<128x16xf32, #tpu.memory_space<vmem>>[vector<16xi32>, vector<16xi32>], vector<16xf32>,
      %gather3A_681 = tpu.vector_load_idx %arg11[%add3A_650, %broadcast_in_dim3A_679] : memref<128x16xf32, #tpu.memory_space<vmem>>[vector<16xi32>, vector<16xi32>], vector<16xf32>,
      %mul3A_682 = arith.mulf %gather3A_680, %gather3A_681 : vector<16xf32>
      %add3A_683 = arith.addf %add3A_677, %mul3A_682 : vector<16xf32>
      %broadcast_in_dim3A_684 = arith.constant 4 : i32
      %broadcast_in_dim3A_685 = vector.broadcast %broadcast_in_dim3A_684 : i32 to vector<16xi32>
      %gather3A_686 = tpu.vector_load_idx %arg10[%add3A_650, %broadcast_in_dim3A_685] : memref<128x16xf32, #tpu.memory_space<vmem>>[vector<16xi32>, vector<16xi32>], vector<16xf32>,
      %gather3A_687 = tpu.vector_load_idx %arg11[%add3A_650, %broadcast_in_dim3A_685] : memref<128x16xf32, #tpu.memory_space<vmem>>[vector<16xi32>, vector<16xi32>], vector<16xf32>,
      %mul3A_688 = arith.mulf %gather3A_686, %gather3A_687 : vector<16xf32>
      %add3A_689 = arith.addf %add3A_683, %mul3A_688 : vector<16xf32>
      %broadcast_in_dim3A_690 = arith.constant 5 : i32
      %broadcast_in_dim3A_691 = vector.broadcast %broadcast_in_dim3A_690 : i32 to vector<16xi32>
      %gather3A_692 = tpu.vector_load_idx %arg10[%add3A_650, %broadcast_in_dim3A_691] : memref<128x16xf32, #tpu.memory_space<vmem>>[vector<16xi32>, vector<16xi32>], vector<16xf32>,
      %gather3A_693 = tpu.vector_load_idx %arg11[%add3A_650, %broadcast_in_dim3A_691] : memref<128x16xf32, #tpu.memory_space<vmem>>[vector<16xi32>, vector<16xi32>], vector<16xf32>,
      %mul3A_694 = arith.mulf %gather3A_692, %gather3A_693 : vector<16xf32>
      %add3A_695 = arith.addf %add3A_689, %mul3A_694 : vector<16xf32>
      %broadcast_in_dim3A_696 = arith.constant 6 : i32
      %broadcast_in_dim3A_697 = vector.broadcast %broadcast_in_dim3A_696 : i32 to vector<16xi32>
      %gather3A_698 = tpu.vector_load_idx %arg10[%add3A_650, %broadcast_in_dim3A_697] : memref<128x16xf32, #tpu.memory_space<vmem>>[vector<16xi32>, vector<16xi32>], vector<16xf32>,
      %gather3A_699 = tpu.vector_load_idx %arg11[%add3A_650, %broadcast_in_dim3A_697] : memref<128x16xf32, #tpu.memory_space<vmem>>[vector<16xi32>, vector<16xi32>], vector<16xf32>,
      %mul3A_700 = arith.mulf %gather3A_698, %gather3A_699 : vector<16xf32>
      %add3A_701 = arith.addf %add3A_695, %mul3A_700 : vector<16xf32>
      %broadcast_in_dim3A_702 = arith.constant 7 : i32
      %broadcast_in_dim3A_703 = vector.broadcast %broadcast_in_dim3A_702 : i32 to vector<16xi32>
      %gather3A_704 = tpu.vector_load_idx %arg10[%add3A_650, %broadcast_in_dim3A_703] : memref<128x16xf32, #tpu.memory_space<vmem>>[vector<16xi32>, vector<16xi32>], vector<16xf32>,
      %gather3A_705 = tpu.vector_load_idx %arg11[%add3A_650, %broadcast_in_dim3A_703] : memref<128x16xf32, #tpu.memory_space<vmem>>[vector<16xi32>, vector<16xi32>], vector<16xf32>,
      %mul3A_706 = arith.mulf %gather3A_704, %gather3A_705 : vector<16xf32>
      %add3A_707 = arith.addf %add3A_701, %mul3A_706 : vector<16xf32>
      %broadcast_in_dim3A_708 = arith.constant 8 : i32
      %broadcast_in_dim3A_709 = vector.broadcast %broadcast_in_dim3A_708 : i32 to vector<16xi32>
      %gather3A_710 = tpu.vector_load_idx %arg10[%add3A_650, %broadcast_in_dim3A_709] : memref<128x16xf32, #tpu.memory_space<vmem>>[vector<16xi32>, vector<16xi32>], vector<16xf32>,
      %gather3A_711 = tpu.vector_load_idx %arg11[%add3A_650, %broadcast_in_dim3A_709] : memref<128x16xf32, #tpu.memory_space<vmem>>[vector<16xi32>, vector<16xi32>], vector<16xf32>,
      %mul3A_712 = arith.mulf %gather3A_710, %gather3A_711 : vector<16xf32>
      %add3A_713 = arith.addf %add3A_707, %mul3A_712 : vector<16xf32>
      %broadcast_in_dim3A_714 = arith.constant 9 : i32
      %broadcast_in_dim3A_715 = vector.broadcast %broadcast_in_dim3A_714 : i32 to vector<16xi32>
      %gather3A_716 = tpu.vector_load_idx %arg10[%add3A_650, %broadcast_in_dim3A_715] : memref<128x16xf32, #tpu.memory_space<vmem>>[vector<16xi32>, vector<16xi32>], vector<16xf32>,
      %gather3A_717 = tpu.vector_load_idx %arg11[%add3A_650, %broadcast_in_dim3A_715] : memref<128x16xf32, #tpu.memory_space<vmem>>[vector<16xi32>, vector<16xi32>], vector<16xf32>,
      %mul3A_718 = arith.mulf %gather3A_716, %gather3A_717 : vector<16xf32>
      %add3A_719 = arith.addf %add3A_713, %mul3A_718 : vector<16xf32>
      %broadcast_in_dim3A_720 = arith.constant 10 : i32
      %broadcast_in_dim3A_721 = vector.broadcast %broadcast_in_dim3A_720 : i32 to vector<16xi32>
      %gather3A_722 = tpu.vector_load_idx %arg10[%add3A_650, %broadcast_in_dim3A_721] : memref<128x16xf32, #tpu.memory_space<vmem>>[vector<16xi32>, vector<16xi32>], vector<16xf32>,
      %gather3A_723 = tpu.vector_load_idx %arg11[%add3A_650, %broadcast_in_dim3A_721] : memref<128x16xf32, #tpu.memory_space<vmem>>[vector<16xi32>, vector<16xi32>], vector<16xf32>,
      %mul3A_724 = arith.mulf %gather3A_722, %gather3A_723 : vector<16xf32>
      %add3A_725 = arith.addf %add3A_719, %mul3A_724 : vector<16xf32>
      %broadcast_in_dim3A_726 = arith.constant 11 : i32
      %broadcast_in_dim3A_727 = vector.broadcast %broadcast_in_dim3A_726 : i32 to vector<16xi32>
      %gather3A_728 = tpu.vector_load_idx %arg10[%add3A_650, %broadcast_in_dim3A_727] : memref<128x16xf32, #tpu.memory_space<vmem>>[vector<16xi32>, vector<16xi32>], vector<16xf32>,
      %gather3A_729 = tpu.vector_load_idx %arg11[%add3A_650, %broadcast_in_dim3A_727] : memref<128x16xf32, #tpu.memory_space<vmem>>[vector<16xi32>, vector<16xi32>], vector<16xf32>,
      %mul3A_730 = arith.mulf %gather3A_728, %gather3A_729 : vector<16xf32>
      %add3A_731 = arith.addf %add3A_725, %mul3A_730 : vector<16xf32>
      %broadcast_in_dim3A_732 = arith.constant 12 : i32
      %broadcast_in_dim3A_733 = vector.broadcast %broadcast_in_dim3A_732 : i32 to vector<16xi32>
      %gather3A_734 = tpu.vector_load_idx %arg10[%add3A_650, %broadcast_in_dim3A_733] : memref<128x16xf32, #tpu.memory_space<vmem>>[vector<16xi32>, vector<16xi32>], vector<16xf32>,
      %gather3A_735 = tpu.vector_load_idx %arg11[%add3A_650, %broadcast_in_dim3A_733] : memref<128x16xf32, #tpu.memory_space<vmem>>[vector<16xi32>, vector<16xi32>], vector<16xf32>,
      %mul3A_736 = arith.mulf %gather3A_734, %gather3A_735 : vector<16xf32>
      %add3A_737 = arith.addf %add3A_731, %mul3A_736 : vector<16xf32>
      %broadcast_in_dim3A_738 = arith.constant 13 : i32
      %broadcast_in_dim3A_739 = vector.broadcast %broadcast_in_dim3A_738 : i32 to vector<16xi32>
      %gather3A_740 = tpu.vector_load_idx %arg10[%add3A_650, %broadcast_in_dim3A_739] : memref<128x16xf32, #tpu.memory_space<vmem>>[vector<16xi32>, vector<16xi32>], vector<16xf32>,
      %gather3A_741 = tpu.vector_load_idx %arg11[%add3A_650, %broadcast_in_dim3A_739] : memref<128x16xf32, #tpu.memory_space<vmem>>[vector<16xi32>, vector<16xi32>], vector<16xf32>,
      %mul3A_742 = arith.mulf %gather3A_740, %gather3A_741 : vector<16xf32>
      %add3A_743 = arith.addf %add3A_737, %mul3A_742 : vector<16xf32>
      %broadcast_in_dim3A_744 = arith.constant 14 : i32
      %broadcast_in_dim3A_745 = vector.broadcast %broadcast_in_dim3A_744 : i32 to vector<16xi32>
      %gather3A_746 = tpu.vector_load_idx %arg10[%add3A_650, %broadcast_in_dim3A_745] : memref<128x16xf32, #tpu.memory_space<vmem>>[vector<16xi32>, vector<16xi32>], vector<16xf32>,
      %gather3A_747 = tpu.vector_load_idx %arg11[%add3A_650, %broadcast_in_dim3A_745] : memref<128x16xf32, #tpu.memory_space<vmem>>[vector<16xi32>, vector<16xi32>], vector<16xf32>,
      %mul3A_748 = arith.mulf %gather3A_746, %gather3A_747 : vector<16xf32>
      %add3A_749 = arith.addf %add3A_743, %mul3A_748 : vector<16xf32>
      %broadcast_in_dim3A_750 = arith.constant 15 : i32
      %broadcast_in_dim3A_751 = vector.broadcast %broadcast_in_dim3A_750 : i32 to vector<16xi32>
      %gather3A_752 = tpu.vector_load_idx %arg10[%add3A_650, %broadcast_in_dim3A_751] : memref<128x16xf32, #tpu.memory_space<vmem>>[vector<16xi32>, vector<16xi32>], vector<16xf32>,
      %gather3A_753 = tpu.vector_load_idx %arg11[%add3A_650, %broadcast_in_dim3A_751] : memref<128x16xf32, #tpu.memory_space<vmem>>[vector<16xi32>, vector<16xi32>], vector<16xf32>,
      %mul3A_754 = arith.mulf %gather3A_752, %gather3A_753 : vector<16xf32>
      %add3A_755 = arith.addf %add3A_749, %mul3A_754 : vector<16xf32>
      %neg3A_756 = arith.constant 0.000000e+00 : f32
      %neg3A_757 = vector.broadcast %neg3A_756 : f32 to vector<16xf32>
      %neg3A_758 = arith.subf %neg3A_757, %add3A_755 : vector<16xf32>
      %exp3A_759 = math.exp %neg3A_758 : vector<16xf32>
      %add3A_760 = arith.constant 1.000000e+00 : f32
      %add3A_761 = vector.broadcast %add3A_760 : f32 to vector<16xf32>
      %add3A_762 = arith.addf %add3A_761, %exp3A_759 : vector<16xf32>
      %div3A_763 = arith.constant 1.000000e+00 : f32
      %div3A_764 = vector.broadcast %div3A_763 : f32 to vector<16xf32>
      %div3A_765 = arith.divf %div3A_764, %add3A_762 : vector<16xf32>
      %mul3A_766 = arith.constant 128 : i32
      %mul3A_767 = arith.muli %scan3A_12, %mul3A_766 : i32
      %add3A_768 = arith.constant 80 : i32
      %add3A_769 = arith.addi %mul3A_767, %add3A_768 : i32
      %swap3A_770 = arith.index_cast %add3A_769 : i32 to index
      %swap3A_771 = tpu.vector_load %arg13[%swap3A_770] {strides = array<i32>} : memref<20480xf32, #tpu.memory_space<vmem>>, vector<16xf32>,
      tpu.vector_store %arg13[%swap3A_770], %div3A_765 {strides = array<i32>} : memref<20480xf32, #tpu.memory_space<vmem>>, vector<16xf32>,
      %add3A_772 = arith.constant 96 : i32
      %add3A_773 = vector.broadcast %add3A_772 : i32 to vector<16xi32>
      %add3A_774 = arith.addi %iota3A, %add3A_773 : vector<16xi32>
      %get3A_775 = arith.index_cast %scan3A_12 : i32 to index
      %get3A_776 = arith.constant 96 : index
      %get3A_777 = tpu.vector_load %arg8[%get3A_775, %get3A_776] {strides = array<i32>} : memref<160x128xi32, #tpu.memory_space<vmem>>, vector<16xi32>,
      %get3A_778 = arith.index_cast %scan3A_12 : i32 to index
      %get3A_779 = arith.constant 96 : index
      %get3A_780 = tpu.vector_load %arg9[%get3A_778, %get3A_779] {strides = array<i32>} : memref<160x128xi32, #tpu.memory_space<vmem>>, vector<16xi32>,
      %gather3A_781 = tpu.vector_load_idx %arg12[%get3A_777] : memref<10240xf32, #tpu.memory_space<vmem>>[vector<16xi32>], vector<16xf32>,
      %gather3A_782 = tpu.vector_load_idx %arg12[%get3A_780] : memref<10240xf32, #tpu.memory_space<vmem>>[vector<16xi32>], vector<16xf32>,
      %add3A_783 = arith.addf %gather3A_781, %gather3A_782 : vector<16xf32>
      %broadcast_in_dim3A_784 = arith.constant 0 : i32
      %broadcast_in_dim3A_785 = vector.broadcast %broadcast_in_dim3A_784 : i32 to vector<16xi32>
      %gather3A_786 = tpu.vector_load_idx %arg10[%add3A_774, %broadcast_in_dim3A_785] : memref<128x16xf32, #tpu.memory_space<vmem>>[vector<16xi32>, vector<16xi32>], vector<16xf32>,
      %gather3A_787 = tpu.vector_load_idx %arg11[%add3A_774, %broadcast_in_dim3A_785] : memref<128x16xf32, #tpu.memory_space<vmem>>[vector<16xi32>, vector<16xi32>], vector<16xf32>,
      %mul3A_788 = arith.mulf %gather3A_786, %gather3A_787 : vector<16xf32>
      %add3A_789 = arith.addf %add3A_783, %mul3A_788 : vector<16xf32>
      %broadcast_in_dim3A_790 = arith.constant 1 : i32
      %broadcast_in_dim3A_791 = vector.broadcast %broadcast_in_dim3A_790 : i32 to vector<16xi32>
      %gather3A_792 = tpu.vector_load_idx %arg10[%add3A_774, %broadcast_in_dim3A_791] : memref<128x16xf32, #tpu.memory_space<vmem>>[vector<16xi32>, vector<16xi32>], vector<16xf32>,
      %gather3A_793 = tpu.vector_load_idx %arg11[%add3A_774, %broadcast_in_dim3A_791] : memref<128x16xf32, #tpu.memory_space<vmem>>[vector<16xi32>, vector<16xi32>], vector<16xf32>,
      %mul3A_794 = arith.mulf %gather3A_792, %gather3A_793 : vector<16xf32>
      %add3A_795 = arith.addf %add3A_789, %mul3A_794 : vector<16xf32>
      %broadcast_in_dim3A_796 = arith.constant 2 : i32
      %broadcast_in_dim3A_797 = vector.broadcast %broadcast_in_dim3A_796 : i32 to vector<16xi32>
      %gather3A_798 = tpu.vector_load_idx %arg10[%add3A_774, %broadcast_in_dim3A_797] : memref<128x16xf32, #tpu.memory_space<vmem>>[vector<16xi32>, vector<16xi32>], vector<16xf32>,
      %gather3A_799 = tpu.vector_load_idx %arg11[%add3A_774, %broadcast_in_dim3A_797] : memref<128x16xf32, #tpu.memory_space<vmem>>[vector<16xi32>, vector<16xi32>], vector<16xf32>,
      %mul3A_800 = arith.mulf %gather3A_798, %gather3A_799 : vector<16xf32>
      %add3A_801 = arith.addf %add3A_795, %mul3A_800 : vector<16xf32>
      %broadcast_in_dim3A_802 = arith.constant 3 : i32
      %broadcast_in_dim3A_803 = vector.broadcast %broadcast_in_dim3A_802 : i32 to vector<16xi32>
      %gather3A_804 = tpu.vector_load_idx %arg10[%add3A_774, %broadcast_in_dim3A_803] : memref<128x16xf32, #tpu.memory_space<vmem>>[vector<16xi32>, vector<16xi32>], vector<16xf32>,
      %gather3A_805 = tpu.vector_load_idx %arg11[%add3A_774, %broadcast_in_dim3A_803] : memref<128x16xf32, #tpu.memory_space<vmem>>[vector<16xi32>, vector<16xi32>], vector<16xf32>,
      %mul3A_806 = arith.mulf %gather3A_804, %gather3A_805 : vector<16xf32>
      %add3A_807 = arith.addf %add3A_801, %mul3A_806 : vector<16xf32>
      %broadcast_in_dim3A_808 = arith.constant 4 : i32
      %broadcast_in_dim3A_809 = vector.broadcast %broadcast_in_dim3A_808 : i32 to vector<16xi32>
      %gather3A_810 = tpu.vector_load_idx %arg10[%add3A_774, %broadcast_in_dim3A_809] : memref<128x16xf32, #tpu.memory_space<vmem>>[vector<16xi32>, vector<16xi32>], vector<16xf32>,
      %gather3A_811 = tpu.vector_load_idx %arg11[%add3A_774, %broadcast_in_dim3A_809] : memref<128x16xf32, #tpu.memory_space<vmem>>[vector<16xi32>, vector<16xi32>], vector<16xf32>,
      %mul3A_812 = arith.mulf %gather3A_810, %gather3A_811 : vector<16xf32>
      %add3A_813 = arith.addf %add3A_807, %mul3A_812 : vector<16xf32>
      %broadcast_in_dim3A_814 = arith.constant 5 : i32
      %broadcast_in_dim3A_815 = vector.broadcast %broadcast_in_dim3A_814 : i32 to vector<16xi32>
      %gather3A_816 = tpu.vector_load_idx %arg10[%add3A_774, %broadcast_in_dim3A_815] : memref<128x16xf32, #tpu.memory_space<vmem>>[vector<16xi32>, vector<16xi32>], vector<16xf32>,
      %gather3A_817 = tpu.vector_load_idx %arg11[%add3A_774, %broadcast_in_dim3A_815] : memref<128x16xf32, #tpu.memory_space<vmem>>[vector<16xi32>, vector<16xi32>], vector<16xf32>,
      %mul3A_818 = arith.mulf %gather3A_816, %gather3A_817 : vector<16xf32>
      %add3A_819 = arith.addf %add3A_813, %mul3A_818 : vector<16xf32>
      %broadcast_in_dim3A_820 = arith.constant 6 : i32
      %broadcast_in_dim3A_821 = vector.broadcast %broadcast_in_dim3A_820 : i32 to vector<16xi32>
      %gather3A_822 = tpu.vector_load_idx %arg10[%add3A_774, %broadcast_in_dim3A_821] : memref<128x16xf32, #tpu.memory_space<vmem>>[vector<16xi32>, vector<16xi32>], vector<16xf32>,
      %gather3A_823 = tpu.vector_load_idx %arg11[%add3A_774, %broadcast_in_dim3A_821] : memref<128x16xf32, #tpu.memory_space<vmem>>[vector<16xi32>, vector<16xi32>], vector<16xf32>,
      %mul3A_824 = arith.mulf %gather3A_822, %gather3A_823 : vector<16xf32>
      %add3A_825 = arith.addf %add3A_819, %mul3A_824 : vector<16xf32>
      %broadcast_in_dim3A_826 = arith.constant 7 : i32
      %broadcast_in_dim3A_827 = vector.broadcast %broadcast_in_dim3A_826 : i32 to vector<16xi32>
      %gather3A_828 = tpu.vector_load_idx %arg10[%add3A_774, %broadcast_in_dim3A_827] : memref<128x16xf32, #tpu.memory_space<vmem>>[vector<16xi32>, vector<16xi32>], vector<16xf32>,
      %gather3A_829 = tpu.vector_load_idx %arg11[%add3A_774, %broadcast_in_dim3A_827] : memref<128x16xf32, #tpu.memory_space<vmem>>[vector<16xi32>, vector<16xi32>], vector<16xf32>,
      %mul3A_830 = arith.mulf %gather3A_828, %gather3A_829 : vector<16xf32>
      %add3A_831 = arith.addf %add3A_825, %mul3A_830 : vector<16xf32>
      %broadcast_in_dim3A_832 = arith.constant 8 : i32
      %broadcast_in_dim3A_833 = vector.broadcast %broadcast_in_dim3A_832 : i32 to vector<16xi32>
      %gather3A_834 = tpu.vector_load_idx %arg10[%add3A_774, %broadcast_in_dim3A_833] : memref<128x16xf32, #tpu.memory_space<vmem>>[vector<16xi32>, vector<16xi32>], vector<16xf32>,
      %gather3A_835 = tpu.vector_load_idx %arg11[%add3A_774, %broadcast_in_dim3A_833] : memref<128x16xf32, #tpu.memory_space<vmem>>[vector<16xi32>, vector<16xi32>], vector<16xf32>,
      %mul3A_836 = arith.mulf %gather3A_834, %gather3A_835 : vector<16xf32>
      %add3A_837 = arith.addf %add3A_831, %mul3A_836 : vector<16xf32>
      %broadcast_in_dim3A_838 = arith.constant 9 : i32
      %broadcast_in_dim3A_839 = vector.broadcast %broadcast_in_dim3A_838 : i32 to vector<16xi32>
      %gather3A_840 = tpu.vector_load_idx %arg10[%add3A_774, %broadcast_in_dim3A_839] : memref<128x16xf32, #tpu.memory_space<vmem>>[vector<16xi32>, vector<16xi32>], vector<16xf32>,
      %gather3A_841 = tpu.vector_load_idx %arg11[%add3A_774, %broadcast_in_dim3A_839] : memref<128x16xf32, #tpu.memory_space<vmem>>[vector<16xi32>, vector<16xi32>], vector<16xf32>,
      %mul3A_842 = arith.mulf %gather3A_840, %gather3A_841 : vector<16xf32>
      %add3A_843 = arith.addf %add3A_837, %mul3A_842 : vector<16xf32>
      %broadcast_in_dim3A_844 = arith.constant 10 : i32
      %broadcast_in_dim3A_845 = vector.broadcast %broadcast_in_dim3A_844 : i32 to vector<16xi32>
      %gather3A_846 = tpu.vector_load_idx %arg10[%add3A_774, %broadcast_in_dim3A_845] : memref<128x16xf32, #tpu.memory_space<vmem>>[vector<16xi32>, vector<16xi32>], vector<16xf32>,
      %gather3A_847 = tpu.vector_load_idx %arg11[%add3A_774, %broadcast_in_dim3A_845] : memref<128x16xf32, #tpu.memory_space<vmem>>[vector<16xi32>, vector<16xi32>], vector<16xf32>,
      %mul3A_848 = arith.mulf %gather3A_846, %gather3A_847 : vector<16xf32>
      %add3A_849 = arith.addf %add3A_843, %mul3A_848 : vector<16xf32>
      %broadcast_in_dim3A_850 = arith.constant 11 : i32
      %broadcast_in_dim3A_851 = vector.broadcast %broadcast_in_dim3A_850 : i32 to vector<16xi32>
      %gather3A_852 = tpu.vector_load_idx %arg10[%add3A_774, %broadcast_in_dim3A_851] : memref<128x16xf32, #tpu.memory_space<vmem>>[vector<16xi32>, vector<16xi32>], vector<16xf32>,
      %gather3A_853 = tpu.vector_load_idx %arg11[%add3A_774, %broadcast_in_dim3A_851] : memref<128x16xf32, #tpu.memory_space<vmem>>[vector<16xi32>, vector<16xi32>], vector<16xf32>,
      %mul3A_854 = arith.mulf %gather3A_852, %gather3A_853 : vector<16xf32>
      %add3A_855 = arith.addf %add3A_849, %mul3A_854 : vector<16xf32>
      %broadcast_in_dim3A_856 = arith.constant 12 : i32
      %broadcast_in_dim3A_857 = vector.broadcast %broadcast_in_dim3A_856 : i32 to vector<16xi32>
      %gather3A_858 = tpu.vector_load_idx %arg10[%add3A_774, %broadcast_in_dim3A_857] : memref<128x16xf32, #tpu.memory_space<vmem>>[vector<16xi32>, vector<16xi32>], vector<16xf32>,
      %gather3A_859 = tpu.vector_load_idx %arg11[%add3A_774, %broadcast_in_dim3A_857] : memref<128x16xf32, #tpu.memory_space<vmem>>[vector<16xi32>, vector<16xi32>], vector<16xf32>,
      %mul3A_860 = arith.mulf %gather3A_858, %gather3A_859 : vector<16xf32>
      %add3A_861 = arith.addf %add3A_855, %mul3A_860 : vector<16xf32>
      %broadcast_in_dim3A_862 = arith.constant 13 : i32
      %broadcast_in_dim3A_863 = vector.broadcast %broadcast_in_dim3A_862 : i32 to vector<16xi32>
      %gather3A_864 = tpu.vector_load_idx %arg10[%add3A_774, %broadcast_in_dim3A_863] : memref<128x16xf32, #tpu.memory_space<vmem>>[vector<16xi32>, vector<16xi32>], vector<16xf32>,
      %gather3A_865 = tpu.vector_load_idx %arg11[%add3A_774, %broadcast_in_dim3A_863] : memref<128x16xf32, #tpu.memory_space<vmem>>[vector<16xi32>, vector<16xi32>], vector<16xf32>,
      %mul3A_866 = arith.mulf %gather3A_864, %gather3A_865 : vector<16xf32>
      %add3A_867 = arith.addf %add3A_861, %mul3A_866 : vector<16xf32>
      %broadcast_in_dim3A_868 = arith.constant 14 : i32
      %broadcast_in_dim3A_869 = vector.broadcast %broadcast_in_dim3A_868 : i32 to vector<16xi32>
      %gather3A_870 = tpu.vector_load_idx %arg10[%add3A_774, %broadcast_in_dim3A_869] : memref<128x16xf32, #tpu.memory_space<vmem>>[vector<16xi32>, vector<16xi32>], vector<16xf32>,
      %gather3A_871 = tpu.vector_load_idx %arg11[%add3A_774, %broadcast_in_dim3A_869] : memref<128x16xf32, #tpu.memory_space<vmem>>[vector<16xi32>, vector<16xi32>], vector<16xf32>,
      %mul3A_872 = arith.mulf %gather3A_870, %gather3A_871 : vector<16xf32>
      %add3A_873 = arith.addf %add3A_867, %mul3A_872 : vector<16xf32>
      %broadcast_in_dim3A_874 = arith.constant 15 : i32
      %broadcast_in_dim3A_875 = vector.broadcast %broadcast_in_dim3A_874 : i32 to vector<16xi32>
      %gather3A_876 = tpu.vector_load_idx %arg10[%add3A_774, %broadcast_in_dim3A_875] : memref<128x16xf32, #tpu.memory_space<vmem>>[vector<16xi32>, vector<16xi32>], vector<16xf32>,
      %gather3A_877 = tpu.vector_load_idx %arg11[%add3A_774, %broadcast_in_dim3A_875] : memref<128x16xf32, #tpu.memory_space<vmem>>[vector<16xi32>, vector<16xi32>], vector<16xf32>,
      %mul3A_878 = arith.mulf %gather3A_876, %gather3A_877 : vector<16xf32>
      %add3A_879 = arith.addf %add3A_873, %mul3A_878 : vector<16xf32>
      %neg3A_880 = arith.constant 0.000000e+00 : f32
      %neg3A_881 = vector.broadcast %neg3A_880 : f32 to vector<16xf32>
      %neg3A_882 = arith.subf %neg3A_881, %add3A_879 : vector<16xf32>
      %exp3A_883 = math.exp %neg3A_882 : vector<16xf32>
      %add3A_884 = arith.constant 1.000000e+00 : f32
      %add3A_885 = vector.broadcast %add3A_884 : f32 to vector<16xf32>
      %add3A_886 = arith.addf %add3A_885, %exp3A_883 : vector<16xf32>
      %div3A_887 = arith.constant 1.000000e+00 : f32
      %div3A_888 = vector.broadcast %div3A_887 : f32 to vector<16xf32>
      %div3A_889 = arith.divf %div3A_888, %add3A_886 : vector<16xf32>
      %mul3A_890 = arith.constant 128 : i32
      %mul3A_891 = arith.muli %scan3A_12, %mul3A_890 : i32
      %add3A_892 = arith.constant 96 : i32
      %add3A_893 = arith.addi %mul3A_891, %add3A_892 : i32
      %swap3A_894 = arith.index_cast %add3A_893 : i32 to index
      %swap3A_895 = tpu.vector_load %arg13[%swap3A_894] {strides = array<i32>} : memref<20480xf32, #tpu.memory_space<vmem>>, vector<16xf32>,
      tpu.vector_store %arg13[%swap3A_894], %div3A_889 {strides = array<i32>} : memref<20480xf32, #tpu.memory_space<vmem>>, vector<16xf32>,
      %add3A_896 = arith.constant 112 : i32
      %add3A_897 = vector.broadcast %add3A_896 : i32 to vector<16xi32>
      %add3A_898 = arith.addi %iota3A, %add3A_897 : vector<16xi32>
      %get3A_899 = arith.index_cast %scan3A_12 : i32 to index
      %get3A_900 = arith.constant 112 : index
      %get3A_901 = tpu.vector_load %arg8[%get3A_899, %get3A_900] {strides = array<i32>} : memref<160x128xi32, #tpu.memory_space<vmem>>, vector<16xi32>,
      %get3A_902 = arith.index_cast %scan3A_12 : i32 to index
      %get3A_903 = arith.constant 112 : index
      %get3A_904 = tpu.vector_load %arg9[%get3A_902, %get3A_903] {strides = array<i32>} : memref<160x128xi32, #tpu.memory_space<vmem>>, vector<16xi32>,
      %gather3A_905 = tpu.vector_load_idx %arg12[%get3A_901] : memref<10240xf32, #tpu.memory_space<vmem>>[vector<16xi32>], vector<16xf32>,
      %gather3A_906 = tpu.vector_load_idx %arg12[%get3A_904] : memref<10240xf32, #tpu.memory_space<vmem>>[vector<16xi32>], vector<16xf32>,
      %add3A_907 = arith.addf %gather3A_905, %gather3A_906 : vector<16xf32>
      %broadcast_in_dim3A_908 = arith.constant 0 : i32
      %broadcast_in_dim3A_909 = vector.broadcast %broadcast_in_dim3A_908 : i32 to vector<16xi32>
      %gather3A_910 = tpu.vector_load_idx %arg10[%add3A_898, %broadcast_in_dim3A_909] : memref<128x16xf32, #tpu.memory_space<vmem>>[vector<16xi32>, vector<16xi32>], vector<16xf32>,
      %gather3A_911 = tpu.vector_load_idx %arg11[%add3A_898, %broadcast_in_dim3A_909] : memref<128x16xf32, #tpu.memory_space<vmem>>[vector<16xi32>, vector<16xi32>], vector<16xf32>,
      %mul3A_912 = arith.mulf %gather3A_910, %gather3A_911 : vector<16xf32>
      %add3A_913 = arith.addf %add3A_907, %mul3A_912 : vector<16xf32>
      %broadcast_in_dim3A_914 = arith.constant 1 : i32
      %broadcast_in_dim3A_915 = vector.broadcast %broadcast_in_dim3A_914 : i32 to vector<16xi32>
      %gather3A_916 = tpu.vector_load_idx %arg10[%add3A_898, %broadcast_in_dim3A_915] : memref<128x16xf32, #tpu.memory_space<vmem>>[vector<16xi32>, vector<16xi32>], vector<16xf32>,
      %gather3A_917 = tpu.vector_load_idx %arg11[%add3A_898, %broadcast_in_dim3A_915] : memref<128x16xf32, #tpu.memory_space<vmem>>[vector<16xi32>, vector<16xi32>], vector<16xf32>,
      %mul3A_918 = arith.mulf %gather3A_916, %gather3A_917 : vector<16xf32>
      %add3A_919 = arith.addf %add3A_913, %mul3A_918 : vector<16xf32>
      %broadcast_in_dim3A_920 = arith.constant 2 : i32
      %broadcast_in_dim3A_921 = vector.broadcast %broadcast_in_dim3A_920 : i32 to vector<16xi32>
      %gather3A_922 = tpu.vector_load_idx %arg10[%add3A_898, %broadcast_in_dim3A_921] : memref<128x16xf32, #tpu.memory_space<vmem>>[vector<16xi32>, vector<16xi32>], vector<16xf32>,
      %gather3A_923 = tpu.vector_load_idx %arg11[%add3A_898, %broadcast_in_dim3A_921] : memref<128x16xf32, #tpu.memory_space<vmem>>[vector<16xi32>, vector<16xi32>], vector<16xf32>,
      %mul3A_924 = arith.mulf %gather3A_922, %gather3A_923 : vector<16xf32>
      %add3A_925 = arith.addf %add3A_919, %mul3A_924 : vector<16xf32>
      %broadcast_in_dim3A_926 = arith.constant 3 : i32
      %broadcast_in_dim3A_927 = vector.broadcast %broadcast_in_dim3A_926 : i32 to vector<16xi32>
      %gather3A_928 = tpu.vector_load_idx %arg10[%add3A_898, %broadcast_in_dim3A_927] : memref<128x16xf32, #tpu.memory_space<vmem>>[vector<16xi32>, vector<16xi32>], vector<16xf32>,
      %gather3A_929 = tpu.vector_load_idx %arg11[%add3A_898, %broadcast_in_dim3A_927] : memref<128x16xf32, #tpu.memory_space<vmem>>[vector<16xi32>, vector<16xi32>], vector<16xf32>,
      %mul3A_930 = arith.mulf %gather3A_928, %gather3A_929 : vector<16xf32>
      %add3A_931 = arith.addf %add3A_925, %mul3A_930 : vector<16xf32>
      %broadcast_in_dim3A_932 = arith.constant 4 : i32
      %broadcast_in_dim3A_933 = vector.broadcast %broadcast_in_dim3A_932 : i32 to vector<16xi32>
      %gather3A_934 = tpu.vector_load_idx %arg10[%add3A_898, %broadcast_in_dim3A_933] : memref<128x16xf32, #tpu.memory_space<vmem>>[vector<16xi32>, vector<16xi32>], vector<16xf32>,
      %gather3A_935 = tpu.vector_load_idx %arg11[%add3A_898, %broadcast_in_dim3A_933] : memref<128x16xf32, #tpu.memory_space<vmem>>[vector<16xi32>, vector<16xi32>], vector<16xf32>,
      %mul3A_936 = arith.mulf %gather3A_934, %gather3A_935 : vector<16xf32>
      %add3A_937 = arith.addf %add3A_931, %mul3A_936 : vector<16xf32>
      %broadcast_in_dim3A_938 = arith.constant 5 : i32
      %broadcast_in_dim3A_939 = vector.broadcast %broadcast_in_dim3A_938 : i32 to vector<16xi32>
      %gather3A_940 = tpu.vector_load_idx %arg10[%add3A_898, %broadcast_in_dim3A_939] : memref<128x16xf32, #tpu.memory_space<vmem>>[vector<16xi32>, vector<16xi32>], vector<16xf32>,
      %gather3A_941 = tpu.vector_load_idx %arg11[%add3A_898, %broadcast_in_dim3A_939] : memref<128x16xf32, #tpu.memory_space<vmem>>[vector<16xi32>, vector<16xi32>], vector<16xf32>,
      %mul3A_942 = arith.mulf %gather3A_940, %gather3A_941 : vector<16xf32>
      %add3A_943 = arith.addf %add3A_937, %mul3A_942 : vector<16xf32>
      %broadcast_in_dim3A_944 = arith.constant 6 : i32
      %broadcast_in_dim3A_945 = vector.broadcast %broadcast_in_dim3A_944 : i32 to vector<16xi32>
      %gather3A_946 = tpu.vector_load_idx %arg10[%add3A_898, %broadcast_in_dim3A_945] : memref<128x16xf32, #tpu.memory_space<vmem>>[vector<16xi32>, vector<16xi32>], vector<16xf32>,
      %gather3A_947 = tpu.vector_load_idx %arg11[%add3A_898, %broadcast_in_dim3A_945] : memref<128x16xf32, #tpu.memory_space<vmem>>[vector<16xi32>, vector<16xi32>], vector<16xf32>,
      %mul3A_948 = arith.mulf %gather3A_946, %gather3A_947 : vector<16xf32>
      %add3A_949 = arith.addf %add3A_943, %mul3A_948 : vector<16xf32>
      %broadcast_in_dim3A_950 = arith.constant 7 : i32
      %broadcast_in_dim3A_951 = vector.broadcast %broadcast_in_dim3A_950 : i32 to vector<16xi32>
      %gather3A_952 = tpu.vector_load_idx %arg10[%add3A_898, %broadcast_in_dim3A_951] : memref<128x16xf32, #tpu.memory_space<vmem>>[vector<16xi32>, vector<16xi32>], vector<16xf32>,
      %gather3A_953 = tpu.vector_load_idx %arg11[%add3A_898, %broadcast_in_dim3A_951] : memref<128x16xf32, #tpu.memory_space<vmem>>[vector<16xi32>, vector<16xi32>], vector<16xf32>,
      %mul3A_954 = arith.mulf %gather3A_952, %gather3A_953 : vector<16xf32>
      %add3A_955 = arith.addf %add3A_949, %mul3A_954 : vector<16xf32>
      %broadcast_in_dim3A_956 = arith.constant 8 : i32
      %broadcast_in_dim3A_957 = vector.broadcast %broadcast_in_dim3A_956 : i32 to vector<16xi32>
      %gather3A_958 = tpu.vector_load_idx %arg10[%add3A_898, %broadcast_in_dim3A_957] : memref<128x16xf32, #tpu.memory_space<vmem>>[vector<16xi32>, vector<16xi32>], vector<16xf32>,
      %gather3A_959 = tpu.vector_load_idx %arg11[%add3A_898, %broadcast_in_dim3A_957] : memref<128x16xf32, #tpu.memory_space<vmem>>[vector<16xi32>, vector<16xi32>], vector<16xf32>,
      %mul3A_960 = arith.mulf %gather3A_958, %gather3A_959 : vector<16xf32>
      %add3A_961 = arith.addf %add3A_955, %mul3A_960 : vector<16xf32>
      %broadcast_in_dim3A_962 = arith.constant 9 : i32
      %broadcast_in_dim3A_963 = vector.broadcast %broadcast_in_dim3A_962 : i32 to vector<16xi32>
      %gather3A_964 = tpu.vector_load_idx %arg10[%add3A_898, %broadcast_in_dim3A_963] : memref<128x16xf32, #tpu.memory_space<vmem>>[vector<16xi32>, vector<16xi32>], vector<16xf32>,
      %gather3A_965 = tpu.vector_load_idx %arg11[%add3A_898, %broadcast_in_dim3A_963] : memref<128x16xf32, #tpu.memory_space<vmem>>[vector<16xi32>, vector<16xi32>], vector<16xf32>,
      %mul3A_966 = arith.mulf %gather3A_964, %gather3A_965 : vector<16xf32>
      %add3A_967 = arith.addf %add3A_961, %mul3A_966 : vector<16xf32>
      %broadcast_in_dim3A_968 = arith.constant 10 : i32
      %broadcast_in_dim3A_969 = vector.broadcast %broadcast_in_dim3A_968 : i32 to vector<16xi32>
      %gather3A_970 = tpu.vector_load_idx %arg10[%add3A_898, %broadcast_in_dim3A_969] : memref<128x16xf32, #tpu.memory_space<vmem>>[vector<16xi32>, vector<16xi32>], vector<16xf32>,
      %gather3A_971 = tpu.vector_load_idx %arg11[%add3A_898, %broadcast_in_dim3A_969] : memref<128x16xf32, #tpu.memory_space<vmem>>[vector<16xi32>, vector<16xi32>], vector<16xf32>,
      %mul3A_972 = arith.mulf %gather3A_970, %gather3A_971 : vector<16xf32>
      %add3A_973 = arith.addf %add3A_967, %mul3A_972 : vector<16xf32>
      %broadcast_in_dim3A_974 = arith.constant 11 : i32
      %broadcast_in_dim3A_975 = vector.broadcast %broadcast_in_dim3A_974 : i32 to vector<16xi32>
      %gather3A_976 = tpu.vector_load_idx %arg10[%add3A_898, %broadcast_in_dim3A_975] : memref<128x16xf32, #tpu.memory_space<vmem>>[vector<16xi32>, vector<16xi32>], vector<16xf32>,
      %gather3A_977 = tpu.vector_load_idx %arg11[%add3A_898, %broadcast_in_dim3A_975] : memref<128x16xf32, #tpu.memory_space<vmem>>[vector<16xi32>, vector<16xi32>], vector<16xf32>,
      %mul3A_978 = arith.mulf %gather3A_976, %gather3A_977 : vector<16xf32>
      %add3A_979 = arith.addf %add3A_973, %mul3A_978 : vector<16xf32>
      %broadcast_in_dim3A_980 = arith.constant 12 : i32
      %broadcast_in_dim3A_981 = vector.broadcast %broadcast_in_dim3A_980 : i32 to vector<16xi32>
      %gather3A_982 = tpu.vector_load_idx %arg10[%add3A_898, %broadcast_in_dim3A_981] : memref<128x16xf32, #tpu.memory_space<vmem>>[vector<16xi32>, vector<16xi32>], vector<16xf32>,
      %gather3A_983 = tpu.vector_load_idx %arg11[%add3A_898, %broadcast_in_dim3A_981] : memref<128x16xf32, #tpu.memory_space<vmem>>[vector<16xi32>, vector<16xi32>], vector<16xf32>,
      %mul3A_984 = arith.mulf %gather3A_982, %gather3A_983 : vector<16xf32>
      %add3A_985 = arith.addf %add3A_979, %mul3A_984 : vector<16xf32>
      %broadcast_in_dim3A_986 = arith.constant 13 : i32
      %broadcast_in_dim3A_987 = vector.broadcast %broadcast_in_dim3A_986 : i32 to vector<16xi32>
      %gather3A_988 = tpu.vector_load_idx %arg10[%add3A_898, %broadcast_in_dim3A_987] : memref<128x16xf32, #tpu.memory_space<vmem>>[vector<16xi32>, vector<16xi32>], vector<16xf32>,
      %gather3A_989 = tpu.vector_load_idx %arg11[%add3A_898, %broadcast_in_dim3A_987] : memref<128x16xf32, #tpu.memory_space<vmem>>[vector<16xi32>, vector<16xi32>], vector<16xf32>,
      %mul3A_990 = arith.mulf %gather3A_988, %gather3A_989 : vector<16xf32>
      %add3A_991 = arith.addf %add3A_985, %mul3A_990 : vector<16xf32>
      %broadcast_in_dim3A_992 = arith.constant 14 : i32
      %broadcast_in_dim3A_993 = vector.broadcast %broadcast_in_dim3A_992 : i32 to vector<16xi32>
      %gather3A_994 = tpu.vector_load_idx %arg10[%add3A_898, %broadcast_in_dim3A_993] : memref<128x16xf32, #tpu.memory_space<vmem>>[vector<16xi32>, vector<16xi32>], vector<16xf32>,
      %gather3A_995 = tpu.vector_load_idx %arg11[%add3A_898, %broadcast_in_dim3A_993] : memref<128x16xf32, #tpu.memory_space<vmem>>[vector<16xi32>, vector<16xi32>], vector<16xf32>,
      %mul3A_996 = arith.mulf %gather3A_994, %gather3A_995 : vector<16xf32>
      %add3A_997 = arith.addf %add3A_991, %mul3A_996 : vector<16xf32>
      %broadcast_in_dim3A_998 = arith.constant 15 : i32
      %broadcast_in_dim3A_999 = vector.broadcast %broadcast_in_dim3A_998 : i32 to vector<16xi32>
      %gather3A_1000 = tpu.vector_load_idx %arg10[%add3A_898, %broadcast_in_dim3A_999] : memref<128x16xf32, #tpu.memory_space<vmem>>[vector<16xi32>, vector<16xi32>], vector<16xf32>,
      %gather3A_1001 = tpu.vector_load_idx %arg11[%add3A_898, %broadcast_in_dim3A_999] : memref<128x16xf32, #tpu.memory_space<vmem>>[vector<16xi32>, vector<16xi32>], vector<16xf32>,
      %mul3A_1002 = arith.mulf %gather3A_1000, %gather3A_1001 : vector<16xf32>
      %add3A_1003 = arith.addf %add3A_997, %mul3A_1002 : vector<16xf32>
      %neg3A_1004 = arith.constant 0.000000e+00 : f32
      %neg3A_1005 = vector.broadcast %neg3A_1004 : f32 to vector<16xf32>
      %neg3A_1006 = arith.subf %neg3A_1005, %add3A_1003 : vector<16xf32>
      %exp3A_1007 = math.exp %neg3A_1006 : vector<16xf32>
      %add3A_1008 = arith.constant 1.000000e+00 : f32
      %add3A_1009 = vector.broadcast %add3A_1008 : f32 to vector<16xf32>
      %add3A_1010 = arith.addf %add3A_1009, %exp3A_1007 : vector<16xf32>
      %div3A_1011 = arith.constant 1.000000e+00 : f32
      %div3A_1012 = vector.broadcast %div3A_1011 : f32 to vector<16xf32>
      %div3A_1013 = arith.divf %div3A_1012, %add3A_1010 : vector<16xf32>
      %mul3A_1014 = arith.constant 128 : i32
      %mul3A_1015 = arith.muli %scan3A_12, %mul3A_1014 : i32
      %add3A_1016 = arith.constant 112 : i32
      %add3A_1017 = arith.addi %mul3A_1015, %add3A_1016 : i32
      %swap3A_1018 = arith.index_cast %add3A_1017 : i32 to index
      %swap3A_1019 = tpu.vector_load %arg13[%swap3A_1018] {strides = array<i32>} : memref<20480xf32, #tpu.memory_space<vmem>>, vector<16xf32>,
      tpu.vector_store %arg13[%swap3A_1018], %div3A_1013 {strides = array<i32>} : memref<20480xf32, #tpu.memory_space<vmem>>, vector<16xf32>,
    }
    %scan3A_9 = arith.constant 160 : i32
    %mul3A_10 = arith.constant 20480 : i32
    %mul3A_11 = arith.muli %add3A, %mul3A_10 : i32
    "tpu.region"() ({
      %run_scoped3A = tpu.sem_alloc : memref<!tpu.dma_semaphore, #tpu.memory_space<semaphore_mem>>
      %dma_start3A = tpu.memref_slice %arg7[%mul3A_11] : memref<655360xf32, #tpu.memory_space<hbm>> -> memref<20480xf32, #tpu.memory_space<hbm>>
      %dma_start3A_12 = tpu.memref_slice %arg7[%mul3A_11] : memref<655360xf32, #tpu.memory_space<hbm>> -> memref<20480xf32, #tpu.memory_space<hbm>>
      tpu.enqueue_dma source(%arg13 : memref<20480xf32, #tpu.memory_space<vmem>>) target(%dma_start3A_12 : memref<20480xf32, #tpu.memory_space<hbm>>) target_semaphore(%run_scoped3A : memref<!tpu.dma_semaphore, #tpu.memory_space<semaphore_mem>>)
      %dma_wait3A = tpu.memref_slice %arg7[%mul3A_11] : memref<655360xf32, #tpu.memory_space<hbm>> -> memref<20480xf32, #tpu.memory_space<hbm>>
      %dma_wait3A_13 = tpu.memref_slice %arg7[%mul3A_11] : memref<655360xf32, #tpu.memory_space<hbm>> -> memref<20480xf32, #tpu.memory_space<hbm>>
      tpu.wait_dma2 semaphore(%run_scoped3A : memref<!tpu.dma_semaphore, #tpu.memory_space<semaphore_mem>>) src(%arg13 : memref<20480xf32, #tpu.memory_space<vmem>>) dst(%dma_wait3A_13 : memref<20480xf32, #tpu.memory_space<hbm>>)
      tpu.yield
    }) : () -> ()
    return
  }
}

#map = affine_map<(d0, d1) -> (0, 0)>
#map1 = affine_map<(d0, d1) -> (0, 0, 0)>
module attributes {stable_mosaic.version = 14 : i64} {
  func.func @_deg_sc(%arg0: i32, %arg1: i32, %arg2: memref<2560x128xi32, #tpu.memory_space<hbm>>, %arg3: memref<2x10240x16xf32, #tpu.memory_space<hbm>>, %arg4: memref<80x128xi32, #tpu.memory_space<vmem>>, %arg5: memref<128x16xf32, #tpu.memory_space<vmem>>, %arg6: memref<640x16xf32, #tpu.memory_space<vmem>>, %arg7: memref<10240x16xf32, #tpu.memory_space<vmem_shared>>) attributes {dimension_semantics = [#tpu.dimension_semantics<core_parallel>, #tpu.dimension_semantics<subcore_parallel>], iteration_bounds = array<i64: 2, 16>, scalar_prefetch = 0 : i64, scratch_operands = 4 : i64, tpu.core_type = #tpu.core_type<sc_vector_subcore>, window_params = [{transform_indices = #map}, {transform_indices = #map1}]} {
    %mul3A = arith.constant 2 : i32
    %mul3A_0 = arith.muli %arg1, %mul3A : i32
    %add3A = arith.addi %mul3A_0, %arg0 : i32
    %mul3A_1 = arith.constant 80 : i32
    %mul3A_2 = arith.muli %add3A, %mul3A_1 : i32
    "tpu.region"() ({
      %run_scoped3A = tpu.sem_alloc : memref<!tpu.dma_semaphore, #tpu.memory_space<semaphore_mem>>
      %dma_start3A = arith.constant 0 : i32
      %dma_start3A_26 = tpu.memref_slice %arg2[%mul3A_2, %dma_start3A] : memref<2560x128xi32, #tpu.memory_space<hbm>> -> memref<80x128xi32, #tpu.memory_space<hbm>>
      %dma_start3A_27 = arith.constant 0 : i32
      %dma_start3A_28 = tpu.memref_slice %arg2[%mul3A_2, %dma_start3A_27] : memref<2560x128xi32, #tpu.memory_space<hbm>> -> memref<80x128xi32, #tpu.memory_space<hbm>>
      tpu.enqueue_dma source(%dma_start3A_28 : memref<80x128xi32, #tpu.memory_space<hbm>>) target(%arg4 : memref<80x128xi32, #tpu.memory_space<vmem>>) target_semaphore(%run_scoped3A : memref<!tpu.dma_semaphore, #tpu.memory_space<semaphore_mem>>)
      %dma_wait3A = arith.constant 0 : i32
      %dma_wait3A_29 = tpu.memref_slice %arg2[%mul3A_2, %dma_wait3A] : memref<2560x128xi32, #tpu.memory_space<hbm>> -> memref<80x128xi32, #tpu.memory_space<hbm>>
      %dma_wait3A_30 = arith.constant 0 : i32
      %dma_wait3A_31 = tpu.memref_slice %arg2[%mul3A_2, %dma_wait3A_30] : memref<2560x128xi32, #tpu.memory_space<hbm>> -> memref<80x128xi32, #tpu.memory_space<hbm>>
      tpu.wait_dma2 semaphore(%run_scoped3A : memref<!tpu.dma_semaphore, #tpu.memory_space<semaphore_mem>>) src(%dma_wait3A_31 : memref<80x128xi32, #tpu.memory_space<hbm>>) dst(%arg4 : memref<80x128xi32, #tpu.memory_space<vmem>>)
      tpu.yield
    }) : () -> ()
    %broadcast_in_dim3A = arith.constant 1.000000e+00 : f32
    %broadcast_in_dim3A_3 = vector.broadcast %broadcast_in_dim3A : f32 to vector<16xf32>
    %broadcast_in_dim3A_4 = arith.constant 0.000000e+00 : f32
    %broadcast_in_dim3A_5 = vector.broadcast %broadcast_in_dim3A_4 : f32 to vector<16xf32>
    %scan3A = arith.constant 0 : i32
    %scan3A_6 = arith.constant 0 : i32
    %scan3A_7 = arith.constant 128 : i32
    %scan3A_8 = arith.addi %scan3A_6, %scan3A_7 : i32
    %scan3A_9 = arith.constant 1 : i32
    scf.for %scan3A_26 = %scan3A_6 to %scan3A_8 step %scan3A_9  : i32 {
      %swap3A = arith.index_cast %scan3A_26 : i32 to index
      %swap3A_27 = arith.constant 0 : index
      %swap3A_28 = tpu.vector_load %arg5[%swap3A, %swap3A_27] {strides = array<i32>} : memref<128x16xf32, #tpu.memory_space<vmem>>, vector<16xf32>,
      tpu.vector_store %arg5[%swap3A, %swap3A_27], %broadcast_in_dim3A_3 {strides = array<i32>} : memref<128x16xf32, #tpu.memory_space<vmem>>, vector<16xf32>,
    }
    %scan3A_10 = arith.constant 128 : i32
    %scan3A_11 = arith.constant 0 : i32
    %scan3A_12 = arith.constant 0 : i32
    %scan3A_13 = arith.constant 640 : i32
    %scan3A_14 = arith.addi %scan3A_12, %scan3A_13 : i32
    %scan3A_15 = arith.constant 1 : i32
    scf.for %scan3A_26 = %scan3A_12 to %scan3A_14 step %scan3A_15  : i32 {
      %swap3A = arith.index_cast %scan3A_26 : i32 to index
      %swap3A_27 = arith.constant 0 : index
      %swap3A_28 = tpu.vector_load %arg6[%swap3A, %swap3A_27] {strides = array<i32>} : memref<640x16xf32, #tpu.memory_space<vmem>>, vector<16xf32>,
      tpu.vector_store %arg6[%swap3A, %swap3A_27], %broadcast_in_dim3A_5 {strides = array<i32>} : memref<640x16xf32, #tpu.memory_space<vmem>>, vector<16xf32>,
    }
    %scan3A_16 = arith.constant 640 : i32
    %mul3A_17 = arith.constant 640 : i32
    %mul3A_18 = arith.muli %arg1, %mul3A_17 : i32
    "tpu.region"() ({
      %run_scoped3A = tpu.sem_alloc : memref<!tpu.dma_semaphore, #tpu.memory_space<semaphore_mem>>
      %dma_start3A = arith.constant 0 : i32
      %dma_start3A_26 = tpu.memref_slice %arg7[%mul3A_18, %dma_start3A] : memref<10240x16xf32, #tpu.memory_space<vmem_shared>> -> memref<640x16xf32, #tpu.memory_space<vmem_shared>>
      %dma_start3A_27 = arith.constant 0 : i32
      %dma_start3A_28 = tpu.memref_slice %arg7[%mul3A_18, %dma_start3A_27] : memref<10240x16xf32, #tpu.memory_space<vmem_shared>> -> memref<640x16xf32, #tpu.memory_space<vmem_shared>>
      tpu.enqueue_dma source(%arg6 : memref<640x16xf32, #tpu.memory_space<vmem>>) target(%dma_start3A_28 : memref<640x16xf32, #tpu.memory_space<vmem_shared>>) target_semaphore(%run_scoped3A : memref<!tpu.dma_semaphore, #tpu.memory_space<semaphore_mem>>)
      %dma_wait3A = arith.constant 0 : i32
      %dma_wait3A_29 = tpu.memref_slice %arg7[%mul3A_18, %dma_wait3A] : memref<10240x16xf32, #tpu.memory_space<vmem_shared>> -> memref<640x16xf32, #tpu.memory_space<vmem_shared>>
      %dma_wait3A_30 = arith.constant 0 : i32
      %dma_wait3A_31 = tpu.memref_slice %arg7[%mul3A_18, %dma_wait3A_30] : memref<10240x16xf32, #tpu.memory_space<vmem_shared>> -> memref<640x16xf32, #tpu.memory_space<vmem_shared>>
      tpu.wait_dma2 semaphore(%run_scoped3A : memref<!tpu.dma_semaphore, #tpu.memory_space<semaphore_mem>>) src(%arg6 : memref<640x16xf32, #tpu.memory_space<vmem>>) dst(%dma_wait3A_31 : memref<640x16xf32, #tpu.memory_space<vmem_shared>>)
      tpu.yield
    }) : () -> ()
    %barrier3A = arith.constant 0 : index
    tpu.barrier barrier_id(%barrier3A)
    %scan3A_19 = arith.constant 0 : i32
    %scan3A_20 = arith.constant 0 : i32
    %scan3A_21 = arith.constant 80 : i32
    %scan3A_22 = arith.addi %scan3A_20, %scan3A_21 : i32
    %scan3A_23 = arith.constant 1 : i32
    scf.for %scan3A_26 = %scan3A_20 to %scan3A_22 step %scan3A_23  : i32 {
      "tpu.region"() ({
        %run_scoped3A = tpu.sem_alloc : memref<!tpu.dma_semaphore, #tpu.memory_space<semaphore_mem>>
        %dma_start3A = arith.constant 0 : i32
        %dma_start3A_27 = tpu.memref_slice %arg4[%scan3A_26, %dma_start3A] : memref<80x128xi32, #tpu.memory_space<vmem>> -> memref<1x128xi32, #tpu.memory_space<vmem>>
        %dma_start3A_28 = tpu.memref_squeeze %dma_start3A_27 : memref<1x128xi32, #tpu.memory_space<vmem>> -> memref<128xi32, #tpu.memory_space<vmem>>
        %dma_start3A_29 = arith.constant 0 : i32
        %dma_start3A_30 = arith.constant 0 : i32
        %dma_start3A_31 = tpu.memref_slice %arg7[%dma_start3A_29, %dma_start3A_30] : memref<10240x16xf32, #tpu.memory_space<vmem_shared>> -> memref<10240x16xf32, #tpu.memory_space<vmem_shared>>
        tpu.enqueue_indirect_dma source(%arg5 : memref<128x16xf32, #tpu.memory_space<vmem>>) target(%dma_start3A_31 : memref<10240x16xf32, #tpu.memory_space<vmem_shared>>) offsets(%dma_start3A_28 : memref<128xi32, #tpu.memory_space<vmem>>) semaphore(%run_scoped3A : memref<!tpu.dma_semaphore, #tpu.memory_space<semaphore_mem>>) {add = true}
        %dma_wait3A = arith.constant 0 : i32
        %dma_wait3A_32 = tpu.memref_slice %arg4[%scan3A_26, %dma_wait3A] : memref<80x128xi32, #tpu.memory_space<vmem>> -> memref<1x128xi32, #tpu.memory_space<vmem>>
        %dma_wait3A_33 = tpu.memref_squeeze %dma_wait3A_32 : memref<1x128xi32, #tpu.memory_space<vmem>> -> memref<128xi32, #tpu.memory_space<vmem>>
        %dma_wait3A_34 = arith.constant 0 : i32
        %dma_wait3A_35 = arith.constant 0 : i32
        %dma_wait3A_36 = tpu.memref_slice %arg7[%dma_wait3A_34, %dma_wait3A_35] : memref<10240x16xf32, #tpu.memory_space<vmem_shared>> -> memref<10240x16xf32, #tpu.memory_space<vmem_shared>>
        tpu.wait_indirect_dma semaphore(%run_scoped3A : memref<!tpu.dma_semaphore, #tpu.memory_space<semaphore_mem>>) src(%arg5 : memref<128x16xf32, #tpu.memory_space<vmem>>) dst(%dma_wait3A_36 : memref<10240x16xf32, #tpu.memory_space<vmem_shared>>)
        tpu.yield
      }) : () -> ()
    }
    %scan3A_24 = arith.constant 80 : i32
    %barrier3A_25 = arith.constant 0 : index
    tpu.barrier barrier_id(%barrier3A_25)
    "tpu.region"() ({
      %run_scoped3A = tpu.sem_alloc : memref<!tpu.dma_semaphore, #tpu.memory_space<semaphore_mem>>
      %dma_start3A = arith.constant 0 : i32
      %dma_start3A_26 = tpu.memref_slice %arg3[%arg0, %mul3A_18, %dma_start3A] : memref<2x10240x16xf32, #tpu.memory_space<hbm>> -> memref<1x640x16xf32, #tpu.memory_space<hbm>>
      %dma_start3A_27 = tpu.memref_squeeze %dma_start3A_26 : memref<1x640x16xf32, #tpu.memory_space<hbm>> -> memref<640x16xf32, #tpu.memory_space<hbm>>
      %dma_start3A_28 = arith.constant 0 : i32
      %dma_start3A_29 = tpu.memref_slice %arg7[%mul3A_18, %dma_start3A_28] : memref<10240x16xf32, #tpu.memory_space<vmem_shared>> -> memref<640x16xf32, #tpu.memory_space<vmem_shared>>
      tpu.enqueue_dma source(%dma_start3A_29 : memref<640x16xf32, #tpu.memory_space<vmem_shared>>) target(%dma_start3A_27 : memref<640x16xf32, #tpu.memory_space<hbm>>) target_semaphore(%run_scoped3A : memref<!tpu.dma_semaphore, #tpu.memory_space<semaphore_mem>>)
      %dma_wait3A = arith.constant 0 : i32
      %dma_wait3A_30 = tpu.memref_slice %arg3[%arg0, %mul3A_18, %dma_wait3A] : memref<2x10240x16xf32, #tpu.memory_space<hbm>> -> memref<1x640x16xf32, #tpu.memory_space<hbm>>
      %dma_wait3A_31 = tpu.memref_squeeze %dma_wait3A_30 : memref<1x640x16xf32, #tpu.memory_space<hbm>> -> memref<640x16xf32, #tpu.memory_space<hbm>>
      %dma_wait3A_32 = arith.constant 0 : i32
      %dma_wait3A_33 = tpu.memref_slice %arg7[%mul3A_18, %dma_wait3A_32] : memref<10240x16xf32, #tpu.memory_space<vmem_shared>> -> memref<640x16xf32, #tpu.memory_space<vmem_shared>>
      tpu.wait_dma2 semaphore(%run_scoped3A : memref<!tpu.dma_semaphore, #tpu.memory_space<semaphore_mem>>) src(%dma_wait3A_33 : memref<640x16xf32, #tpu.memory_space<vmem_shared>>) dst(%dma_wait3A_31 : memref<640x16xf32, #tpu.memory_space<hbm>>)
      tpu.yield
    }) : () -> ()
    return
  }
}

#map = affine_map<(d0, d1) -> (0, 0)>
#map1 = affine_map<(d0, d1) -> (0, 0, 0)>
module attributes {stable_mosaic.version = 14 : i64} {
  func.func @_agg_sc(%arg0: i32, %arg1: i32, %arg2: memref<10240x16xf32, #tpu.memory_space<hbm>>, %arg3: memref<2560x128xi32, #tpu.memory_space<hbm>>, %arg4: memref<2560x128xi32, #tpu.memory_space<hbm>>, %arg5: memref<2x10240x16xf32, #tpu.memory_space<hbm>>, %arg6: memref<80x128xi32, #tpu.memory_space<vmem>>, %arg7: memref<80x128xi32, #tpu.memory_space<vmem>>, %arg8: memref<128x16xf32, #tpu.memory_space<vmem>>, %arg9: memref<!tpu.dma_semaphore, #tpu.memory_space<semaphore_mem>>, %arg10: memref<10240x16xf32, #tpu.memory_space<vmem_shared>>) attributes {dimension_semantics = [#tpu.dimension_semantics<core_parallel>, #tpu.dimension_semantics<subcore_parallel>], iteration_bounds = array<i64: 2, 16>, scalar_prefetch = 0 : i64, scratch_operands = 5 : i64, tpu.core_type = #tpu.core_type<sc_vector_subcore>, window_params = [{transform_indices = #map}, {transform_indices = #map}, {transform_indices = #map}, {transform_indices = #map1}]} {
    %mul3A = arith.constant 2 : i32
    %mul3A_0 = arith.muli %arg1, %mul3A : i32
    %add3A = arith.addi %mul3A_0, %arg0 : i32
    %mul3A_1 = arith.constant 80 : i32
    %mul3A_2 = arith.muli %add3A, %mul3A_1 : i32
    "tpu.region"() ({
      %run_scoped3A = tpu.sem_alloc : memref<!tpu.dma_semaphore, #tpu.memory_space<semaphore_mem>>
      %dma_start3A = arith.constant 0 : i32
      %dma_start3A_13 = tpu.memref_slice %arg3[%mul3A_2, %dma_start3A] : memref<2560x128xi32, #tpu.memory_space<hbm>> -> memref<80x128xi32, #tpu.memory_space<hbm>>
      %dma_start3A_14 = arith.constant 0 : i32
      %dma_start3A_15 = tpu.memref_slice %arg3[%mul3A_2, %dma_start3A_14] : memref<2560x128xi32, #tpu.memory_space<hbm>> -> memref<80x128xi32, #tpu.memory_space<hbm>>
      tpu.enqueue_dma source(%dma_start3A_15 : memref<80x128xi32, #tpu.memory_space<hbm>>) target(%arg6 : memref<80x128xi32, #tpu.memory_space<vmem>>) target_semaphore(%run_scoped3A : memref<!tpu.dma_semaphore, #tpu.memory_space<semaphore_mem>>)
      %dma_wait3A = arith.constant 0 : i32
      %dma_wait3A_16 = tpu.memref_slice %arg3[%mul3A_2, %dma_wait3A] : memref<2560x128xi32, #tpu.memory_space<hbm>> -> memref<80x128xi32, #tpu.memory_space<hbm>>
      %dma_wait3A_17 = arith.constant 0 : i32
      %dma_wait3A_18 = tpu.memref_slice %arg3[%mul3A_2, %dma_wait3A_17] : memref<2560x128xi32, #tpu.memory_space<hbm>> -> memref<80x128xi32, #tpu.memory_space<hbm>>
      tpu.wait_dma2 semaphore(%run_scoped3A : memref<!tpu.dma_semaphore, #tpu.memory_space<semaphore_mem>>) src(%dma_wait3A_18 : memref<80x128xi32, #tpu.memory_space<hbm>>) dst(%arg6 : memref<80x128xi32, #tpu.memory_space<vmem>>)
      tpu.yield
    }) : () -> ()
    %mul3A_3 = arith.constant 80 : i32
    %mul3A_4 = arith.muli %add3A, %mul3A_3 : i32
    "tpu.region"() ({
      %run_scoped3A = tpu.sem_alloc : memref<!tpu.dma_semaphore, #tpu.memory_space<semaphore_mem>>
      %dma_start3A = arith.constant 0 : i32
      %dma_start3A_13 = tpu.memref_slice %arg4[%mul3A_4, %dma_start3A] : memref<2560x128xi32, #tpu.memory_space<hbm>> -> memref<80x128xi32, #tpu.memory_space<hbm>>
      %dma_start3A_14 = arith.constant 0 : i32
      %dma_start3A_15 = tpu.memref_slice %arg4[%mul3A_4, %dma_start3A_14] : memref<2560x128xi32, #tpu.memory_space<hbm>> -> memref<80x128xi32, #tpu.memory_space<hbm>>
      tpu.enqueue_dma source(%dma_start3A_15 : memref<80x128xi32, #tpu.memory_space<hbm>>) target(%arg7 : memref<80x128xi32, #tpu.memory_space<vmem>>) target_semaphore(%run_scoped3A : memref<!tpu.dma_semaphore, #tpu.memory_space<semaphore_mem>>)
      %dma_wait3A = arith.constant 0 : i32
      %dma_wait3A_16 = tpu.memref_slice %arg4[%mul3A_4, %dma_wait3A] : memref<2560x128xi32, #tpu.memory_space<hbm>> -> memref<80x128xi32, #tpu.memory_space<hbm>>
      %dma_wait3A_17 = arith.constant 0 : i32
      %dma_wait3A_18 = tpu.memref_slice %arg4[%mul3A_4, %dma_wait3A_17] : memref<2560x128xi32, #tpu.memory_space<hbm>> -> memref<80x128xi32, #tpu.memory_space<hbm>>
      tpu.wait_dma2 semaphore(%run_scoped3A : memref<!tpu.dma_semaphore, #tpu.memory_space<semaphore_mem>>) src(%dma_wait3A_18 : memref<80x128xi32, #tpu.memory_space<hbm>>) dst(%arg7 : memref<80x128xi32, #tpu.memory_space<vmem>>)
      tpu.yield
    }) : () -> ()
    %mul3A_5 = arith.constant 640 : i32
    %mul3A_6 = arith.muli %arg1, %mul3A_5 : i32
    "tpu.region"() ({
      %run_scoped3A = tpu.sem_alloc : memref<!tpu.dma_semaphore, #tpu.memory_space<semaphore_mem>>
      %dma_start3A = arith.constant 0 : i32
      %dma_start3A_13 = tpu.memref_slice %arg10[%mul3A_6, %dma_start3A] : memref<10240x16xf32, #tpu.memory_space<vmem_shared>> -> memref<640x16xf32, #tpu.memory_space<vmem_shared>>
      %dma_start3A_14 = arith.constant 0 : i32
      %dma_start3A_15 = tpu.memref_slice %arg2[%mul3A_6, %dma_start3A_14] : memref<10240x16xf32, #tpu.memory_space<hbm>> -> memref<640x16xf32, #tpu.memory_space<hbm>>
      tpu.enqueue_dma source(%dma_start3A_15 : memref<640x16xf32, #tpu.memory_space<hbm>>) target(%dma_start3A_13 : memref<640x16xf32, #tpu.memory_space<vmem_shared>>) target_semaphore(%run_scoped3A : memref<!tpu.dma_semaphore, #tpu.memory_space<semaphore_mem>>)
      %dma_wait3A = arith.constant 0 : i32
      %dma_wait3A_16 = tpu.memref_slice %arg10[%mul3A_6, %dma_wait3A] : memref<10240x16xf32, #tpu.memory_space<vmem_shared>> -> memref<640x16xf32, #tpu.memory_space<vmem_shared>>
      %dma_wait3A_17 = arith.constant 0 : i32
      %dma_wait3A_18 = tpu.memref_slice %arg2[%mul3A_6, %dma_wait3A_17] : memref<10240x16xf32, #tpu.memory_space<hbm>> -> memref<640x16xf32, #tpu.memory_space<hbm>>
      tpu.wait_dma2 semaphore(%run_scoped3A : memref<!tpu.dma_semaphore, #tpu.memory_space<semaphore_mem>>) src(%dma_wait3A_18 : memref<640x16xf32, #tpu.memory_space<hbm>>) dst(%dma_wait3A_16 : memref<640x16xf32, #tpu.memory_space<vmem_shared>>)
      tpu.yield
    }) : () -> ()
    %barrier3A = arith.constant 0 : index
    tpu.barrier barrier_id(%barrier3A)
    %scan3A = arith.constant 0 : i32
    %scan3A_7 = arith.constant 0 : i32
    %scan3A_8 = arith.constant 80 : i32
    %scan3A_9 = arith.addi %scan3A_7, %scan3A_8 : i32
    %scan3A_10 = arith.constant 1 : i32
    scf.for %scan3A_13 = %scan3A_7 to %scan3A_9 step %scan3A_10  : i32 {
      %dma_start3A = arith.constant 0 : i32
      %dma_start3A_14 = tpu.memref_slice %arg6[%scan3A_13, %dma_start3A] : memref<80x128xi32, #tpu.memory_space<vmem>> -> memref<1x128xi32, #tpu.memory_space<vmem>>
      %dma_start3A_15 = tpu.memref_squeeze %dma_start3A_14 : memref<1x128xi32, #tpu.memory_space<vmem>> -> memref<128xi32, #tpu.memory_space<vmem>>
      %dma_start3A_16 = arith.constant 0 : i32
      %dma_start3A_17 = arith.constant 0 : i32
      %dma_start3A_18 = tpu.memref_slice %arg2[%dma_start3A_16, %dma_start3A_17] : memref<10240x16xf32, #tpu.memory_space<hbm>> -> memref<10240x16xf32, #tpu.memory_space<hbm>>
      tpu.enqueue_indirect_dma source(%dma_start3A_18 : memref<10240x16xf32, #tpu.memory_space<hbm>>) target(%arg8 : memref<128x16xf32, #tpu.memory_space<vmem>>) offsets(%dma_start3A_15 : memref<128xi32, #tpu.memory_space<vmem>>) semaphore(%arg9 : memref<!tpu.dma_semaphore, #tpu.memory_space<semaphore_mem>>)
      %dma_wait3A = arith.constant 0 : i32
      %dma_wait3A_19 = tpu.memref_slice %arg6[%scan3A_13, %dma_wait3A] : memref<80x128xi32, #tpu.memory_space<vmem>> -> memref<1x128xi32, #tpu.memory_space<vmem>>
      %dma_wait3A_20 = tpu.memref_squeeze %dma_wait3A_19 : memref<1x128xi32, #tpu.memory_space<vmem>> -> memref<128xi32, #tpu.memory_space<vmem>>
      %dma_wait3A_21 = arith.constant 0 : i32
      %dma_wait3A_22 = arith.constant 0 : i32
      %dma_wait3A_23 = tpu.memref_slice %arg2[%dma_wait3A_21, %dma_wait3A_22] : memref<10240x16xf32, #tpu.memory_space<hbm>> -> memref<10240x16xf32, #tpu.memory_space<hbm>>
      tpu.wait_indirect_dma semaphore(%arg9 : memref<!tpu.dma_semaphore, #tpu.memory_space<semaphore_mem>>) src(%dma_wait3A_23 : memref<10240x16xf32, #tpu.memory_space<hbm>>) dst(%arg8 : memref<128x16xf32, #tpu.memory_space<vmem>>)
      "tpu.region"() ({
        %run_scoped3A = tpu.sem_alloc : memref<!tpu.dma_semaphore, #tpu.memory_space<semaphore_mem>>
        %dma_start3A_24 = arith.constant 0 : i32
        %dma_start3A_25 = tpu.memref_slice %arg7[%scan3A_13, %dma_start3A_24] : memref<80x128xi32, #tpu.memory_space<vmem>> -> memref<1x128xi32, #tpu.memory_space<vmem>>
        %dma_start3A_26 = tpu.memref_squeeze %dma_start3A_25 : memref<1x128xi32, #tpu.memory_space<vmem>> -> memref<128xi32, #tpu.memory_space<vmem>>
        %dma_start3A_27 = arith.constant 0 : i32
        %dma_start3A_28 = arith.constant 0 : i32
        %dma_start3A_29 = tpu.memref_slice %arg10[%dma_start3A_27, %dma_start3A_28] : memref<10240x16xf32, #tpu.memory_space<vmem_shared>> -> memref<10240x16xf32, #tpu.memory_space<vmem_shared>>
        tpu.enqueue_indirect_dma source(%arg8 : memref<128x16xf32, #tpu.memory_space<vmem>>) target(%dma_start3A_29 : memref<10240x16xf32, #tpu.memory_space<vmem_shared>>) offsets(%dma_start3A_26 : memref<128xi32, #tpu.memory_space<vmem>>) semaphore(%run_scoped3A : memref<!tpu.dma_semaphore, #tpu.memory_space<semaphore_mem>>) {add = true}
        %dma_wait3A_30 = arith.constant 0 : i32
        %dma_wait3A_31 = tpu.memref_slice %arg7[%scan3A_13, %dma_wait3A_30] : memref<80x128xi32, #tpu.memory_space<vmem>> -> memref<1x128xi32, #tpu.memory_space<vmem>>
        %dma_wait3A_32 = tpu.memref_squeeze %dma_wait3A_31 : memref<1x128xi32, #tpu.memory_space<vmem>> -> memref<128xi32, #tpu.memory_space<vmem>>
        %dma_wait3A_33 = arith.constant 0 : i32
        %dma_wait3A_34 = arith.constant 0 : i32
        %dma_wait3A_35 = tpu.memref_slice %arg10[%dma_wait3A_33, %dma_wait3A_34] : memref<10240x16xf32, #tpu.memory_space<vmem_shared>> -> memref<10240x16xf32, #tpu.memory_space<vmem_shared>>
        tpu.wait_indirect_dma semaphore(%run_scoped3A : memref<!tpu.dma_semaphore, #tpu.memory_space<semaphore_mem>>) src(%arg8 : memref<128x16xf32, #tpu.memory_space<vmem>>) dst(%dma_wait3A_35 : memref<10240x16xf32, #tpu.memory_space<vmem_shared>>)
        tpu.yield
      }) : () -> ()
    }
    %scan3A_11 = arith.constant 80 : i32
    %barrier3A_12 = arith.constant 0 : index
    tpu.barrier barrier_id(%barrier3A_12)
    "tpu.region"() ({
      %run_scoped3A = tpu.sem_alloc : memref<!tpu.dma_semaphore, #tpu.memory_space<semaphore_mem>>
      %dma_start3A = arith.constant 0 : i32
      %dma_start3A_13 = tpu.memref_slice %arg5[%arg0, %mul3A_6, %dma_start3A] : memref<2x10240x16xf32, #tpu.memory_space<hbm>> -> memref<1x640x16xf32, #tpu.memory_space<hbm>>
      %dma_start3A_14 = tpu.memref_squeeze %dma_start3A_13 : memref<1x640x16xf32, #tpu.memory_space<hbm>> -> memref<640x16xf32, #tpu.memory_space<hbm>>
      %dma_start3A_15 = arith.constant 0 : i32
      %dma_start3A_16 = tpu.memref_slice %arg10[%mul3A_6, %dma_start3A_15] : memref<10240x16xf32, #tpu.memory_space<vmem_shared>> -> memref<640x16xf32, #tpu.memory_space<vmem_shared>>
      tpu.enqueue_dma source(%dma_start3A_16 : memref<640x16xf32, #tpu.memory_space<vmem_shared>>) target(%dma_start3A_14 : memref<640x16xf32, #tpu.memory_space<hbm>>) target_semaphore(%run_scoped3A : memref<!tpu.dma_semaphore, #tpu.memory_space<semaphore_mem>>)
      %dma_wait3A = arith.constant 0 : i32
      %dma_wait3A_17 = tpu.memref_slice %arg5[%arg0, %mul3A_6, %dma_wait3A] : memref<2x10240x16xf32, #tpu.memory_space<hbm>> -> memref<1x640x16xf32, #tpu.memory_space<hbm>>
      %dma_wait3A_18 = tpu.memref_squeeze %dma_wait3A_17 : memref<1x640x16xf32, #tpu.memory_space<hbm>> -> memref<640x16xf32, #tpu.memory_space<hbm>>
      %dma_wait3A_19 = arith.constant 0 : i32
      %dma_wait3A_20 = tpu.memref_slice %arg10[%mul3A_6, %dma_wait3A_19] : memref<10240x16xf32, #tpu.memory_space<vmem_shared>> -> memref<640x16xf32, #tpu.memory_space<vmem_shared>>
      tpu.wait_dma2 semaphore(%run_scoped3A : memref<!tpu.dma_semaphore, #tpu.memory_space<semaphore_mem>>) src(%dma_wait3A_20 : memref<640x16xf32, #tpu.memory_space<vmem_shared>>) dst(%dma_wait3A_18 : memref<640x16xf32, #tpu.memory_space<hbm>>)
      tpu.yield
    }) : () -> ()
    return
  }
}

#map = affine_map<(d0, d1) -> (0, 0)>
#map1 = affine_map<(d0, d1) -> (0, 0, 0)>
module attributes {stable_mosaic.version = 14 : i64} {
  func.func @_agg_sc(%arg0: i32, %arg1: i32, %arg2: memref<10240x16xf32, #tpu.memory_space<hbm>>, %arg3: memref<2560x128xi32, #tpu.memory_space<hbm>>, %arg4: memref<2560x128xi32, #tpu.memory_space<hbm>>, %arg5: memref<2x10240x16xf32, #tpu.memory_space<hbm>>, %arg6: memref<80x128xi32, #tpu.memory_space<vmem>>, %arg7: memref<80x128xi32, #tpu.memory_space<vmem>>, %arg8: memref<128x16xf32, #tpu.memory_space<vmem>>, %arg9: memref<!tpu.dma_semaphore, #tpu.memory_space<semaphore_mem>>, %arg10: memref<10240x16xf32, #tpu.memory_space<vmem_shared>>) attributes {dimension_semantics = [#tpu.dimension_semantics<core_parallel>, #tpu.dimension_semantics<subcore_parallel>], iteration_bounds = array<i64: 2, 16>, scalar_prefetch = 0 : i64, scratch_operands = 5 : i64, tpu.core_type = #tpu.core_type<sc_vector_subcore>, window_params = [{transform_indices = #map}, {transform_indices = #map}, {transform_indices = #map}, {transform_indices = #map1}]} {
    %mul3A = arith.constant 2 : i32
    %mul3A_0 = arith.muli %arg1, %mul3A : i32
    %add3A = arith.addi %mul3A_0, %arg0 : i32
    %mul3A_1 = arith.constant 80 : i32
    %mul3A_2 = arith.muli %add3A, %mul3A_1 : i32
    "tpu.region"() ({
      %run_scoped3A = tpu.sem_alloc : memref<!tpu.dma_semaphore, #tpu.memory_space<semaphore_mem>>
      %dma_start3A = arith.constant 0 : i32
      %dma_start3A_13 = tpu.memref_slice %arg3[%mul3A_2, %dma_start3A] : memref<2560x128xi32, #tpu.memory_space<hbm>> -> memref<80x128xi32, #tpu.memory_space<hbm>>
      %dma_start3A_14 = arith.constant 0 : i32
      %dma_start3A_15 = tpu.memref_slice %arg3[%mul3A_2, %dma_start3A_14] : memref<2560x128xi32, #tpu.memory_space<hbm>> -> memref<80x128xi32, #tpu.memory_space<hbm>>
      tpu.enqueue_dma source(%dma_start3A_15 : memref<80x128xi32, #tpu.memory_space<hbm>>) target(%arg6 : memref<80x128xi32, #tpu.memory_space<vmem>>) target_semaphore(%run_scoped3A : memref<!tpu.dma_semaphore, #tpu.memory_space<semaphore_mem>>)
      %dma_wait3A = arith.constant 0 : i32
      %dma_wait3A_16 = tpu.memref_slice %arg3[%mul3A_2, %dma_wait3A] : memref<2560x128xi32, #tpu.memory_space<hbm>> -> memref<80x128xi32, #tpu.memory_space<hbm>>
      %dma_wait3A_17 = arith.constant 0 : i32
      %dma_wait3A_18 = tpu.memref_slice %arg3[%mul3A_2, %dma_wait3A_17] : memref<2560x128xi32, #tpu.memory_space<hbm>> -> memref<80x128xi32, #tpu.memory_space<hbm>>
      tpu.wait_dma2 semaphore(%run_scoped3A : memref<!tpu.dma_semaphore, #tpu.memory_space<semaphore_mem>>) src(%dma_wait3A_18 : memref<80x128xi32, #tpu.memory_space<hbm>>) dst(%arg6 : memref<80x128xi32, #tpu.memory_space<vmem>>)
      tpu.yield
    }) : () -> ()
    %mul3A_3 = arith.constant 80 : i32
    %mul3A_4 = arith.muli %add3A, %mul3A_3 : i32
    "tpu.region"() ({
      %run_scoped3A = tpu.sem_alloc : memref<!tpu.dma_semaphore, #tpu.memory_space<semaphore_mem>>
      %dma_start3A = arith.constant 0 : i32
      %dma_start3A_13 = tpu.memref_slice %arg4[%mul3A_4, %dma_start3A] : memref<2560x128xi32, #tpu.memory_space<hbm>> -> memref<80x128xi32, #tpu.memory_space<hbm>>
      %dma_start3A_14 = arith.constant 0 : i32
      %dma_start3A_15 = tpu.memref_slice %arg4[%mul3A_4, %dma_start3A_14] : memref<2560x128xi32, #tpu.memory_space<hbm>> -> memref<80x128xi32, #tpu.memory_space<hbm>>
      tpu.enqueue_dma source(%dma_start3A_15 : memref<80x128xi32, #tpu.memory_space<hbm>>) target(%arg7 : memref<80x128xi32, #tpu.memory_space<vmem>>) target_semaphore(%run_scoped3A : memref<!tpu.dma_semaphore, #tpu.memory_space<semaphore_mem>>)
      %dma_wait3A = arith.constant 0 : i32
      %dma_wait3A_16 = tpu.memref_slice %arg4[%mul3A_4, %dma_wait3A] : memref<2560x128xi32, #tpu.memory_space<hbm>> -> memref<80x128xi32, #tpu.memory_space<hbm>>
      %dma_wait3A_17 = arith.constant 0 : i32
      %dma_wait3A_18 = tpu.memref_slice %arg4[%mul3A_4, %dma_wait3A_17] : memref<2560x128xi32, #tpu.memory_space<hbm>> -> memref<80x128xi32, #tpu.memory_space<hbm>>
      tpu.wait_dma2 semaphore(%run_scoped3A : memref<!tpu.dma_semaphore, #tpu.memory_space<semaphore_mem>>) src(%dma_wait3A_18 : memref<80x128xi32, #tpu.memory_space<hbm>>) dst(%arg7 : memref<80x128xi32, #tpu.memory_space<vmem>>)
      tpu.yield
    }) : () -> ()
    %mul3A_5 = arith.constant 640 : i32
    %mul3A_6 = arith.muli %arg1, %mul3A_5 : i32
    "tpu.region"() ({
      %run_scoped3A = tpu.sem_alloc : memref<!tpu.dma_semaphore, #tpu.memory_space<semaphore_mem>>
      %dma_start3A = arith.constant 0 : i32
      %dma_start3A_13 = tpu.memref_slice %arg10[%mul3A_6, %dma_start3A] : memref<10240x16xf32, #tpu.memory_space<vmem_shared>> -> memref<640x16xf32, #tpu.memory_space<vmem_shared>>
      %dma_start3A_14 = arith.constant 0 : i32
      %dma_start3A_15 = tpu.memref_slice %arg2[%mul3A_6, %dma_start3A_14] : memref<10240x16xf32, #tpu.memory_space<hbm>> -> memref<640x16xf32, #tpu.memory_space<hbm>>
      tpu.enqueue_dma source(%dma_start3A_15 : memref<640x16xf32, #tpu.memory_space<hbm>>) target(%dma_start3A_13 : memref<640x16xf32, #tpu.memory_space<vmem_shared>>) target_semaphore(%run_scoped3A : memref<!tpu.dma_semaphore, #tpu.memory_space<semaphore_mem>>)
      %dma_wait3A = arith.constant 0 : i32
      %dma_wait3A_16 = tpu.memref_slice %arg10[%mul3A_6, %dma_wait3A] : memref<10240x16xf32, #tpu.memory_space<vmem_shared>> -> memref<640x16xf32, #tpu.memory_space<vmem_shared>>
      %dma_wait3A_17 = arith.constant 0 : i32
      %dma_wait3A_18 = tpu.memref_slice %arg2[%mul3A_6, %dma_wait3A_17] : memref<10240x16xf32, #tpu.memory_space<hbm>> -> memref<640x16xf32, #tpu.memory_space<hbm>>
      tpu.wait_dma2 semaphore(%run_scoped3A : memref<!tpu.dma_semaphore, #tpu.memory_space<semaphore_mem>>) src(%dma_wait3A_18 : memref<640x16xf32, #tpu.memory_space<hbm>>) dst(%dma_wait3A_16 : memref<640x16xf32, #tpu.memory_space<vmem_shared>>)
      tpu.yield
    }) : () -> ()
    %barrier3A = arith.constant 0 : index
    tpu.barrier barrier_id(%barrier3A)
    %scan3A = arith.constant 0 : i32
    %scan3A_7 = arith.constant 0 : i32
    %scan3A_8 = arith.constant 80 : i32
    %scan3A_9 = arith.addi %scan3A_7, %scan3A_8 : i32
    %scan3A_10 = arith.constant 1 : i32
    scf.for %scan3A_13 = %scan3A_7 to %scan3A_9 step %scan3A_10  : i32 {
      %dma_start3A = arith.constant 0 : i32
      %dma_start3A_14 = tpu.memref_slice %arg6[%scan3A_13, %dma_start3A] : memref<80x128xi32, #tpu.memory_space<vmem>> -> memref<1x128xi32, #tpu.memory_space<vmem>>
      %dma_start3A_15 = tpu.memref_squeeze %dma_start3A_14 : memref<1x128xi32, #tpu.memory_space<vmem>> -> memref<128xi32, #tpu.memory_space<vmem>>
      %dma_start3A_16 = arith.constant 0 : i32
      %dma_start3A_17 = arith.constant 0 : i32
      %dma_start3A_18 = tpu.memref_slice %arg2[%dma_start3A_16, %dma_start3A_17] : memref<10240x16xf32, #tpu.memory_space<hbm>> -> memref<10240x16xf32, #tpu.memory_space<hbm>>
      tpu.enqueue_indirect_dma source(%dma_start3A_18 : memref<10240x16xf32, #tpu.memory_space<hbm>>) target(%arg8 : memref<128x16xf32, #tpu.memory_space<vmem>>) offsets(%dma_start3A_15 : memref<128xi32, #tpu.memory_space<vmem>>) semaphore(%arg9 : memref<!tpu.dma_semaphore, #tpu.memory_space<semaphore_mem>>)
      %dma_wait3A = arith.constant 0 : i32
      %dma_wait3A_19 = tpu.memref_slice %arg6[%scan3A_13, %dma_wait3A] : memref<80x128xi32, #tpu.memory_space<vmem>> -> memref<1x128xi32, #tpu.memory_space<vmem>>
      %dma_wait3A_20 = tpu.memref_squeeze %dma_wait3A_19 : memref<1x128xi32, #tpu.memory_space<vmem>> -> memref<128xi32, #tpu.memory_space<vmem>>
      %dma_wait3A_21 = arith.constant 0 : i32
      %dma_wait3A_22 = arith.constant 0 : i32
      %dma_wait3A_23 = tpu.memref_slice %arg2[%dma_wait3A_21, %dma_wait3A_22] : memref<10240x16xf32, #tpu.memory_space<hbm>> -> memref<10240x16xf32, #tpu.memory_space<hbm>>
      tpu.wait_indirect_dma semaphore(%arg9 : memref<!tpu.dma_semaphore, #tpu.memory_space<semaphore_mem>>) src(%dma_wait3A_23 : memref<10240x16xf32, #tpu.memory_space<hbm>>) dst(%arg8 : memref<128x16xf32, #tpu.memory_space<vmem>>)
      "tpu.region"() ({
        %run_scoped3A = tpu.sem_alloc : memref<!tpu.dma_semaphore, #tpu.memory_space<semaphore_mem>>
        %dma_start3A_24 = arith.constant 0 : i32
        %dma_start3A_25 = tpu.memref_slice %arg7[%scan3A_13, %dma_start3A_24] : memref<80x128xi32, #tpu.memory_space<vmem>> -> memref<1x128xi32, #tpu.memory_space<vmem>>
        %dma_start3A_26 = tpu.memref_squeeze %dma_start3A_25 : memref<1x128xi32, #tpu.memory_space<vmem>> -> memref<128xi32, #tpu.memory_space<vmem>>
        %dma_start3A_27 = arith.constant 0 : i32
        %dma_start3A_28 = arith.constant 0 : i32
        %dma_start3A_29 = tpu.memref_slice %arg10[%dma_start3A_27, %dma_start3A_28] : memref<10240x16xf32, #tpu.memory_space<vmem_shared>> -> memref<10240x16xf32, #tpu.memory_space<vmem_shared>>
        tpu.enqueue_indirect_dma source(%arg8 : memref<128x16xf32, #tpu.memory_space<vmem>>) target(%dma_start3A_29 : memref<10240x16xf32, #tpu.memory_space<vmem_shared>>) offsets(%dma_start3A_26 : memref<128xi32, #tpu.memory_space<vmem>>) semaphore(%run_scoped3A : memref<!tpu.dma_semaphore, #tpu.memory_space<semaphore_mem>>) {add = true}
        %dma_wait3A_30 = arith.constant 0 : i32
        %dma_wait3A_31 = tpu.memref_slice %arg7[%scan3A_13, %dma_wait3A_30] : memref<80x128xi32, #tpu.memory_space<vmem>> -> memref<1x128xi32, #tpu.memory_space<vmem>>
        %dma_wait3A_32 = tpu.memref_squeeze %dma_wait3A_31 : memref<1x128xi32, #tpu.memory_space<vmem>> -> memref<128xi32, #tpu.memory_space<vmem>>
        %dma_wait3A_33 = arith.constant 0 : i32
        %dma_wait3A_34 = arith.constant 0 : i32
        %dma_wait3A_35 = tpu.memref_slice %arg10[%dma_wait3A_33, %dma_wait3A_34] : memref<10240x16xf32, #tpu.memory_space<vmem_shared>> -> memref<10240x16xf32, #tpu.memory_space<vmem_shared>>
        tpu.wait_indirect_dma semaphore(%run_scoped3A : memref<!tpu.dma_semaphore, #tpu.memory_space<semaphore_mem>>) src(%arg8 : memref<128x16xf32, #tpu.memory_space<vmem>>) dst(%dma_wait3A_35 : memref<10240x16xf32, #tpu.memory_space<vmem_shared>>)
        tpu.yield
      }) : () -> ()
    }
    %scan3A_11 = arith.constant 80 : i32
    %barrier3A_12 = arith.constant 0 : index
    tpu.barrier barrier_id(%barrier3A_12)
    "tpu.region"() ({
      %run_scoped3A = tpu.sem_alloc : memref<!tpu.dma_semaphore, #tpu.memory_space<semaphore_mem>>
      %dma_start3A = arith.constant 0 : i32
      %dma_start3A_13 = tpu.memref_slice %arg5[%arg0, %mul3A_6, %dma_start3A] : memref<2x10240x16xf32, #tpu.memory_space<hbm>> -> memref<1x640x16xf32, #tpu.memory_space<hbm>>
      %dma_start3A_14 = tpu.memref_squeeze %dma_start3A_13 : memref<1x640x16xf32, #tpu.memory_space<hbm>> -> memref<640x16xf32, #tpu.memory_space<hbm>>
      %dma_start3A_15 = arith.constant 0 : i32
      %dma_start3A_16 = tpu.memref_slice %arg10[%mul3A_6, %dma_start3A_15] : memref<10240x16xf32, #tpu.memory_space<vmem_shared>> -> memref<640x16xf32, #tpu.memory_space<vmem_shared>>
      tpu.enqueue_dma source(%dma_start3A_16 : memref<640x16xf32, #tpu.memory_space<vmem_shared>>) target(%dma_start3A_14 : memref<640x16xf32, #tpu.memory_space<hbm>>) target_semaphore(%run_scoped3A : memref<!tpu.dma_semaphore, #tpu.memory_space<semaphore_mem>>)
      %dma_wait3A = arith.constant 0 : i32
      %dma_wait3A_17 = tpu.memref_slice %arg5[%arg0, %mul3A_6, %dma_wait3A] : memref<2x10240x16xf32, #tpu.memory_space<hbm>> -> memref<1x640x16xf32, #tpu.memory_space<hbm>>
      %dma_wait3A_18 = tpu.memref_squeeze %dma_wait3A_17 : memref<1x640x16xf32, #tpu.memory_space<hbm>> -> memref<640x16xf32, #tpu.memory_space<hbm>>
      %dma_wait3A_19 = arith.constant 0 : i32
      %dma_wait3A_20 = tpu.memref_slice %arg10[%mul3A_6, %dma_wait3A_19] : memref<10240x16xf32, #tpu.memory_space<vmem_shared>> -> memref<640x16xf32, #tpu.memory_space<vmem_shared>>
      tpu.wait_dma2 semaphore(%run_scoped3A : memref<!tpu.dma_semaphore, #tpu.memory_space<semaphore_mem>>) src(%dma_wait3A_20 : memref<640x16xf32, #tpu.memory_space<vmem_shared>>) dst(%dma_wait3A_18 : memref<640x16xf32, #tpu.memory_space<hbm>>)
      tpu.yield
    }) : () -> ()
    return
  }
}

module attributes {stable_mosaic.version = 14 : i64} {
  func.func @_tc_a_body(%arg0: memref<10240x128xf32, #tpu.memory_space<vmem>>, %arg1: memref<128x16xf32, #tpu.memory_space<vmem>>, %arg2: memref<2x10240x16xf32, #tpu.memory_space<vmem>>, %arg3: memref<10240x16xf32, #tpu.memory_space<vmem>>, %arg4: memref<10240x16xf32, #tpu.memory_space<vmem>>) attributes {dimension_semantics = [], scalar_prefetch = 0 : i64, scratch_operands = 0 : i64, tpu.core_type = #tpu.core_type<tc>} {
    %get3A = arith.constant 0 : index
    %get3A_0 = arith.constant 0 : index
    %get3A_1 = arith.constant 0 : index
    %get3A_2 = vector.load %arg2[%get3A, %get3A_0, %get3A_1] : memref<2x10240x16xf32, #tpu.memory_space<vmem>>, vector<1x10240x1xf32>
    %get3A_3 = vector.shape_cast %get3A_2 : vector<1x10240x1xf32> to vector<10240x1xf32>
    %get3A_4 = arith.constant 1 : index
    %get3A_5 = arith.constant 0 : index
    %get3A_6 = arith.constant 0 : index
    %get3A_7 = vector.load %arg2[%get3A_4, %get3A_5, %get3A_6] : memref<2x10240x16xf32, #tpu.memory_space<vmem>>, vector<1x10240x1xf32>
    %get3A_8 = vector.shape_cast %get3A_7 : vector<1x10240x1xf32> to vector<10240x1xf32>
    %add3A = arith.addf %get3A_3, %get3A_8 : vector<10240x1xf32>
    %add3A_9 = arith.constant 1.000000e+00 : f32
    %add3A_10 = vector.broadcast %add3A_9 : f32 to vector<10240x1xf32>
    %add3A_11 = arith.addf %add3A, %add3A_10 : vector<10240x1xf32>
    %rsqrt3A = math.rsqrt %add3A_11 : vector<10240x1xf32>
    %get3A_12 = arith.constant 0 : index
    %get3A_13 = arith.constant 0 : index
    %get3A_14 = vector.load %arg0[%get3A_12, %get3A_13] : memref<10240x128xf32, #tpu.memory_space<vmem>>, vector<10240x128xf32>
    %get3A_15 = arith.constant 0 : index
    %get3A_16 = arith.constant 0 : index
    %get3A_17 = vector.load %arg1[%get3A_15, %get3A_16] : memref<128x16xf32, #tpu.memory_space<vmem>>, vector<128x16xf32>
    %dot_general3A = arith.constant dense<0.000000e+00> : vector<10240x16xf32>
    %dot_general3A_18 = tpu.matmul %get3A_14, %get3A_17, %dot_general3A {dimension_numbers = #tpu.dot_dimension_numbers<[1], [0], [0], [1], [0, 0, 1, 1], [], []>, transpose_lhs_hint = false} : vector<10240x128xf32>, vector<128x16xf32>, vector<10240x16xf32> -> vector<10240x16xf32>
    %mul3A = vector.broadcast %rsqrt3A : vector<10240x1xf32> to vector<10240x16xf32>
    %mul3A_19 = arith.mulf %dot_general3A_18, %mul3A : vector<10240x16xf32>
    %swap3A = arith.constant 0 : index
    %swap3A_20 = arith.constant 0 : index
    %swap3A_21 = vector.load %arg3[%swap3A, %swap3A_20] : memref<10240x16xf32, #tpu.memory_space<vmem>>, vector<10240x16xf32>
    tpu.vector_store %arg3[%swap3A, %swap3A_20], %mul3A_19 {strides = array<i32>} : memref<10240x16xf32, #tpu.memory_space<vmem>>, vector<10240x16xf32>,
    %broadcast_in_dim3A = vector.shape_cast %rsqrt3A : vector<10240x1xf32> to vector<10240x1xf32>
    %broadcast_in_dim3A_22 = vector.broadcast %broadcast_in_dim3A : vector<10240x1xf32> to vector<10240x16xf32>
    %swap3A_23 = arith.constant 0 : index
    %swap3A_24 = arith.constant 0 : index
    %swap3A_25 = vector.load %arg4[%swap3A_23, %swap3A_24] : memref<10240x16xf32, #tpu.memory_space<vmem>>, vector<10240x16xf32>
    tpu.vector_store %arg4[%swap3A_23, %swap3A_24], %broadcast_in_dim3A_22 {strides = array<i32>} : memref<10240x16xf32, #tpu.memory_space<vmem>>, vector<10240x16xf32>,
    return
  }
}

module attributes {stable_mosaic.version = 14 : i64} {
  func.func @_tc_b_body(%arg0: memref<2x10240x16xf32, #tpu.memory_space<vmem>>, %arg1: memref<10240x16xf32, #tpu.memory_space<vmem>>, %arg2: memref<10240x16xf32, #tpu.memory_space<vmem>>, %arg3: memref<1x16xf32, #tpu.memory_space<vmem>>, %arg4: memref<10240x16xf32, #tpu.memory_space<vmem>>) attributes {dimension_semantics = [], scalar_prefetch = 0 : i64, scratch_operands = 0 : i64, tpu.core_type = #tpu.core_type<tc>} {
    %get3A = arith.constant 0 : index
    %get3A_0 = arith.constant 0 : index
    %get3A_1 = vector.load %arg2[%get3A, %get3A_0] : memref<10240x16xf32, #tpu.memory_space<vmem>>, vector<10240x16xf32>
    %get3A_2 = arith.constant 0 : index
    %get3A_3 = arith.constant 0 : index
    %get3A_4 = arith.constant 0 : index
    %get3A_5 = vector.load %arg0[%get3A_2, %get3A_3, %get3A_4] : memref<2x10240x16xf32, #tpu.memory_space<vmem>>, vector<1x10240x16xf32>
    %get3A_6 = vector.shape_cast %get3A_5 : vector<1x10240x16xf32> to vector<10240x16xf32>
    %get3A_7 = arith.constant 1 : index
    %get3A_8 = arith.constant 0 : index
    %get3A_9 = arith.constant 0 : index
    %get3A_10 = vector.load %arg0[%get3A_7, %get3A_8, %get3A_9] : memref<2x10240x16xf32, #tpu.memory_space<vmem>>, vector<1x10240x16xf32>
    %get3A_11 = vector.shape_cast %get3A_10 : vector<1x10240x16xf32> to vector<10240x16xf32>
    %add3A = arith.addf %get3A_6, %get3A_11 : vector<10240x16xf32>
    %get3A_12 = arith.constant 0 : index
    %get3A_13 = arith.constant 0 : index
    %get3A_14 = vector.load %arg1[%get3A_12, %get3A_13] : memref<10240x16xf32, #tpu.memory_space<vmem>>, vector<10240x16xf32>
    %sub3A = arith.subf %add3A, %get3A_14 : vector<10240x16xf32>
    %mul3A = arith.mulf %get3A_1, %sub3A : vector<10240x16xf32>
    %get3A_15 = arith.constant 0 : index
    %get3A_16 = arith.constant 0 : index
    %get3A_17 = vector.load %arg3[%get3A_15, %get3A_16] : memref<1x16xf32, #tpu.memory_space<vmem>>, vector<1x16xf32>
    %add3A_18 = vector.broadcast %get3A_17 : vector<1x16xf32> to vector<10240x16xf32>
    %add3A_19 = arith.addf %mul3A, %add3A_18 : vector<10240x16xf32>
    %max3A = arith.constant 0.000000e+00 : f32
    %max3A_20 = vector.broadcast %max3A : f32 to vector<10240x16xf32>
    %max3A_21 = arith.maximumf %add3A_19, %max3A_20 : vector<10240x16xf32>
    %mul3A_22 = arith.mulf %get3A_1, %max3A_21 : vector<10240x16xf32>
    %swap3A = arith.constant 0 : index
    %swap3A_23 = arith.constant 0 : index
    %swap3A_24 = vector.load %arg4[%swap3A, %swap3A_23] : memref<10240x16xf32, #tpu.memory_space<vmem>>, vector<10240x16xf32>
    tpu.vector_store %arg4[%swap3A, %swap3A_23], %mul3A_22 {strides = array<i32>} : memref<10240x16xf32, #tpu.memory_space<vmem>>, vector<10240x16xf32>,
    return
  }
}

module attributes {stable_mosaic.version = 14 : i64} {
  func.func @_tc_c_body(%arg0: memref<2x10240x16xf32, #tpu.memory_space<vmem>>, %arg1: memref<10240x16xf32, #tpu.memory_space<vmem>>, %arg2: memref<10240x16xf32, #tpu.memory_space<vmem>>, %arg3: memref<16x128xf32, #tpu.memory_space<vmem>>, %arg4: memref<1x128xf32, #tpu.memory_space<vmem>>, %arg5: memref<10240x16xf32, #tpu.memory_space<vmem>>, %arg6: memref<10240x16xf32, #tpu.memory_space<vmem>>, %arg7: memref<10240x16xf32, #tpu.memory_space<vmem>>) attributes {dimension_semantics = [], scalar_prefetch = 0 : i64, scratch_operands = 0 : i64, tpu.core_type = #tpu.core_type<tc>} {
    %get3A = arith.constant 0 : index
    %get3A_0 = arith.constant 0 : index
    %get3A_1 = vector.load %arg2[%get3A, %get3A_0] : memref<10240x16xf32, #tpu.memory_space<vmem>>, vector<10240x16xf32>
    %get3A_2 = arith.constant 0 : index
    %get3A_3 = arith.constant 0 : index
    %get3A_4 = arith.constant 0 : index
    %get3A_5 = vector.load %arg0[%get3A_2, %get3A_3, %get3A_4] : memref<2x10240x16xf32, #tpu.memory_space<vmem>>, vector<1x10240x16xf32>
    %get3A_6 = vector.shape_cast %get3A_5 : vector<1x10240x16xf32> to vector<10240x16xf32>
    %get3A_7 = arith.constant 1 : index
    %get3A_8 = arith.constant 0 : index
    %get3A_9 = arith.constant 0 : index
    %get3A_10 = vector.load %arg0[%get3A_7, %get3A_8, %get3A_9] : memref<2x10240x16xf32, #tpu.memory_space<vmem>>, vector<1x10240x16xf32>
    %get3A_11 = vector.shape_cast %get3A_10 : vector<1x10240x16xf32> to vector<10240x16xf32>
    %add3A = arith.addf %get3A_6, %get3A_11 : vector<10240x16xf32>
    %get3A_12 = arith.constant 0 : index
    %get3A_13 = arith.constant 0 : index
    %get3A_14 = vector.load %arg1[%get3A_12, %get3A_13] : memref<10240x16xf32, #tpu.memory_space<vmem>>, vector<10240x16xf32>
    %sub3A = arith.subf %add3A, %get3A_14 : vector<10240x16xf32>
    %mul3A = arith.mulf %get3A_1, %sub3A : vector<10240x16xf32>
    %get3A_15 = arith.constant 0 : index
    %get3A_16 = arith.constant 0 : index
    %get3A_17 = vector.load %arg3[%get3A_15, %get3A_16] : memref<16x128xf32, #tpu.memory_space<vmem>>, vector<16x128xf32>
    %get3A_18 = arith.constant 0 : index
    %get3A_19 = arith.constant 0 : index
    %get3A_20 = vector.load %arg4[%get3A_18, %get3A_19] : memref<1x128xf32, #tpu.memory_space<vmem>>, vector<1x128xf32>
    %dot_general3A = arith.constant dense<0.000000e+00> : vector<16x16xf32>
    %dot_general3A_21 = tpu.matmul %get3A_17, %get3A_17, %dot_general3A {dimension_numbers = #tpu.dot_dimension_numbers<[1], [1], [0], [0], [0, 0, 1, 0], [], []>, transpose_lhs_hint = false} : vector<16x128xf32>, vector<16x128xf32>, vector<16x16xf32> -> vector<16x16xf32>
    %dot_general3A_22 = arith.constant dense<0.000000e+00> : vector<16x1xf32>
    %dot_general3A_23 = tpu.matmul %get3A_17, %get3A_20, %dot_general3A_22 {dimension_numbers = #tpu.dot_dimension_numbers<[1], [1], [0], [0], [0, 0, 1, 0], [], []>, transpose_lhs_hint = false} : vector<16x128xf32>, vector<1x128xf32>, vector<16x1xf32> -> vector<16x1xf32>
    %mul3A_24 = arith.mulf %get3A_20, %get3A_20 : vector<1x128xf32>
    %reduce_sum3A = vector.shape_cast %mul3A_24 : vector<1x128xf32> to vector<1x1x128xf32>
    %reduce_sum3A_25 = arith.constant dense<0.000000e+00> : vector<1xf32>
    %reduce_sum3A_26 = vector.multi_reduction <add>, %reduce_sum3A, %reduce_sum3A_25 [1, 2] : vector<1x1x128xf32> to vector<1xf32>
    %reduce_sum3A_27 = vector.shape_cast %reduce_sum3A_26 : vector<1xf32> to vector<1x1x1xf32>
    %reduce_sum3A_28 = vector.extract %reduce_sum3A_27[0, 0, 0] : f32 from vector<1x1x1xf32>
    %dot_general3A_29 = arith.constant dense<0.000000e+00> : vector<10240x16xf32>
    %dot_general3A_30 = tpu.matmul %mul3A, %dot_general3A_21, %dot_general3A_29 {dimension_numbers = #tpu.dot_dimension_numbers<[1], [0], [0], [1], [0, 0, 1, 1], [], []>, transpose_lhs_hint = false} : vector<10240x16xf32>, vector<16x16xf32>, vector<10240x16xf32> -> vector<10240x16xf32>
    %swap3A = arith.constant 0 : index
    %swap3A_31 = arith.constant 0 : index
    %swap3A_32 = vector.load %arg5[%swap3A, %swap3A_31] : memref<10240x16xf32, #tpu.memory_space<vmem>>, vector<10240x16xf32>
    tpu.vector_store %arg5[%swap3A, %swap3A_31], %dot_general3A_30 {strides = array<i32>} : memref<10240x16xf32, #tpu.memory_space<vmem>>, vector<10240x16xf32>,
    %swap3A_33 = arith.constant 0 : index
    %swap3A_34 = arith.constant 0 : index
    %swap3A_35 = vector.load %arg6[%swap3A_33, %swap3A_34] : memref<10240x16xf32, #tpu.memory_space<vmem>>, vector<10240x16xf32>
    tpu.vector_store %arg6[%swap3A_33, %swap3A_34], %mul3A {strides = array<i32>} : memref<10240x16xf32, #tpu.memory_space<vmem>>, vector<10240x16xf32>,
    %dot_general3A_36 = arith.constant dense<0.000000e+00> : vector<10240x1xf32>
    %dot_general3A_37 = tpu.matmul %mul3A, %dot_general3A_23, %dot_general3A_36 {dimension_numbers = #tpu.dot_dimension_numbers<[1], [0], [0], [1], [0, 0, 1, 1], [], []>, transpose_lhs_hint = false} : vector<10240x16xf32>, vector<16x1xf32>, vector<10240x1xf32> -> vector<10240x1xf32>
    %mul3A_38 = arith.constant 5.000000e-01 : f32
    %mul3A_39 = arith.mulf %mul3A_38, %reduce_sum3A_28 : f32
    %add3A_40 = vector.broadcast %mul3A_39 : f32 to vector<10240x1xf32>
    %add3A_41 = arith.addf %dot_general3A_37, %add3A_40 : vector<10240x1xf32>
    %broadcast_in_dim3A = vector.shape_cast %add3A_41 : vector<10240x1xf32> to vector<10240x1xf32>
    %broadcast_in_dim3A_42 = vector.broadcast %broadcast_in_dim3A : vector<10240x1xf32> to vector<10240x16xf32>
    %swap3A_43 = arith.constant 0 : index
    %swap3A_44 = arith.constant 0 : index
    %swap3A_45 = vector.load %arg7[%swap3A_43, %swap3A_44] : memref<10240x16xf32, #tpu.memory_space<vmem>>, vector<10240x16xf32>
    tpu.vector_store %arg7[%swap3A_43, %swap3A_44], %broadcast_in_dim3A_42 {strides = array<i32>} : memref<10240x16xf32, #tpu.memory_space<vmem>>, vector<10240x16xf32>,
    return
  }
}

</mosaic_0001>

<sc_bundles>
// kernel: kernel.12.cloned.1.call-start
scs
__scs_entry_jumppad:
0x0: {  	(pc) =	sbr.rel $0x88, $3  }
0x1: {  	(tag) =	ssettag $0x0;
	lr =	simm.s32 $0x1  }
0x2: {  	[smem:$0x3F9A] =	sst lr;
	_ =	strace $0xD0000000  }
0x3: {  	_ = 	snop  }
0x4: {  	_ = 	snop  }
0x5: {  	_ = 	snop  }
0x6: {  	_ = 	snop  }
0x7: {  	_ = 	snop  }
__scs_overlays_trampoline_lowered:
0x8: {  	[smem:$0x3FA9] =	sst s0  }
0x9: {  	[smem:$0x3FAA] =	sst s1  }
0xa: {  	[smem:$0x3FAB] =	sst s2  }
0xb: {  	[smem:$0x3FAC] =	sst s3  }
0xc: {  	[smem:$0x3FAD] =	sst s4  }
0xd: {  	[smem:$0x3FAE] =	sst s5  }
0xe: {  	[smem:$0x3FAF] =	sst s6  }
0xf: {  	[smem:$0x3FB0] =	sst s7  }
0x10: {  	[smem:$0x3FB1] =	sst s8  }
0x11: {  	[smem:$0x3FB2] =	sst s9;
	s0 =	simm.s32 @!p0 $0x0  }
0x12: {  	s1 =	sld [smem:$0x3F98];
	s0 =	simm.s32 @p0 $0x1  }
0x13: {  	[smem:$0x3FB3] =	sst s0;
	s0 =	simm.s32 @!p1 $0x0  }
0x14: {  	s2 =	sld [smem:$0x3F97];
	s0 =	simm.s32 @p1 $0x1  }
0x15: {  	[smem:$0x3FB4] =	sst s0;
	s0 =	simm.s32 @!p2 $0x0  }
0x16: {  	s3 =	sld [smem:$0x3FDB];
	s0 =	simm.s32 @p2 $0x1  }
0x17: {  	s4 =	simm.s32 $0x1BF5;
	[smem:$0x3FB6] =	sst s0  }
0x18: {  	s0 =	sld [smem:$0x3F99];
	_ =	swait.ge [sflag:s4], $0x0  }
0x19: {  	s7 =	sld [smem:$0x3F9A]  }
0x1a: {  	s8 =	sadd.s32 $0xFFFFE003, lr  }
0x1b: {  	s9 =	sadd.s32 $0xFFFFFEF7, lr;
	s5 =	simm.s32 $0xFFFFFFFF;
	p2 =	slt.u32 s8, $0xFFFFF086  }
0x1c: {  	p1 =	slt.u32 s9, $0xF7A;
	s5 =	simm.s32 @!p2 $0x0  }
0x1d: {  	s5 =	simm.s32 @p1 $0x1;
	p0 =	seq.s32 s7, s2  }
0x1e: {  	s7 =	smul.u32 @!p0 $0xF7A, s2;
	p2 =	seq.s32 @!p0 s5, $0x0  }
0x1f: {  	s9 =	smul.u32 $0xF7A, s1;
	s8 =	simm.s32 @!p0 $0x1BF5;
	p2 =	por !p2, p0  }
0x20: {  	[sflag:s8] =	ssyncset.s32 @!p0 $0xFFFFF086;
	s6 =	sadd.s32 @!p0 s3, s7;
	s7 =	simm.s32 @!p0 $0x108  }
0x21: {  	s3 =	sadd.s32 s3, s9;
	s6 =	sadd.s32 @!p0 $0x88, s6;
	s7 =	simm.s32 @p2 $0x1082  }
0x22: {  	[simem:s7], [sflag:s8] =	dma.local @!p0 [hbm:s6], $0xF7A  }
0x23: {  	s9 =	sor.u32 $0xD0000000, s2;
	s6 =	simm.s32 $0x108;
	_ =	swait.ge @!p0 [sflag:s8], $0x0  }
0x24: {  	s3 =	sadd.s32 $0x88, s3;
	s6 =	simm.s32 @!p1 $0x1082;
	[sflag:s4] =	ssyncset.s32 $0xFFFFF086  }
0x25: {  	[simem:s6], [sflag:s4] =	dma.local [hbm:s3], $0xF7A  }
0x26: {  	[smem:$0x3F9A] =	sst s1;
	(tag) =	ssettag s2;
	_ =	strace s9  }
0x27: {  	s1 =	sld [smem:$0x3FAA]  }
0x28: {  	s2 =	sld [smem:$0x3FAB]  }
0x29: {  	s4 =	sld [smem:$0x3FAD]  }
0x2a: {  	p0 =	seq.s32 s5, $0x0;
	s5 =	sld [smem:$0x3FAE]  }
0x2b: {  	s6 =	sld [smem:$0x3FAF]  }
0x2c: {  	s7 =	sld [smem:$0x3FB0]  }
0x2d: {  	s3 =	simm.s32 $0x108;
	s8 =	sld [smem:$0x3FB1]  }
0x2e: {  	s3 =	simm.s32 @!p0 $0x1082;
	s9 =	sld [smem:$0x3FB2]  }
0x2f: {  	lr =	sadd.s32 s0, s3;
	s0 =	sld [smem:$0x3FA9]  }
0x30: {  	s3 =	sld [smem:$0x3FAC]  }
0x31: {  	[smem:$0x3FB5] =	sst s10  }
0x32: {  	s10 =	sld [smem:$0x3FB3];
	_ =	sdelay $0x3  }
0x33: {  	p0 =	seq.s32 s10, $0x1;
	s10 =	sld [smem:$0x3FB5];
	_ =	sdelay $0x3  }
0x34: {  	[smem:$0x3FB5] =	sst s10  }
0x35: {  	s10 =	sld [smem:$0x3FB4];
	_ =	sdelay $0x3  }
0x36: {  	p1 =	seq.s32 s10, $0x1;
	s10 =	sld [smem:$0x3FB5];
	_ =	sdelay $0x3  }
0x37: {  	[smem:$0x3FB5] =	sst s10  }
0x38: {  	s10 =	sld [smem:$0x3FB6]  }
0x39: {  	_ = 	snop;
	(pc) =	sbr.ind lr, $3  }
0x3a: {  	_ = 	snop  }
0x3b: {  	_ = 	snop  }
0x3c: {  	p2 =	seq.s32 s10, $0x1;
	s10 =	sld [smem:$0x3FB5]  }
0x3d: {  	_ =	shalt  }
0x3e: {  	_ =	shalt  }
0x3f: {  	_ =	shalt  }
0x40: {  	_ =	shalt  }
0x41: {  	_ =	shalt  }
0x42: {  	_ =	shalt  }
0x43: {  	_ =	shalt  }
0x44: {  	_ =	shalt  }
0x45: {  	_ =	shalt  }
0x46: {  	_ =	shalt  }
0x47: {  	_ =	shalt  }
0x48: {  	_ =	shalt  }
0x49: {  	_ =	shalt  }
0x4a: {  	_ =	shalt  }
0x4b: {  	_ =	shalt  }
0x4c: {  	_ =	shalt  }
0x4d: {  	_ =	shalt  }
0x4e: {  	_ =	shalt  }
0x4f: {  	_ =	shalt  }
0x50: {  	_ =	shalt  }
0x51: {  	_ =	shalt  }
0x52: {  	_ =	shalt  }
0x53: {  	_ =	shalt  }
0x54: {  	_ =	shalt  }
0x55: {  	_ =	shalt  }
0x56: {  	_ =	shalt  }
0x57: {  	_ =	shalt  }
0x58: {  	_ =	shalt  }
0x59: {  	_ =	shalt  }
0x5a: {  	_ =	shalt  }
0x5b: {  	_ =	shalt  }
0x5c: {  	_ =	shalt  }
0x5d: {  	_ =	shalt  }
0x5e: {  	_ =	shalt  }
0x5f: {  	_ =	shalt  }
0x60: {  	_ =	shalt  }
0x61: {  	_ =	shalt  }
0x62: {  	_ =	shalt  }
0x63: {  	_ =	shalt  }
0x64: {  	_ =	shalt  }
0x65: {  	_ =	shalt  }
0x66: {  	_ =	shalt  }
0x67: {  	_ =	shalt  }
0x68: {  	_ =	shalt  }
0x69: {  	_ =	shalt  }
0x6a: {  	_ =	shalt  }
0x6b: {  	_ =	shalt  }
0x6c: {  	_ =	shalt  }
0x6d: {  	_ =	shalt  }
0x6e: {  	_ =	shalt  }
0x6f: {  	_ =	shalt  }
0x70: {  	_ =	shalt  }
0x71: {  	_ =	shalt  }
0x72: {  	_ =	shalt  }
0x73: {  	_ =	shalt  }
0x74: {  	_ =	shalt  }
0x75: {  	_ =	shalt  }
0x76: {  	_ =	shalt  }
0x77: {  	_ =	shalt  }
0x78: {  	_ =	shalt  }
0x79: {  	_ =	shalt  }
0x7a: {  	_ =	shalt  }
0x7b: {  	_ =	shalt  }
0x7c: {  	_ =	shalt  }
0x7d: {  	_ =	shalt  }
0x7e: {  	_ =	shalt  }
0x7f: {  	_ =	shalt  }
0x80: {  	_ =	shalt  }
0x81: {  	_ =	shalt  }
0x82: {  	_ =	shalt  }
0x83: {  	_ =	shalt  }
0x84: {  	_ =	shalt  }
0x85: {  	_ =	shalt  }
0x86: {  	_ =	shalt  }
0x87: {  	_ =	shalt  }
.Lfunc_end0:
.L_simem_size_0:
called_computation.1_lowered:
.L_overlay_start_0:
0x88: {  	s2 =	sld [smem:$0x3FD9]  }
0x89: {  	s3 =	sld [smem:$0x3FFE];
	_ =	sdelay $0x1  }
0x8a: {  	s1 =	srdreg.scid  }
0x8b: {  	s0 =	sand.u32 $0x1, s1  }
0x8c: {  	s17 =	sshll.u32 s0, $0xA;
	s2 =	sadd.s32 s3, s2  }
0x8d: {  	s2 =	sadd.s32 s2, s17  }
0x8e: {  	[smem:$0x3FC1] =	sst s2  }
0x8f: {  	_ = 	snop  }
0x90: {  	s2 =	sld [smem:$0x3FD0];
	(tm) =	ssettm $0x1  }
0x91: {  	s18 =	sld [smem:$0x3FFB];
	_ =	sdelay $0x3  }
0x92: {  	_ =	strace s18  }
0x93: {  	s3 =	sld [smem:$0x3FFC];
	_ =	sdelay $0x3  }
0x94: {  	_ =	strace s3  }
0x95: {  	s3 =	sld [smem:$0x3FFD];
	_ =	sdelay $0x3  }
0x96: {  	_ =	strace s3  }
0x97: {  	_ =	strace $0x8FFFFFFF  }
0x98: {  	s19 =	sld [smem:$0x3FDB];
	_ =	sdelay $0x1  }
0x99: {  	s4 =	simm.s32 $_scs_section_size  }
0x9a: {  	s5 =	simm.s32 $_size__tile_overlayer_lowered;
	s6 =	simm.s32 $_tile_overlayer_lowered  }
0x9b: {  	s22 =	simm.s32 $0x1BFF;
	s21 =	sshll.u32 s6, $0x1;
	s3 =	sadd.s32 s4, s19  }
0x9c: {  	s7 =	simm.s32 $0x0;
	s20 =	sshll.u32 s5, $0x1;
	s5 =	sadd.s32 s21, s3  }
0x9d: {  	[timem:s7], [sflag:s22] =	dma.local [hbm:s5], s20  }
0x9e: {  	_ =	swait.ge [sflag:s22], s20  }
0x9f: {  	s4 =	ssub.s32 $0x0, s20;
	[sflag:s22] =	ssyncset.done $0x0  }
0xa0: {  	[sflag:s22] =	ssyncadd.s32 s4;
	_ =	sdelay $0x1  }
0xa1: {  	s23 =	simm.s32 $0x1B8B  }
0xa2: {  	_ =	swait.ge [sflag:s23], $0x1  }
0xa3: {  	[sflag:s23] =	ssyncset.done $0x0  }
0xa4: {  	s25 =	simm.s32 $0x1B8E;
	s24 =	sld [smem:$0x3FFE];
	[sflag:s23] =	ssyncadd.s32 $0xFFFFFFFF  }
0xa5: {  	s26 =	simm.s32 $execute0_lowered;
	[smem:$0x3FD2] =	sst s25  }
0xa6: {  	s5 =	sshll.u32 s26, $0x1;
	_ =	strace $0x80000049;
	[dreg:$0x1] =	wrdreg $0xFFFFFFFF  }
0xa7: {  	s28 =	simm.s32 $_size_execute0_lowered;
	s3 =	sadd.s32 s3, s5;
	[dreg:$0x0] =	wrdreg $0x0  }
0xa8: {  	s5 =	sshll.u32 s28, $0x1;
	[dreg:$0x2] =	wrdreg s3  }
0xa9: {  	[dreg:$0x3] =	wrdreg s5  }
0xaa: {  	[dreg:$0x4] =	wrdreg $0xC0  }
0xab: {  	_ =	task [dreg:s7], $0x5FFFF  }
0xac: {  	[dreg:$0x1] =	wrdreg $0xFFFFFFFF  }
0xad: {  	[dreg:$0x0] =	wrdreg $0x60  }
0xae: {  	[dreg:$0x2] =	wrdreg s24  }
0xaf: {  	[dreg:$0x3] =	wrdreg s2  }
0xb0: {  	[dreg:$0x4] =	wrdreg $0x58000  }
0xb1: {  	[dreg:$0x5] =	wrdreg $0x9  }
0xb2: {  	_ =	task.clear_ibuf [dreg:s7], $0x6FFFF;
	_ =	strace $0x90000049  }
0xb3: {  	s29 =	simm.s32 $0x9;
	_ =	strace $0x8000004B  }
0xb4: {  	_ =	swait.ge [sflag:s29], $0x1  }
0xb5: {  	[sflag:s29] =	ssyncadd.s32 $0xFFFFFFFF  }
0xb6: {  	_ =	strace $0x9000004B  }
0xb7: {  	_ =	sfence  }
0xb8: {  	s30 =	sld [smem:$0x0];
	_ =	sdelay $0x2  }
0xb9: {  	s31 =	sshll.u32 s1, $0xD;
	s1 =	sshrl.u32 s1, $0x2  }
0xba: {  	s3 =	sand.u32 $0x4000, s31;
	s1 =	sadd.s32 s1, s30  }
0xbb: {  	s0 =	sor.u32 s3, s0;
	s1 =	sshll.u32 s1, $0x11  }
0xbc: {  	s0 =	sor.u32 s1, s0  }
0xbd: {  	s0 =	sadd.s32 $0x8F2B, s0  }
0xbe: {  	[sflag:s0] =	ssyncadd.remote.s32 $0x1  }
0xbf: {  	_ =	sfence.sel $0xFFFF  }
0xc0: {  	[dreg:$0x0] =	wrdreg $0xFFFFFFFF;
	(pc) =	sbr.abs _section_cstart, $3  }
0xc1: {  	[dreg:$0x1] =	wrdreg $0xFFFFFFFF  }
0xc2: {  	_ =	task.clear_ibuf [dreg:s7], $0x2FFFF;
	_ =	strace $0x9FFFFFFF  }
0xc3: {  	(tm) =	ssettm $0x7FFFFFFF  }
tec
execute0_lowered:
.L_overlay_start_1:
0x0: {  	(tag) =	ssettag $0x1  }
0x1: {  	s5 =	rddreg [dreg:$0x0]  }
0x2: {  	s6 =	rddreg [dreg:$0x1]  }
0x3: {  	s2 =	rddreg [dreg:$0x2]  }
0x4: {  	s0 =	rddreg [dreg:$0x3];
	s3 =	simm.s32 $0x0;
	s4 =	srdreg.scid  }
0x5: {  	s1 =	stileid.u32;
	s14 =	simm.s32 $0x80;
	s15 =	simm.s32 $0x5000  }
0x6: {  	s16 =	simm.s32 $0x1;
	s17 =	simm.s32 $0x0;
	s7 =	sand.u32 $0x1, s4  }
0x7: {  	s29 =	sshll.u32 s1, $0x1;
	s8 =	smul.u32 $0x2800, s1;
	[smem:$0x7FF] =	sst s3  }
0x8: {  	s31 =	sshll.u32 s1, $0x6;
	s4 =	sor.u32 s7, s29;
	s9 =	smul.u32 $0x28000, s7  }
0x9: {  	_ =	strace $0x8000004A;
	s7 =	ssub.s32 $0x2, s7;
	s10 =	smul.u32 $0x500, s4  }
0xa: {  	s4 =	sadd.s32 $0xE00, s5;
	s12 =	sshrl.u32 s7, $0x1;
	s13 =	sadd.s32 s8, s2  }
0xb: {  	s30 =	sshrl.u32 s8, $0x3;
	s9 =	sadd.s32 s8, s9;
	s12 =	ssub.s32 s7, s12  }
0xc: {  	s7 =	sadd.s32 s4, s30;
	s13 =	sshrl.u32 s13, $0x3;
	s11 =	sadd.s32 s10, s5  }
0xd: {  	s9 =	sshrl.u32 s9, $0x3;
	s6 =	sadd.s32 s6, s10;
	s10 =	simm.s32 $0x2  }
0xe: {  	s9 =	sadd.s32 s9, s5;
	s5 =	sadd.s32 $0xAE00, s11;
	s11 =	simm.s32 $0x2800  }
0xf: {  	s8 =	sadd.s32 $0x3CE00, s9;
	s9 =	smax.u32 s12, $0x1;
	s12 =	sor.u32 $0x1C02, s31  }
.LBB2_1:
0x10: {  	[tilespmem:s3], [sflag:$0x2] =	stream.linear.gather [hbm4b:s5+s3], $0x2800, $0x38;
	[tilespmem:$0x8000] =	vst v63  }
0x11: {  	_ =	swait.ge [sflag:s10], $0x2800  }
0x12: {  	[sflag:s10] =	ssyncset.done $0x0  }
0x13: {  	[sflag:s10] =	ssyncadd.s32 $0xFFFFD800  }
0x14: {  	[tilespmem:s11], [sflag:$0x2] =	stream.linear.gather [hbm4b:s6+s3], $0x2800, $0x38;
	[tilespmem:$0x8000] =	vst v63  }
0x15: {  	_ =	swait.ge [sflag:s10], $0x2800  }
0x16: {  	[sflag:s10] =	ssyncset.done $0x0  }
0x17: {  	[sflag:s10] =	ssyncadd.s32 $0xFFFFD800  }
0x18: {  	[spmem:s13], [sflag:s12] =	dma.local [hbm:s7], $0x500  }
0x19: {  	_ =	swait.ge [sflag:s10], $0x500  }
0x1a: {  	[sflag:s10] =	ssyncset.done $0x0  }
0x1b: {  	[sflag:s10] =	ssyncadd.s32 $0xFFFFFB00  }
0x1c: {  	s18 =	simm.s32 $0x0;
	[bflag:$0x0] =	sbarrier.arrive $0xFFFF  }
0x1d: {  	[tilespmem:s15], [sflag:$0x1] =	stream.indirect.gather [hbm4b:s4+s14], $0x10, s18, s14, $0xb8;
	[tilespmem:$0x8000] =	vst v63  }
0x1e: {  	_ =	swait.ge [sflag:s16], $0x800  }
0x1f: {  	[sflag:s16] =	ssyncset.done $0x0  }
0x20: {  	s31 =	simm.s32 $0x2800;
	[sflag:s16] =	ssyncadd.s32 $0xFFFFF800  }
0x21: {  	[spmem:s2] =	stream.indirect.scatter.add.f32 [tilespmem:s15], [sflag:$0x2], $0x10, s31, s14, $0xb8;
	[tilespmem:$0x8000] =	vst v63  }
0x22: {  	_ =	swait.ge [sflag:s10], $0x800  }
0x23: {  	s19 =	simm.s32 $0x400;
	s18 =	simm.s32 $0x200;
	[sflag:s10] =	ssyncset.done $0x0  }
.LBB2_2:
0x24: {  	s20 =	sshra.s32 s18, $0x2  }
0x25: {  	[sflag:s10] =	ssyncadd.s32 $0xFFFFF800;
	s18 =	smov.u32 s19;
	s21 =	sadd.s32 $0x200, s19  }
0x26: {  	[tilespmem:s15], [sflag:$0x1] =	stream.indirect.gather [hbm4b:s4+s14], $0x10, s20, s14, $0xb8;
	[tilespmem:$0x8000] =	vst v63  }
0x27: {  	p0 =	sne.s32 s19, $0x9E00;
	_ =	swait.ge [sflag:s16], $0x800  }
.Ltmp0:
0x28: {  	[sflag:s16] =	ssyncset.done $0x0;
	(pc) =	sbr.rel @p0 .LBB2_2-.Ltmp0, $4  }
0x29: {  	s19 =	sadd.s32 $0x2800, s20;
	[sflag:s16] =	ssyncadd.s32 $0xFFFFF800  }
0x2a: {  	[spmem:s2] =	stream.indirect.scatter.add.f32 [tilespmem:s15], [sflag:$0x2], $0x10, s19, s14, $0xb8;
	[tilespmem:$0x8000] =	vst v63  }
0x2b: {  	_ =	swait.ge [sflag:s10], $0x800  }
0x2c: {  	s19 =	smov.u32 s21;
	[sflag:s10] =	ssyncset.done $0x0  }
0x2d: {  	s18 =	sshra.s32 s18, $0x2;
	[sflag:s10] =	ssyncadd.s32 $0xFFFFF800  }
0x2e: {  	[tilespmem:s15], [sflag:$0x1] =	stream.indirect.gather [hbm4b:s4+s14], $0x10, s18, s14, $0xb8;
	[tilespmem:$0x8000] =	vst v63  }
0x2f: {  	_ =	swait.ge [sflag:s16], $0x800  }
0x30: {  	[sflag:s16] =	ssyncset.done $0x0  }
0x31: {  	s18 =	sadd.s32 $0x2800, s18;
	[sflag:s16] =	ssyncadd.s32 $0xFFFFF800  }
0x32: {  	[spmem:s2] =	stream.indirect.scatter.add.f32 [tilespmem:s15], [sflag:$0x2], $0x10, s18, s14, $0xb8;
	[tilespmem:$0x8000] =	vst v63  }
0x33: {  	_ =	swait.ge [sflag:s10], $0x800  }
0x34: {  	s17 =	sadd.s32 $0x1, s17;
	[sflag:s10] =	ssyncset.done $0x0  }
0x35: {  	p0 =	sne.s32 s17, s9;
	[sflag:s10] =	ssyncadd.s32 $0xFFFFF800  }
.Ltmp1:
0x36: {  	[bflag:$0x0] =	sbarrier.arrive $0xFFFF;
	(pc) =	sbr.rel @p0 .LBB2_1-.Ltmp1, $4  }
0x37: {  	[hbm:s8], [sflag:s12] =	dma.local [spmem:s13], $0x500  }
0x38: {  	_ =	swait.ge [sflag:s10], $0x500  }
0x39: {  	[sflag:s10] =	ssyncset.done $0x0  }
0x3a: {  	[sflag:s10] =	ssyncadd.s32 $0xFFFFFB00  }
0x3b: {  	_ =	sfence.sel $0x180000  }
0x3c: {  	[bflag:$0x0] =	sbarrier.arrive $0xFFFF  }
0x3d: {  	p0 =	sne.s32 s1, $0x0;
	_ =	strace $0x9000004A  }
0x3e: {  	s0 =	sadd.s32 @!p0 $0x100000, s0;
	[bflag:$0x2] =	sbarrier.arrive $0xFFFF  }
0x3f: {  	[sflag:s0] =	ssyncadd.tile.s32 @!p0 $0x1;
	_ =	shalt  }
.Lfunc_end2:
_tile_overlayer_lowered:
.L_overlay_start_2:
0x40: {  	(tag) =	ssettag $0x2  }
0x41: {  	s0 =	rddreg [dreg:$0x0];
	s2 =	stileid.u32  }
0x42: {  	s1 =	rddreg [dreg:$0x1];
	p0 =	sne.s32 s2, $0x0  }
0x43: {  	s3 =	rddreg [dreg:$0x2];
	[bflag:$0x3] =	sbarrier.arrive $0xFFFF;
	s2 =	simm.s32 @!p0 $0x1C02  }
0x44: {  	[timem:s3], [sflag:s2] =	dma.local @!p0 [hbm:s0], s1  }
0x45: {  	s0 =	simm.s32 @!p0 $0x2  }
0x46: {  	_ =	swait.ge @!p0 [sflag:s0], s1  }
0x47: {  	s1 =	ssub.s32 @!p0 $0x0, s1;
	[sflag:s0] =	ssyncset.done @!p0 $0x0  }
0x48: {  	[sflag:s0] =	ssyncadd.s32 @!p0 s1  }
0x49: {  	[bflag:$0x3] =	sbarrier.arrive $0xFFFF  }
0x4a: {  	_ =	shalt  }

// kernel: kernel.15.cloned.1.call-start
scs
__scs_entry_jumppad:
0x0: {  	(pc) =	sbr.rel $0x88, $3  }
0x1: {  	(tag) =	ssettag $0x0;
	lr =	simm.s32 $0x1  }
0x2: {  	[smem:$0x3F9A] =	sst lr;
	_ =	strace $0xD0000000  }
0x3: {  	_ = 	snop  }
0x4: {  	_ = 	snop  }
0x5: {  	_ = 	snop  }
0x6: {  	_ = 	snop  }
0x7: {  	_ = 	snop  }
__scs_overlays_trampoline_lowered:
0x8: {  	[smem:$0x3FA9] =	sst s0  }
0x9: {  	[smem:$0x3FAA] =	sst s1  }
0xa: {  	[smem:$0x3FAB] =	sst s2  }
0xb: {  	[smem:$0x3FAC] =	sst s3  }
0xc: {  	[smem:$0x3FAD] =	sst s4  }
0xd: {  	[smem:$0x3FAE] =	sst s5  }
0xe: {  	[smem:$0x3FAF] =	sst s6  }
0xf: {  	[smem:$0x3FB0] =	sst s7  }
0x10: {  	[smem:$0x3FB1] =	sst s8  }
0x11: {  	[smem:$0x3FB2] =	sst s9;
	s0 =	simm.s32 @!p0 $0x0  }
0x12: {  	s1 =	sld [smem:$0x3F98];
	s0 =	simm.s32 @p0 $0x1  }
0x13: {  	[smem:$0x3FB3] =	sst s0;
	s0 =	simm.s32 @!p1 $0x0  }
0x14: {  	s2 =	sld [smem:$0x3F97];
	s0 =	simm.s32 @p1 $0x1  }
0x15: {  	[smem:$0x3FB4] =	sst s0;
	s0 =	simm.s32 @!p2 $0x0  }
0x16: {  	s3 =	sld [smem:$0x3FDB];
	s0 =	simm.s32 @p2 $0x1  }
0x17: {  	s4 =	simm.s32 $0x1BF5;
	[smem:$0x3FB6] =	sst s0  }
0x18: {  	s0 =	sld [smem:$0x3F99];
	_ =	swait.ge [sflag:s4], $0x0  }
0x19: {  	s7 =	sld [smem:$0x3F9A]  }
0x1a: {  	s8 =	sadd.s32 $0xFFFFE003, lr  }
0x1b: {  	s9 =	sadd.s32 $0xFFFFFEF7, lr;
	s5 =	simm.s32 $0xFFFFFFFF;
	p2 =	slt.u32 s8, $0xFFFFF086  }
0x1c: {  	p1 =	slt.u32 s9, $0xF7A;
	s5 =	simm.s32 @!p2 $0x0  }
0x1d: {  	s5 =	simm.s32 @p1 $0x1;
	p0 =	seq.s32 s7, s2  }
0x1e: {  	s7 =	smul.u32 @!p0 $0xF7A, s2;
	p2 =	seq.s32 @!p0 s5, $0x0  }
0x1f: {  	s9 =	smul.u32 $0xF7A, s1;
	s8 =	simm.s32 @!p0 $0x1BF5;
	p2 =	por !p2, p0  }
0x20: {  	[sflag:s8] =	ssyncset.s32 @!p0 $0xFFFFF086;
	s6 =	sadd.s32 @!p0 s3, s7;
	s7 =	simm.s32 @!p0 $0x108  }
0x21: {  	s3 =	sadd.s32 s3, s9;
	s6 =	sadd.s32 @!p0 $0x88, s6;
	s7 =	simm.s32 @p2 $0x1082  }
0x22: {  	[simem:s7], [sflag:s8] =	dma.local @!p0 [hbm:s6], $0xF7A  }
0x23: {  	s9 =	sor.u32 $0xD0000000, s2;
	s6 =	simm.s32 $0x108;
	_ =	swait.ge @!p0 [sflag:s8], $0x0  }
0x24: {  	s3 =	sadd.s32 $0x88, s3;
	s6 =	simm.s32 @!p1 $0x1082;
	[sflag:s4] =	ssyncset.s32 $0xFFFFF086  }
0x25: {  	[simem:s6], [sflag:s4] =	dma.local [hbm:s3], $0xF7A  }
0x26: {  	[smem:$0x3F9A] =	sst s1;
	(tag) =	ssettag s2;
	_ =	strace s9  }
0x27: {  	s1 =	sld [smem:$0x3FAA]  }
0x28: {  	s2 =	sld [smem:$0x3FAB]  }
0x29: {  	s4 =	sld [smem:$0x3FAD]  }
0x2a: {  	p0 =	seq.s32 s5, $0x0;
	s5 =	sld [smem:$0x3FAE]  }
0x2b: {  	s6 =	sld [smem:$0x3FAF]  }
0x2c: {  	s7 =	sld [smem:$0x3FB0]  }
0x2d: {  	s3 =	simm.s32 $0x108;
	s8 =	sld [smem:$0x3FB1]  }
0x2e: {  	s3 =	simm.s32 @!p0 $0x1082;
	s9 =	sld [smem:$0x3FB2]  }
0x2f: {  	lr =	sadd.s32 s0, s3;
	s0 =	sld [smem:$0x3FA9]  }
0x30: {  	s3 =	sld [smem:$0x3FAC]  }
0x31: {  	[smem:$0x3FB5] =	sst s10  }
0x32: {  	s10 =	sld [smem:$0x3FB3];
	_ =	sdelay $0x3  }
0x33: {  	p0 =	seq.s32 s10, $0x1;
	s10 =	sld [smem:$0x3FB5];
	_ =	sdelay $0x3  }
0x34: {  	[smem:$0x3FB5] =	sst s10  }
0x35: {  	s10 =	sld [smem:$0x3FB4];
	_ =	sdelay $0x3  }
0x36: {  	p1 =	seq.s32 s10, $0x1;
	s10 =	sld [smem:$0x3FB5];
	_ =	sdelay $0x3  }
0x37: {  	[smem:$0x3FB5] =	sst s10  }
0x38: {  	s10 =	sld [smem:$0x3FB6]  }
0x39: {  	_ = 	snop;
	(pc) =	sbr.ind lr, $3  }
0x3a: {  	_ = 	snop  }
0x3b: {  	_ = 	snop  }
0x3c: {  	p2 =	seq.s32 s10, $0x1;
	s10 =	sld [smem:$0x3FB5]  }
0x3d: {  	_ =	shalt  }
0x3e: {  	_ =	shalt  }
0x3f: {  	_ =	shalt  }
0x40: {  	_ =	shalt  }
0x41: {  	_ =	shalt  }
0x42: {  	_ =	shalt  }
0x43: {  	_ =	shalt  }
0x44: {  	_ =	shalt  }
0x45: {  	_ =	shalt  }
0x46: {  	_ =	shalt  }
0x47: {  	_ =	shalt  }
0x48: {  	_ =	shalt  }
0x49: {  	_ =	shalt  }
0x4a: {  	_ =	shalt  }
0x4b: {  	_ =	shalt  }
0x4c: {  	_ =	shalt  }
0x4d: {  	_ =	shalt  }
0x4e: {  	_ =	shalt  }
0x4f: {  	_ =	shalt  }
0x50: {  	_ =	shalt  }
0x51: {  	_ =	shalt  }
0x52: {  	_ =	shalt  }
0x53: {  	_ =	shalt  }
0x54: {  	_ =	shalt  }
0x55: {  	_ =	shalt  }
0x56: {  	_ =	shalt  }
0x57: {  	_ =	shalt  }
0x58: {  	_ =	shalt  }
0x59: {  	_ =	shalt  }
0x5a: {  	_ =	shalt  }
0x5b: {  	_ =	shalt  }
0x5c: {  	_ =	shalt  }
0x5d: {  	_ =	shalt  }
0x5e: {  	_ =	shalt  }
0x5f: {  	_ =	shalt  }
0x60: {  	_ =	shalt  }
0x61: {  	_ =	shalt  }
0x62: {  	_ =	shalt  }
0x63: {  	_ =	shalt  }
0x64: {  	_ =	shalt  }
0x65: {  	_ =	shalt  }
0x66: {  	_ =	shalt  }
0x67: {  	_ =	shalt  }
0x68: {  	_ =	shalt  }
0x69: {  	_ =	shalt  }
0x6a: {  	_ =	shalt  }
0x6b: {  	_ =	shalt  }
0x6c: {  	_ =	shalt  }
0x6d: {  	_ =	shalt  }
0x6e: {  	_ =	shalt  }
0x6f: {  	_ =	shalt  }
0x70: {  	_ =	shalt  }
0x71: {  	_ =	shalt  }
0x72: {  	_ =	shalt  }
0x73: {  	_ =	shalt  }
0x74: {  	_ =	shalt  }
0x75: {  	_ =	shalt  }
0x76: {  	_ =	shalt  }
0x77: {  	_ =	shalt  }
0x78: {  	_ =	shalt  }
0x79: {  	_ =	shalt  }
0x7a: {  	_ =	shalt  }
0x7b: {  	_ =	shalt  }
0x7c: {  	_ =	shalt  }
0x7d: {  	_ =	shalt  }
0x7e: {  	_ =	shalt  }
0x7f: {  	_ =	shalt  }
0x80: {  	_ =	shalt  }
0x81: {  	_ =	shalt  }
0x82: {  	_ =	shalt  }
0x83: {  	_ =	shalt  }
0x84: {  	_ =	shalt  }
0x85: {  	_ =	shalt  }
0x86: {  	_ =	shalt  }
0x87: {  	_ =	shalt  }
.Lfunc_end0:
.L_simem_size_0:
called_computation.2_lowered:
.L_overlay_start_0:
0x88: {  	s2 =	sld [smem:$0x3FD9]  }
0x89: {  	s3 =	sld [smem:$0x3FFE];
	_ =	sdelay $0x1  }
0x8a: {  	s1 =	srdreg.scid  }
0x8b: {  	s0 =	sand.u32 $0x1, s1  }
0x8c: {  	s17 =	sshll.u32 s0, $0xA;
	s2 =	sadd.s32 s3, s2  }
0x8d: {  	s2 =	sadd.s32 s2, s17  }
0x8e: {  	[smem:$0x3FC1] =	sst s2  }
0x8f: {  	_ = 	snop  }
0x90: {  	s2 =	sld [smem:$0x3FD0];
	(tm) =	ssettm $0x1  }
0x91: {  	s18 =	sld [smem:$0x3FFB];
	_ =	sdelay $0x3  }
0x92: {  	_ =	strace s18  }
0x93: {  	s3 =	sld [smem:$0x3FFC];
	_ =	sdelay $0x3  }
0x94: {  	_ =	strace s3  }
0x95: {  	s3 =	sld [smem:$0x3FFD];
	_ =	sdelay $0x3  }
0x96: {  	_ =	strace s3  }
0x97: {  	_ =	strace $0x8FFFFFFF  }
0x98: {  	s19 =	sld [smem:$0x3FDB];
	_ =	sdelay $0x1  }
0x99: {  	s4 =	simm.s32 $_scs_section_size  }
0x9a: {  	s5 =	simm.s32 $_size__tile_overlayer_lowered;
	s6 =	simm.s32 $_tile_overlayer_lowered  }
0x9b: {  	s22 =	simm.s32 $0x1BFF;
	s21 =	sshll.u32 s6, $0x1;
	s3 =	sadd.s32 s4, s19  }
0x9c: {  	s7 =	simm.s32 $0x0;
	s20 =	sshll.u32 s5, $0x1;
	s5 =	sadd.s32 s21, s3  }
0x9d: {  	[timem:s7], [sflag:s22] =	dma.local [hbm:s5], s20  }
0x9e: {  	_ =	swait.ge [sflag:s22], s20  }
0x9f: {  	s4 =	ssub.s32 $0x0, s20;
	[sflag:s22] =	ssyncset.done $0x0  }
0xa0: {  	[sflag:s22] =	ssyncadd.s32 s4;
	_ =	sdelay $0x1  }
0xa1: {  	s23 =	simm.s32 $0x1B8B  }
0xa2: {  	_ =	swait.ge [sflag:s23], $0x1  }
0xa3: {  	[sflag:s23] =	ssyncset.done $0x0  }
0xa4: {  	s25 =	simm.s32 $0x1B8E;
	s24 =	sld [smem:$0x3FFE];
	[sflag:s23] =	ssyncadd.s32 $0xFFFFFFFF  }
0xa5: {  	s26 =	simm.s32 $execute0_lowered;
	[smem:$0x3FD2] =	sst s25  }
0xa6: {  	s5 =	sshll.u32 s26, $0x1;
	_ =	strace $0x8000004C;
	[dreg:$0x1] =	wrdreg $0xFFFFFFFF  }
0xa7: {  	s28 =	simm.s32 $_size_execute0_lowered;
	s3 =	sadd.s32 s3, s5;
	[dreg:$0x0] =	wrdreg $0x0  }
0xa8: {  	s5 =	sshll.u32 s28, $0x1;
	[dreg:$0x2] =	wrdreg s3  }
0xa9: {  	[dreg:$0x3] =	wrdreg s5  }
0xaa: {  	[dreg:$0x4] =	wrdreg $0xC0  }
0xab: {  	_ =	task [dreg:s7], $0x5FFFF  }
0xac: {  	[dreg:$0x1] =	wrdreg $0xFFFFFFFF  }
0xad: {  	[dreg:$0x0] =	wrdreg $0x60  }
0xae: {  	[dreg:$0x2] =	wrdreg s24  }
0xaf: {  	[dreg:$0x3] =	wrdreg s2  }
0xb0: {  	[dreg:$0x4] =	wrdreg $0x58000  }
0xb1: {  	[dreg:$0x5] =	wrdreg $0x9  }
0xb2: {  	_ =	task.clear_ibuf [dreg:s7], $0x6FFFF;
	_ =	strace $0x9000004C  }
0xb3: {  	s29 =	simm.s32 $0x9;
	_ =	strace $0x8000004E  }
0xb4: {  	_ =	swait.ge [sflag:s29], $0x1  }
0xb5: {  	[sflag:s29] =	ssyncadd.s32 $0xFFFFFFFF  }
0xb6: {  	_ =	strace $0x9000004E  }
0xb7: {  	_ =	sfence  }
0xb8: {  	s30 =	sld [smem:$0x0];
	_ =	sdelay $0x2  }
0xb9: {  	s31 =	sshll.u32 s1, $0xD;
	s1 =	sshrl.u32 s1, $0x2  }
0xba: {  	s3 =	sand.u32 $0x4000, s31;
	s1 =	sadd.s32 s1, s30  }
0xbb: {  	s0 =	sor.u32 s3, s0;
	s1 =	sshll.u32 s1, $0x11  }
0xbc: {  	s0 =	sor.u32 s1, s0  }
0xbd: {  	s0 =	sadd.s32 $0x8F2B, s0  }
0xbe: {  	[sflag:s0] =	ssyncadd.remote.s32 $0x1  }
0xbf: {  	_ =	sfence.sel $0xFFFF  }
0xc0: {  	[dreg:$0x0] =	wrdreg $0xFFFFFFFF;
	(pc) =	sbr.abs _section_cstart, $3  }
0xc1: {  	[dreg:$0x1] =	wrdreg $0xFFFFFFFF  }
0xc2: {  	_ =	task.clear_ibuf [dreg:s7], $0x2FFFF;
	_ =	strace $0x9FFFFFFF  }
0xc3: {  	(tm) =	ssettm $0x7FFFFFFF  }
tec
execute0_lowered:
.L_overlay_start_1:
0x0: {  	(tag) =	ssettag $0x1  }
0x1: {  	s5 =	rddreg [dreg:$0x0]  }
0x2: {  	s6 =	rddreg [dreg:$0x1]  }
0x3: {  	s2 =	rddreg [dreg:$0x2]  }
0x4: {  	s0 =	rddreg [dreg:$0x3];
	s3 =	simm.s32 $0x0;
	s4 =	srdreg.scid  }
0x5: {  	s1 =	stileid.u32;
	s14 =	simm.s32 $0x80;
	s15 =	simm.s32 $0x5000  }
0x6: {  	s16 =	simm.s32 $0x1;
	s17 =	simm.s32 $0x0;
	s7 =	sand.u32 $0x1, s4  }
0x7: {  	s29 =	sshll.u32 s1, $0x1;
	s8 =	smul.u32 $0x2800, s1;
	[smem:$0x7FF] =	sst s3  }
0x8: {  	s31 =	sshll.u32 s1, $0x6;
	s4 =	sor.u32 s7, s29;
	s9 =	smul.u32 $0x28000, s7  }
0x9: {  	_ =	strace $0x8000004D;
	s7 =	ssub.s32 $0x2, s7;
	s10 =	smul.u32 $0x500, s4  }
0xa: {  	s4 =	sadd.s32 $0xE00, s5;
	s12 =	sshrl.u32 s7, $0x1;
	s13 =	sadd.s32 s8, s2  }
0xb: {  	s30 =	sshrl.u32 s8, $0x3;
	s9 =	sadd.s32 s8, s9;
	s12 =	ssub.s32 s7, s12  }
0xc: {  	s7 =	sadd.s32 s4, s30;
	s13 =	sshrl.u32 s13, $0x3;
	s11 =	sadd.s32 s10, s5  }
0xd: {  	s9 =	sshrl.u32 s9, $0x3;
	s6 =	sadd.s32 s6, s10;
	s10 =	simm.s32 $0x2  }
0xe: {  	s9 =	sadd.s32 s9, s5;
	s5 =	sadd.s32 $0xAE00, s11;
	s11 =	simm.s32 $0x2800  }
0xf: {  	s8 =	sadd.s32 $0x3CE00, s9;
	s9 =	smax.u32 s12, $0x1;
	s12 =	sor.u32 $0x1C02, s31  }
.LBB2_1:
0x10: {  	[tilespmem:s3], [sflag:$0x2] =	stream.linear.gather [hbm4b:s5+s3], $0x2800, $0x38;
	[tilespmem:$0x8000] =	vst v63  }
0x11: {  	_ =	swait.ge [sflag:s10], $0x2800  }
0x12: {  	[sflag:s10] =	ssyncset.done $0x0  }
0x13: {  	[sflag:s10] =	ssyncadd.s32 $0xFFFFD800  }
0x14: {  	[tilespmem:s11], [sflag:$0x2] =	stream.linear.gather [hbm4b:s6+s3], $0x2800, $0x38;
	[tilespmem:$0x8000] =	vst v63  }
0x15: {  	_ =	swait.ge [sflag:s10], $0x2800  }
0x16: {  	[sflag:s10] =	ssyncset.done $0x0  }
0x17: {  	[sflag:s10] =	ssyncadd.s32 $0xFFFFD800  }
0x18: {  	[spmem:s13], [sflag:s12] =	dma.local [hbm:s7], $0x500  }
0x19: {  	_ =	swait.ge [sflag:s10], $0x500  }
0x1a: {  	[sflag:s10] =	ssyncset.done $0x0  }
0x1b: {  	[sflag:s10] =	ssyncadd.s32 $0xFFFFFB00  }
0x1c: {  	s18 =	simm.s32 $0x0;
	[bflag:$0x0] =	sbarrier.arrive $0xFFFF  }
0x1d: {  	[tilespmem:s15], [sflag:$0x1] =	stream.indirect.gather [hbm4b:s4+s14], $0x10, s18, s14, $0xb8;
	[tilespmem:$0x8000] =	vst v63  }
0x1e: {  	_ =	swait.ge [sflag:s16], $0x800  }
0x1f: {  	[sflag:s16] =	ssyncset.done $0x0  }
0x20: {  	s31 =	simm.s32 $0x2800;
	[sflag:s16] =	ssyncadd.s32 $0xFFFFF800  }
0x21: {  	[spmem:s2] =	stream.indirect.scatter.add.f32 [tilespmem:s15], [sflag:$0x2], $0x10, s31, s14, $0xb8;
	[tilespmem:$0x8000] =	vst v63  }
0x22: {  	_ =	swait.ge [sflag:s10], $0x800  }
0x23: {  	s19 =	simm.s32 $0x400;
	s18 =	simm.s32 $0x200;
	[sflag:s10] =	ssyncset.done $0x0  }
.LBB2_2:
0x24: {  	s20 =	sshra.s32 s18, $0x2  }
0x25: {  	[sflag:s10] =	ssyncadd.s32 $0xFFFFF800;
	s18 =	smov.u32 s19;
	s21 =	sadd.s32 $0x200, s19  }
0x26: {  	[tilespmem:s15], [sflag:$0x1] =	stream.indirect.gather [hbm4b:s4+s14], $0x10, s20, s14, $0xb8;
	[tilespmem:$0x8000] =	vst v63  }
0x27: {  	p0 =	sne.s32 s19, $0x9E00;
	_ =	swait.ge [sflag:s16], $0x800  }
.Ltmp0:
0x28: {  	[sflag:s16] =	ssyncset.done $0x0;
	(pc) =	sbr.rel @p0 .LBB2_2-.Ltmp0, $4  }
0x29: {  	s19 =	sadd.s32 $0x2800, s20;
	[sflag:s16] =	ssyncadd.s32 $0xFFFFF800  }
0x2a: {  	[spmem:s2] =	stream.indirect.scatter.add.f32 [tilespmem:s15], [sflag:$0x2], $0x10, s19, s14, $0xb8;
	[tilespmem:$0x8000] =	vst v63  }
0x2b: {  	_ =	swait.ge [sflag:s10], $0x800  }
0x2c: {  	s19 =	smov.u32 s21;
	[sflag:s10] =	ssyncset.done $0x0  }
0x2d: {  	s18 =	sshra.s32 s18, $0x2;
	[sflag:s10] =	ssyncadd.s32 $0xFFFFF800  }
0x2e: {  	[tilespmem:s15], [sflag:$0x1] =	stream.indirect.gather [hbm4b:s4+s14], $0x10, s18, s14, $0xb8;
	[tilespmem:$0x8000] =	vst v63  }
0x2f: {  	_ =	swait.ge [sflag:s16], $0x800  }
0x30: {  	[sflag:s16] =	ssyncset.done $0x0  }
0x31: {  	s18 =	sadd.s32 $0x2800, s18;
	[sflag:s16] =	ssyncadd.s32 $0xFFFFF800  }
0x32: {  	[spmem:s2] =	stream.indirect.scatter.add.f32 [tilespmem:s15], [sflag:$0x2], $0x10, s18, s14, $0xb8;
	[tilespmem:$0x8000] =	vst v63  }
0x33: {  	_ =	swait.ge [sflag:s10], $0x800  }
0x34: {  	s17 =	sadd.s32 $0x1, s17;
	[sflag:s10] =	ssyncset.done $0x0  }
0x35: {  	p0 =	sne.s32 s17, s9;
	[sflag:s10] =	ssyncadd.s32 $0xFFFFF800  }
.Ltmp1:
0x36: {  	[bflag:$0x0] =	sbarrier.arrive $0xFFFF;
	(pc) =	sbr.rel @p0 .LBB2_1-.Ltmp1, $4  }
0x37: {  	[hbm:s8], [sflag:s12] =	dma.local [spmem:s13], $0x500  }
0x38: {  	_ =	swait.ge [sflag:s10], $0x500  }
0x39: {  	[sflag:s10] =	ssyncset.done $0x0  }
0x3a: {  	[sflag:s10] =	ssyncadd.s32 $0xFFFFFB00  }
0x3b: {  	_ =	sfence.sel $0x180000  }
0x3c: {  	[bflag:$0x0] =	sbarrier.arrive $0xFFFF  }
0x3d: {  	p0 =	sne.s32 s1, $0x0;
	_ =	strace $0x9000004D  }
0x3e: {  	s0 =	sadd.s32 @!p0 $0x100000, s0;
	[bflag:$0x2] =	sbarrier.arrive $0xFFFF  }
0x3f: {  	[sflag:s0] =	ssyncadd.tile.s32 @!p0 $0x1;
	_ =	shalt  }
.Lfunc_end2:
_tile_overlayer_lowered:
.L_overlay_start_2:
0x40: {  	(tag) =	ssettag $0x2  }
0x41: {  	s0 =	rddreg [dreg:$0x0];
	s2 =	stileid.u32  }
0x42: {  	s1 =	rddreg [dreg:$0x1];
	p0 =	sne.s32 s2, $0x0  }
0x43: {  	s3 =	rddreg [dreg:$0x2];
	[bflag:$0x3] =	sbarrier.arrive $0xFFFF;
	s2 =	simm.s32 @!p0 $0x1C02  }
0x44: {  	[timem:s3], [sflag:s2] =	dma.local @!p0 [hbm:s0], s1  }
0x45: {  	s0 =	simm.s32 @!p0 $0x2  }
0x46: {  	_ =	swait.ge @!p0 [sflag:s0], s1  }
0x47: {  	s1 =	ssub.s32 @!p0 $0x0, s1;
	[sflag:s0] =	ssyncset.done @!p0 $0x0  }
0x48: {  	[sflag:s0] =	ssyncadd.s32 @!p0 s1  }
0x49: {  	[bflag:$0x3] =	sbarrier.arrive $0xFFFF  }
0x4a: {  	_ =	shalt  }

// kernel: kernel.18.cloned.1.call-start
scs
__scs_entry_jumppad:
0x0: {  	(pc) =	sbr.rel $0x88, $3  }
0x1: {  	(tag) =	ssettag $0x0;
	lr =	simm.s32 $0x1  }
0x2: {  	[smem:$0x3F9A] =	sst lr;
	_ =	strace $0xD0000000  }
0x3: {  	_ = 	snop  }
0x4: {  	_ = 	snop  }
0x5: {  	_ = 	snop  }
0x6: {  	_ = 	snop  }
0x7: {  	_ = 	snop  }
__scs_overlays_trampoline_lowered:
0x8: {  	[smem:$0x3FA9] =	sst s0  }
0x9: {  	[smem:$0x3FAA] =	sst s1  }
0xa: {  	[smem:$0x3FAB] =	sst s2  }
0xb: {  	[smem:$0x3FAC] =	sst s3  }
0xc: {  	[smem:$0x3FAD] =	sst s4  }
0xd: {  	[smem:$0x3FAE] =	sst s5  }
0xe: {  	[smem:$0x3FAF] =	sst s6  }
0xf: {  	[smem:$0x3FB0] =	sst s7  }
0x10: {  	[smem:$0x3FB1] =	sst s8  }
0x11: {  	[smem:$0x3FB2] =	sst s9;
	s0 =	simm.s32 @!p0 $0x0  }
0x12: {  	s1 =	sld [smem:$0x3F98];
	s0 =	simm.s32 @p0 $0x1  }
0x13: {  	[smem:$0x3FB3] =	sst s0;
	s0 =	simm.s32 @!p1 $0x0  }
0x14: {  	s2 =	sld [smem:$0x3F97];
	s0 =	simm.s32 @p1 $0x1  }
0x15: {  	[smem:$0x3FB4] =	sst s0;
	s0 =	simm.s32 @!p2 $0x0  }
0x16: {  	s3 =	sld [smem:$0x3FDB];
	s0 =	simm.s32 @p2 $0x1  }
0x17: {  	s4 =	simm.s32 $0x1BF5;
	[smem:$0x3FB6] =	sst s0  }
0x18: {  	s0 =	sld [smem:$0x3F99];
	_ =	swait.ge [sflag:s4], $0x0  }
0x19: {  	s7 =	sld [smem:$0x3F9A]  }
0x1a: {  	s8 =	sadd.s32 $0xFFFFE003, lr  }
0x1b: {  	s9 =	sadd.s32 $0xFFFFFEF7, lr;
	s5 =	simm.s32 $0xFFFFFFFF;
	p2 =	slt.u32 s8, $0xFFFFF086  }
0x1c: {  	p1 =	slt.u32 s9, $0xF7A;
	s5 =	simm.s32 @!p2 $0x0  }
0x1d: {  	s5 =	simm.s32 @p1 $0x1;
	p0 =	seq.s32 s7, s2  }
0x1e: {  	s7 =	smul.u32 @!p0 $0xF7A, s2;
	p2 =	seq.s32 @!p0 s5, $0x0  }
0x1f: {  	s9 =	smul.u32 $0xF7A, s1;
	s8 =	simm.s32 @!p0 $0x1BF5;
	p2 =	por !p2, p0  }
0x20: {  	[sflag:s8] =	ssyncset.s32 @!p0 $0xFFFFF086;
	s6 =	sadd.s32 @!p0 s3, s7;
	s7 =	simm.s32 @!p0 $0x108  }
0x21: {  	s3 =	sadd.s32 s3, s9;
	s6 =	sadd.s32 @!p0 $0x88, s6;
	s7 =	simm.s32 @p2 $0x1082  }
0x22: {  	[simem:s7], [sflag:s8] =	dma.local @!p0 [hbm:s6], $0xF7A  }
0x23: {  	s9 =	sor.u32 $0xD0000000, s2;
	s6 =	simm.s32 $0x108;
	_ =	swait.ge @!p0 [sflag:s8], $0x0  }
0x24: {  	s3 =	sadd.s32 $0x88, s3;
	s6 =	simm.s32 @!p1 $0x1082;
	[sflag:s4] =	ssyncset.s32 $0xFFFFF086  }
0x25: {  	[simem:s6], [sflag:s4] =	dma.local [hbm:s3], $0xF7A  }
0x26: {  	[smem:$0x3F9A] =	sst s1;
	(tag) =	ssettag s2;
	_ =	strace s9  }
0x27: {  	s1 =	sld [smem:$0x3FAA]  }
0x28: {  	s2 =	sld [smem:$0x3FAB]  }
0x29: {  	s4 =	sld [smem:$0x3FAD]  }
0x2a: {  	p0 =	seq.s32 s5, $0x0;
	s5 =	sld [smem:$0x3FAE]  }
0x2b: {  	s6 =	sld [smem:$0x3FAF]  }
0x2c: {  	s7 =	sld [smem:$0x3FB0]  }
0x2d: {  	s3 =	simm.s32 $0x108;
	s8 =	sld [smem:$0x3FB1]  }
0x2e: {  	s3 =	simm.s32 @!p0 $0x1082;
	s9 =	sld [smem:$0x3FB2]  }
0x2f: {  	lr =	sadd.s32 s0, s3;
	s0 =	sld [smem:$0x3FA9]  }
0x30: {  	s3 =	sld [smem:$0x3FAC]  }
0x31: {  	[smem:$0x3FB5] =	sst s10  }
0x32: {  	s10 =	sld [smem:$0x3FB3];
	_ =	sdelay $0x3  }
0x33: {  	p0 =	seq.s32 s10, $0x1;
	s10 =	sld [smem:$0x3FB5];
	_ =	sdelay $0x3  }
0x34: {  	[smem:$0x3FB5] =	sst s10  }
0x35: {  	s10 =	sld [smem:$0x3FB4];
	_ =	sdelay $0x3  }
0x36: {  	p1 =	seq.s32 s10, $0x1;
	s10 =	sld [smem:$0x3FB5];
	_ =	sdelay $0x3  }
0x37: {  	[smem:$0x3FB5] =	sst s10  }
0x38: {  	s10 =	sld [smem:$0x3FB6]  }
0x39: {  	_ = 	snop;
	(pc) =	sbr.ind lr, $3  }
0x3a: {  	_ = 	snop  }
0x3b: {  	_ = 	snop  }
0x3c: {  	p2 =	seq.s32 s10, $0x1;
	s10 =	sld [smem:$0x3FB5]  }
0x3d: {  	_ =	shalt  }
0x3e: {  	_ =	shalt  }
0x3f: {  	_ =	shalt  }
0x40: {  	_ =	shalt  }
0x41: {  	_ =	shalt  }
0x42: {  	_ =	shalt  }
0x43: {  	_ =	shalt  }
0x44: {  	_ =	shalt  }
0x45: {  	_ =	shalt  }
0x46: {  	_ =	shalt  }
0x47: {  	_ =	shalt  }
0x48: {  	_ =	shalt  }
0x49: {  	_ =	shalt  }
0x4a: {  	_ =	shalt  }
0x4b: {  	_ =	shalt  }
0x4c: {  	_ =	shalt  }
0x4d: {  	_ =	shalt  }
0x4e: {  	_ =	shalt  }
0x4f: {  	_ =	shalt  }
0x50: {  	_ =	shalt  }
0x51: {  	_ =	shalt  }
0x52: {  	_ =	shalt  }
0x53: {  	_ =	shalt  }
0x54: {  	_ =	shalt  }
0x55: {  	_ =	shalt  }
0x56: {  	_ =	shalt  }
0x57: {  	_ =	shalt  }
0x58: {  	_ =	shalt  }
0x59: {  	_ =	shalt  }
0x5a: {  	_ =	shalt  }
0x5b: {  	_ =	shalt  }
0x5c: {  	_ =	shalt  }
0x5d: {  	_ =	shalt  }
0x5e: {  	_ =	shalt  }
0x5f: {  	_ =	shalt  }
0x60: {  	_ =	shalt  }
0x61: {  	_ =	shalt  }
0x62: {  	_ =	shalt  }
0x63: {  	_ =	shalt  }
0x64: {  	_ =	shalt  }
0x65: {  	_ =	shalt  }
0x66: {  	_ =	shalt  }
0x67: {  	_ =	shalt  }
0x68: {  	_ =	shalt  }
0x69: {  	_ =	shalt  }
0x6a: {  	_ =	shalt  }
0x6b: {  	_ =	shalt  }
0x6c: {  	_ =	shalt  }
0x6d: {  	_ =	shalt  }
0x6e: {  	_ =	shalt  }
0x6f: {  	_ =	shalt  }
0x70: {  	_ =	shalt  }
0x71: {  	_ =	shalt  }
0x72: {  	_ =	shalt  }
0x73: {  	_ =	shalt  }
0x74: {  	_ =	shalt  }
0x75: {  	_ =	shalt  }
0x76: {  	_ =	shalt  }
0x77: {  	_ =	shalt  }
0x78: {  	_ =	shalt  }
0x79: {  	_ =	shalt  }
0x7a: {  	_ =	shalt  }
0x7b: {  	_ =	shalt  }
0x7c: {  	_ =	shalt  }
0x7d: {  	_ =	shalt  }
0x7e: {  	_ =	shalt  }
0x7f: {  	_ =	shalt  }
0x80: {  	_ =	shalt  }
0x81: {  	_ =	shalt  }
0x82: {  	_ =	shalt  }
0x83: {  	_ =	shalt  }
0x84: {  	_ =	shalt  }
0x85: {  	_ =	shalt  }
0x86: {  	_ =	shalt  }
0x87: {  	_ =	shalt  }
.Lfunc_end0:
.L_simem_size_0:
called_computation.3_lowered:
.L_overlay_start_0:
0x88: {  	s2 =	sld [smem:$0x3FD9]  }
0x89: {  	s3 =	sld [smem:$0x3FFE];
	_ =	sdelay $0x1  }
0x8a: {  	s1 =	srdreg.scid  }
0x8b: {  	s0 =	sand.u32 $0x1, s1  }
0x8c: {  	s17 =	sshll.u32 s0, $0xA;
	s2 =	sadd.s32 s3, s2  }
0x8d: {  	s2 =	sadd.s32 s2, s17  }
0x8e: {  	[smem:$0x3FC1] =	sst s2  }
0x8f: {  	_ = 	snop  }
0x90: {  	s2 =	sld [smem:$0x3FD0];
	(tm) =	ssettm $0x1  }
0x91: {  	s18 =	sld [smem:$0x3FFB];
	_ =	sdelay $0x3  }
0x92: {  	_ =	strace s18  }
0x93: {  	s3 =	sld [smem:$0x3FFC];
	_ =	sdelay $0x3  }
0x94: {  	_ =	strace s3  }
0x95: {  	s3 =	sld [smem:$0x3FFD];
	_ =	sdelay $0x3  }
0x96: {  	_ =	strace s3  }
0x97: {  	_ =	strace $0x8FFFFFFF  }
0x98: {  	s19 =	sld [smem:$0x3FDB];
	_ =	sdelay $0x1  }
0x99: {  	s4 =	simm.s32 $_scs_section_size  }
0x9a: {  	s5 =	simm.s32 $_size__tile_overlayer_lowered;
	s6 =	simm.s32 $_tile_overlayer_lowered  }
0x9b: {  	s22 =	simm.s32 $0x1BFF;
	s21 =	sshll.u32 s6, $0x1;
	s3 =	sadd.s32 s4, s19  }
0x9c: {  	s7 =	simm.s32 $0x0;
	s20 =	sshll.u32 s5, $0x1;
	s5 =	sadd.s32 s21, s3  }
0x9d: {  	[timem:s7], [sflag:s22] =	dma.local [hbm:s5], s20  }
0x9e: {  	_ =	swait.ge [sflag:s22], s20  }
0x9f: {  	s4 =	ssub.s32 $0x0, s20;
	[sflag:s22] =	ssyncset.done $0x0  }
0xa0: {  	[sflag:s22] =	ssyncadd.s32 s4;
	_ =	sdelay $0x1  }
0xa1: {  	s23 =	simm.s32 $0x1B8B  }
0xa2: {  	_ =	swait.ge [sflag:s23], $0x1  }
0xa3: {  	[sflag:s23] =	ssyncset.done $0x0  }
0xa4: {  	s25 =	simm.s32 $0x1B8E;
	s24 =	sld [smem:$0x3FFE];
	[sflag:s23] =	ssyncadd.s32 $0xFFFFFFFF  }
0xa5: {  	s26 =	simm.s32 $execute0_lowered;
	[smem:$0x3FD2] =	sst s25  }
0xa6: {  	s5 =	sshll.u32 s26, $0x1;
	_ =	strace $0x8000004F;
	[dreg:$0x1] =	wrdreg $0xFFFFFFFF  }
0xa7: {  	s28 =	simm.s32 $_size_execute0_lowered;
	s3 =	sadd.s32 s3, s5;
	[dreg:$0x0] =	wrdreg $0x0  }
0xa8: {  	s5 =	sshll.u32 s28, $0x1;
	[dreg:$0x2] =	wrdreg s3  }
0xa9: {  	[dreg:$0x3] =	wrdreg s5  }
0xaa: {  	[dreg:$0x4] =	wrdreg $0xC0  }
0xab: {  	_ =	task [dreg:s7], $0x5FFFF  }
0xac: {  	[dreg:$0x1] =	wrdreg $0xFFFFFFFF  }
0xad: {  	[dreg:$0x0] =	wrdreg $0x60  }
0xae: {  	[dreg:$0x2] =	wrdreg s2  }
0xaf: {  	[dreg:$0x3] =	wrdreg s24  }
0xb0: {  	[dreg:$0x4] =	wrdreg $0x9  }
0xb1: {  	_ =	task.clear_ibuf [dreg:s7], $0x5FFFF;
	_ =	strace $0x9000004F  }
0xb2: {  	s29 =	simm.s32 $0x9;
	_ =	strace $0x80000051  }
0xb3: {  	_ =	swait.ge [sflag:s29], $0x1  }
0xb4: {  	[sflag:s29] =	ssyncadd.s32 $0xFFFFFFFF  }
0xb5: {  	_ =	strace $0x90000051  }
0xb6: {  	_ =	sfence  }
0xb7: {  	s30 =	sld [smem:$0x0];
	_ =	sdelay $0x2  }
0xb8: {  	s31 =	sshll.u32 s1, $0xD;
	s1 =	sshrl.u32 s1, $0x2  }
0xb9: {  	s3 =	sand.u32 $0x4000, s31;
	s1 =	sadd.s32 s1, s30  }
0xba: {  	s0 =	sor.u32 s3, s0;
	s1 =	sshll.u32 s1, $0x11  }
0xbb: {  	s0 =	sor.u32 s1, s0  }
0xbc: {  	s0 =	sadd.s32 $0x8F2B, s0  }
0xbd: {  	[sflag:s0] =	ssyncadd.remote.s32 $0x1  }
0xbe: {  	_ =	sfence.sel $0xFFFF  }
0xbf: {  	[dreg:$0x0] =	wrdreg $0xFFFFFFFF;
	(pc) =	sbr.abs _section_cstart, $3  }
0xc0: {  	[dreg:$0x1] =	wrdreg $0xFFFFFFFF  }
0xc1: {  	_ =	task.clear_ibuf [dreg:s7], $0x2FFFF;
	_ =	strace $0x9FFFFFFF  }
0xc2: {  	(tm) =	ssettm $0x7FFFFFFF  }
0xc3: {  	_ =	shalt  }
tec
execute0_lowered:
.L_overlay_start_1:
0x0: {  	(tag) =	ssettag $0x1  }
0x1: {  	v0 =	vlaneseq.u32  }
0x2: {  	v0 =	vmul.u32 $0x10, v0;
	_ =	sdelay $0x1  }
0x3: {  	v5 =	vor.u32 $0x1, v0;
	v7 =	vor.u32 $0x2, v0;
	v9 =	vor.u32 $0x3, v0  }
0x4: {  	v10 =	vor.u32 $0x4, v0;
	v11 =	vor.u32 $0x5, v0;
	v14 =	vor.u32 $0x6, v0  }
0x5: {  	v15 =	vor.u32 $0x7, v0;
	v16 =	vor.u32 $0x8, v0;
	v17 =	vor.u32 $0x9, v0  }
0x6: {  	v18 =	vor.u32 $0xA, v0;
	v19 =	vor.u32 $0xB, v0;
	v20 =	vor.u32 $0xC, v0  }
0x7: {  	v21 =	vor.u32 $0xD, v0;
	v22 =	vor.u32 $0xE, v0;
	v23 =	vor.u32 $0xF, v0  }
0x8: {  	v24 =	vor.u32 $0x100, v0;
	v25 =	vor.u32 $0x101, v0;
	v26 =	vor.u32 $0x102, v0  }
0x9: {  	v27 =	vor.u32 $0x103, v0;
	v28 =	vor.u32 $0x104, v0;
	v29 =	vor.u32 $0x105, v0  }
0xa: {  	s0 =	rddreg [dreg:$0x0];
	v30 =	vor.u32 $0x106, v0;
	v31 =	vor.u32 $0x107, v0;
	v32 =	vor.u32 $0x108, v0  }
0xb: {  	s6 =	rddreg [dreg:$0x1];
	s3 =	simm.s32 $0x0;
	v33 =	vor.u32 $0x109, v0;
	v34 =	vor.u32 $0x10A, v0;
	v35 =	vor.u32 $0x10B, v0  }
0xc: {  	s2 =	srdreg.scid;
	[smem:$0x7FF] =	sst s3;
	v36 =	vor.u32 $0x10C, v0;
	v37 =	vor.u32 $0x10D, v0;
	v1 =	vor.u32 $0x30A, v0  }
0xd: {  	s5 =	sand.u32 $0x1, s2;
	s2 =	rddreg [dreg:$0x2];
	_ =	strace $0x80000050;
	v38 =	vor.u32 $0x10E, v0;
	v39 =	vor.u32 $0x10F, v0;
	v40 =	vor.u32 $0x200, v0;
	[tilespmem:$0x1FF50] =	vst v1  }
0xe: {  	v41 =	vor.u32 $0x201, v0;
	v42 =	vor.u32 $0x202, v0;
	v43 =	vor.u32 $0x203, v0;
	[tilespmem:$0x1FFB0] =	vst v5  }
0xf: {  	v44 =	vor.u32 $0x204, v0;
	v45 =	vor.u32 $0x205, v0;
	v59 =	vor.u32 $0x302, v0;
	[tilespmem:$0x1FFC0] =	vst v7  }
0x10: {  	s1 =	stileid.u32;
	s11 =	simm.s32 $0x5000;
	s12 =	simm.s32 $0xB000;
	v46 =	vor.u32 $0x206, v0;
	v47 =	vor.u32 $0x207, v0;
	v62 =	vor.u32 $0x309, v0;
	[tilespmem:$0x1FFD0] =	vst v59  }
0x11: {  	s13 =	simm.s32 $0x80;
	s14 =	simm.s32 $0xA000;
	s4 =	sshll.u32 s1, $0x1;
	v48 =	vor.u32 $0x208, v0;
	v49 =	vor.u32 $0x209, v0;
	v56 =	vor.u32 $0x300, v0;
	[tilespmem:$0x1FFE0] =	vst v62  }
0x12: {  	s15 =	simm.s32 $0xA800;
	s16 =	simm.s32 $0x1;
	s4 =	sor.u32 s5, s4;
	v50 =	vor.u32 $0x20A, v0;
	v51 =	vor.u32 $0x20B, v0;
	v1 =	vor.u32 $0x30B, v0;
	[tilespmem:$0x1FFF0] =	vst v56  }
0x13: {  	s17 =	simm.s32 $0x2;
	s18 =	simm.s32 $0xD800;
	s7 =	smul.u32 $0xA00, s4;
	v52 =	vor.u32 $0x20C, v0;
	v53 =	vor.u32 $0x20D, v0;
	[tilespmem:$0x1FF60] =	vst v1;
	v1 =	vor.u32 $0x30C, v0  }
0x14: {  	s19 =	simm.s32 $0x0;
	s8 =	ssub.s32 $0x2, s5;
	s5 =	sadd.s32 $0x5E00, s6;
	v54 =	vor.u32 $0x20E, v0;
	v55 =	vor.u32 $0x20F, v0;
	[tilespmem:$0x1FF70] =	vst v1;
	v1 =	vor.u32 $0x30D, v0  }
0x15: {  	s4 =	sadd.s32 $0xE00, s6;
	s31 =	sshrl.u32 s8, $0x1;
	v57 =	vor.u32 $0x301, v0;
	v58 =	vor.u32 $0x303, v0;
	s9 =	sadd.s32 s7, s6;
	[tilespmem:$0x1FF80] =	vst v1;
	v1 =	vor.u32 $0x30E, v0  }
0x16: {  	v60 =	vor.u32 $0x304, v0;
	v61 =	vor.u32 $0x305, v0;
	s10 =	ssub.s32 s8, s31;
	s6 =	sadd.s32 $0x5AE00, s9;
	s7 =	sadd.s32 $0x46E00, s9;
	[tilespmem:$0x1FF90] =	vst v1;
	v1 =	vor.u32 $0x30F, v0  }
0x17: {  	v12 =	vor.u32 $0x306, v0;
	v13 =	vor.u32 $0x307, v0;
	v63 =	vor.u32 $0x308, v0;
	s8 =	sadd.s32 $0x6400, s9;
	s9 =	smax.u32 s10, $0x1;
	s10 =	simm.s32 $0x3;
	[tilespmem:$0x1FFA0] =	vst v1  }
.LBB2_1:
0x18: {  	[tilespmem:s3], [sflag:$0x3] =	stream.linear.gather [hbm4b:s6+s3], $0x5000, $0x38;
	[tilespmem:$0x12800] =	vst v63  }
0x19: {  	_ =	swait.ge [sflag:s10], $0x5000  }
0x1a: {  	[sflag:s10] =	ssyncset.done $0x0  }
0x1b: {  	[sflag:s10] =	ssyncadd.s32 $0xFFFFB000  }
0x1c: {  	[tilespmem:s11], [sflag:$0x3] =	stream.linear.gather [hbm4b:s7+s3], $0x5000, $0x38;
	[tilespmem:$0x12800] =	vst v63  }
0x1d: {  	_ =	swait.ge [sflag:s10], $0x5000  }
0x1e: {  	[sflag:s10] =	ssyncset.done $0x0  }
0x1f: {  	[sflag:s10] =	ssyncadd.s32 $0xFFFFB000  }
0x20: {  	[tilespmem:s12], [sflag:$0x3] =	stream.linear.gather [hbm4b:s5+s3], $0x2800, $0x38;
	[tilespmem:$0x12800] =	vst v63  }
0x21: {  	_ =	swait.ge [sflag:s10], $0x2800  }
0x22: {  	[sflag:s10] =	ssyncset.done $0x0  }
0x23: {  	s20 =	simm.s32 $0x0;
	[sflag:s10] =	ssyncadd.s32 $0xFFFFD800  }
.LBB2_2:
0x24: {  	s21 =	sshra.s32 s20, $0x2  }
0x25: {  	[tilespmem:s14], [sflag:$0x1] =	stream.indirect.gather [hbm4b:s0+s13], $0x10, s21, s13, $0xb8;
	[tilespmem:$0x12800] =	vst v63  }
0x26: {  	s22 =	sadd.s32 $0x5000, s21  }
0x27: {  	[tilespmem:s15], [sflag:$0x2] =	stream.indirect.gather [hbm4b:s4+s13], $0x10, s22, s13, $0xb8;
	[tilespmem:$0x12800] =	vst v63  }
0x28: {  	_ =	swait.ge [sflag:s16], $0x800  }
0x29: {  	[sflag:s16] =	ssyncset.done $0x0  }
0x2a: {  	[sflag:s16] =	ssyncadd.s32 $0xFFFFF800  }
0x2b: {  	_ =	swait.ge [sflag:s17], $0x800  }
0x2c: {  	[sflag:s17] =	ssyncset.done $0x0  }
0x2d: {  	[sflag:s17] =	ssyncadd.s32 $0xFFFFF800  }
0x2e: {  	v1 =	vld [tilespmem:s21+$0x0]  }
0x2f: {  	v2 =	vld [tilespmem:s21+$0x5000];
	_ =	sdelay $0x1  }
0x30: {  	v6 =	vld [tilespmem:$0x1FFB0];
	_ =	sdelay $0x1  }
0x31: {  	v8 =	vld [tilespmem:$0x1FFC0]  }
0x32: {  	v3 =	vld.idx.msk [tilespmem:v0+s14+$0x0], $0xffff  }
0x33: {  	v4 =	vld.idx.msk [tilespmem:v0+s15+$0x0], $0xffff  }
0x34: {  	v1 =	vld.idx.msk [tilespmem:v1+s12+$0x0], $0xffff  }
0x35: {  	v2 =	vld.idx.msk [tilespmem:v2+s12+$0x0], $0xffff  }
0x36: {  	v5 =	vld.idx.msk [tilespmem:v5+s14+$0x0], $0xffff  }
0x37: {  	v6 =	vld.idx.msk [tilespmem:v6+s15+$0x0], $0xffff  }
0x38: {  	v7 =	vld.idx.msk [tilespmem:v7+s14+$0x0], $0xffff  }
0x39: {  	v8 =	vld.idx.msk [tilespmem:v8+s15+$0x0], $0xffff  }
0x3a: {  	v1 =	vadd.f32 v2, v1;
	v2 =	vmul.f32 v4, v3;
	v3 =	vld.idx.msk [tilespmem:v9+s14+$0x0], $0xffff  }
0x3b: {  	v4 =	vld.idx.msk [tilespmem:v9+s15+$0x0], $0xffff  }
0x3c: {  	v1 =	vadd.f32 v2, v1;
	v2 =	vmul.f32 v6, v5;
	v5 =	vld.idx.msk [tilespmem:v10+s14+$0x0], $0xffff  }
0x3d: {  	v6 =	vld.idx.msk [tilespmem:v10+s15+$0x0], $0xffff  }
0x3e: {  	v1 =	vadd.f32 v2, v1;
	v2 =	vmul.f32 v8, v7;
	v7 =	vld.idx.msk [tilespmem:v11+s14+$0x0], $0xffff  }
0x3f: {  	v8 =	vld.idx.msk [tilespmem:v11+s15+$0x0], $0xffff  }
0x40: {  	v1 =	vadd.f32 v2, v1;
	v2 =	vmul.f32 v4, v3;
	v3 =	vld.idx.msk [tilespmem:v14+s14+$0x0], $0xffff  }
0x41: {  	v4 =	vld.idx.msk [tilespmem:v14+s15+$0x0], $0xffff  }
0x42: {  	v1 =	vadd.f32 v2, v1;
	v2 =	vmul.f32 v6, v5;
	v5 =	vld.idx.msk [tilespmem:v15+s14+$0x0], $0xffff  }
0x43: {  	v6 =	vld.idx.msk [tilespmem:v15+s15+$0x0], $0xffff  }
0x44: {  	v1 =	vadd.f32 v2, v1;
	v2 =	vmul.f32 v8, v7;
	v7 =	vld.idx.msk [tilespmem:v16+s14+$0x0], $0xffff  }
0x45: {  	v8 =	vld.idx.msk [tilespmem:v16+s15+$0x0], $0xffff  }
0x46: {  	v1 =	vadd.f32 v2, v1;
	v2 =	vmul.f32 v4, v3;
	v3 =	vld.idx.msk [tilespmem:v17+s14+$0x0], $0xffff  }
0x47: {  	v4 =	vld.idx.msk [tilespmem:v17+s15+$0x0], $0xffff  }
0x48: {  	v1 =	vadd.f32 v2, v1;
	v2 =	vmul.f32 v6, v5;
	v5 =	vld.idx.msk [tilespmem:v18+s14+$0x0], $0xffff  }
0x49: {  	v6 =	vld.idx.msk [tilespmem:v18+s15+$0x0], $0xffff  }
0x4a: {  	v1 =	vadd.f32 v2, v1;
	v2 =	vmul.f32 v8, v7;
	v7 =	vld.idx.msk [tilespmem:v19+s14+$0x0], $0xffff  }
0x4b: {  	v8 =	vld.idx.msk [tilespmem:v19+s15+$0x0], $0xffff  }
0x4c: {  	v1 =	vadd.f32 v2, v1;
	v2 =	vmul.f32 v4, v3;
	v3 =	vld.idx.msk [tilespmem:v20+s14+$0x0], $0xffff  }
0x4d: {  	v4 =	vld.idx.msk [tilespmem:v20+s15+$0x0], $0xffff  }
0x4e: {  	v1 =	vadd.f32 v2, v1;
	v2 =	vmul.f32 v6, v5;
	v5 =	vld.idx.msk [tilespmem:v21+s14+$0x0], $0xffff  }
0x4f: {  	v6 =	vld.idx.msk [tilespmem:v21+s15+$0x0], $0xffff  }
0x50: {  	v1 =	vadd.f32 v2, v1;
	v2 =	vmul.f32 v8, v7;
	v7 =	vld.idx.msk [tilespmem:v22+s14+$0x0], $0xffff  }
0x51: {  	v8 =	vld.idx.msk [tilespmem:v22+s15+$0x0], $0xffff  }
0x52: {  	v1 =	vadd.f32 v2, v1;
	v2 =	vmul.f32 v4, v3;
	v3 =	vld.idx.msk [tilespmem:v23+s14+$0x0], $0xffff  }
0x53: {  	v4 =	vld.idx.msk [tilespmem:v23+s15+$0x0], $0xffff  }
0x54: {  	v1 =	vadd.f32 v2, v1;
	v2 =	vmul.f32 v6, v5;
	_ =	sdelay $0x1  }
0x55: {  	v1 =	vadd.f32 v2, v1;
	v2 =	vmul.f32 v8, v7;
	_ =	sdelay $0x1  }
0x56: {  	v1 =	vadd.f32 v2, v1;
	v2 =	vmul.f32 v4, v3;
	_ =	sdelay $0x1  }
0x57: {  	v1 =	vadd.f32 v2, v1;
	_ =	sdelay $0x1  }
0x58: {  	v1 =	vsub.f32 $0.0e+00, v1;
	_ =	sdelay $0x1  }
0x59: {  	v1 =	vmul.f32 $1.442695020e+00, v1;
	_ =	sdelay $0x1  }
0x5a: {  	(erf) = vpow2.f32 v1;
	_ =	sdelay $0x8  }
0x5b: {  	v1 =	vpop (erf)  }
0x5c: {  	v1 =	vadd.f32 $1.000000000e+00, v1;
	_ =	sdelay $0x1  }
0x5d: {  	(erf) = vrcp.f32 v1;
	_ =	sdelay $0x2  }
0x5e: {  	v1 =	vld [tilespmem:s21+$0x10]  }
0x5f: {  	v2 =	vld [tilespmem:s21+$0x5010];
	_ =	sdelay $0x4  }
0x60: {  	v3 =	vpop (erf)  }
0x61: {  	[tilespmem:s21+$0xD800] =	vst v3  }
0x62: {  	v1 =	vld.idx.msk [tilespmem:v1+s12+$0x0], $0xffff  }
0x63: {  	v2 =	vld.idx.msk [tilespmem:v2+s12+$0x0], $0xffff  }
0x64: {  	v3 =	vld.idx.msk [tilespmem:v24+s14+$0x0], $0xffff  }
0x65: {  	v4 =	vld.idx.msk [tilespmem:v24+s15+$0x0], $0xffff  }
0x66: {  	v5 =	vld.idx.msk [tilespmem:v25+s14+$0x0], $0xffff  }
0x67: {  	v6 =	vld.idx.msk [tilespmem:v25+s15+$0x0], $0xffff  }
0x68: {  	v7 =	vld.idx.msk [tilespmem:v26+s14+$0x0], $0xffff  }
0x69: {  	v8 =	vld.idx.msk [tilespmem:v26+s15+$0x0], $0xffff  }
0x6a: {  	v1 =	vadd.f32 v2, v1;
	v2 =	vmul.f32 v4, v3;
	v3 =	vld.idx.msk [tilespmem:v27+s14+$0x0], $0xffff  }
0x6b: {  	v4 =	vld.idx.msk [tilespmem:v27+s15+$0x0], $0xffff  }
0x6c: {  	v1 =	vadd.f32 v2, v1;
	v2 =	vmul.f32 v6, v5;
	v5 =	vld.idx.msk [tilespmem:v28+s14+$0x0], $0xffff  }
0x6d: {  	v6 =	vld.idx.msk [tilespmem:v28+s15+$0x0], $0xffff  }
0x6e: {  	v1 =	vadd.f32 v2, v1;
	v2 =	vmul.f32 v8, v7;
	v7 =	vld.idx.msk [tilespmem:v29+s14+$0x0], $0xffff  }
0x6f: {  	v8 =	vld.idx.msk [tilespmem:v29+s15+$0x0], $0xffff  }
0x70: {  	v1 =	vadd.f32 v2, v1;
	v2 =	vmul.f32 v4, v3;
	v3 =	vld.idx.msk [tilespmem:v30+s14+$0x0], $0xffff  }
0x71: {  	v4 =	vld.idx.msk [tilespmem:v30+s15+$0x0], $0xffff  }
0x72: {  	v1 =	vadd.f32 v2, v1;
	v2 =	vmul.f32 v6, v5;
	v5 =	vld.idx.msk [tilespmem:v31+s14+$0x0], $0xffff  }
0x73: {  	v6 =	vld.idx.msk [tilespmem:v31+s15+$0x0], $0xffff  }
0x74: {  	v1 =	vadd.f32 v2, v1;
	v2 =	vmul.f32 v8, v7;
	v7 =	vld.idx.msk [tilespmem:v32+s14+$0x0], $0xffff  }
0x75: {  	v8 =	vld.idx.msk [tilespmem:v32+s15+$0x0], $0xffff  }
0x76: {  	v1 =	vadd.f32 v2, v1;
	v2 =	vmul.f32 v4, v3;
	v3 =	vld.idx.msk [tilespmem:v33+s14+$0x0], $0xffff  }
0x77: {  	v4 =	vld.idx.msk [tilespmem:v33+s15+$0x0], $0xffff  }
0x78: {  	v1 =	vadd.f32 v2, v1;
	v2 =	vmul.f32 v6, v5;
	v5 =	vld.idx.msk [tilespmem:v34+s14+$0x0], $0xffff  }
0x79: {  	v6 =	vld.idx.msk [tilespmem:v34+s15+$0x0], $0xffff  }
0x7a: {  	v1 =	vadd.f32 v2, v1;
	v2 =	vmul.f32 v8, v7;
	v7 =	vld.idx.msk [tilespmem:v35+s14+$0x0], $0xffff  }
0x7b: {  	v8 =	vld.idx.msk [tilespmem:v35+s15+$0x0], $0xffff  }
0x7c: {  	v1 =	vadd.f32 v2, v1;
	v2 =	vmul.f32 v4, v3;
	v3 =	vld.idx.msk [tilespmem:v36+s14+$0x0], $0xffff  }
0x7d: {  	v4 =	vld.idx.msk [tilespmem:v36+s15+$0x0], $0xffff  }
0x7e: {  	v1 =	vadd.f32 v2, v1;
	v2 =	vmul.f32 v6, v5;
	v5 =	vld.idx.msk [tilespmem:v37+s14+$0x0], $0xffff  }
0x7f: {  	v6 =	vld.idx.msk [tilespmem:v37+s15+$0x0], $0xffff  }
0x80: {  	v1 =	vadd.f32 v2, v1;
	v2 =	vmul.f32 v8, v7;
	v7 =	vld.idx.msk [tilespmem:v38+s14+$0x0], $0xffff  }
0x81: {  	v8 =	vld.idx.msk [tilespmem:v38+s15+$0x0], $0xffff  }
0x82: {  	v1 =	vadd.f32 v2, v1;
	v2 =	vmul.f32 v4, v3;
	v3 =	vld.idx.msk [tilespmem:v39+s14+$0x0], $0xffff  }
0x83: {  	v4 =	vld.idx.msk [tilespmem:v39+s15+$0x0], $0xffff  }
0x84: {  	v1 =	vadd.f32 v2, v1;
	v2 =	vmul.f32 v6, v5;
	_ =	sdelay $0x1  }
0x85: {  	v1 =	vadd.f32 v2, v1;
	v2 =	vmul.f32 v8, v7;
	_ =	sdelay $0x1  }
0x86: {  	v1 =	vadd.f32 v2, v1;
	v2 =	vmul.f32 v4, v3;
	_ =	sdelay $0x1  }
0x87: {  	v1 =	vadd.f32 v2, v1;
	_ =	sdelay $0x1  }
0x88: {  	v1 =	vsub.f32 $0.0e+00, v1;
	_ =	sdelay $0x1  }
0x89: {  	v1 =	vmul.f32 $1.442695020e+00, v1;
	_ =	sdelay $0x1  }
0x8a: {  	(erf) = vpow2.f32 v1;
	_ =	sdelay $0x8  }
0x8b: {  	v1 =	vpop (erf)  }
0x8c: {  	v1 =	vadd.f32 $1.000000000e+00, v1;
	_ =	sdelay $0x1  }
0x8d: {  	(erf) = vrcp.f32 v1;
	_ =	sdelay $0x2  }
0x8e: {  	v1 =	vld [tilespmem:s21+$0x20]  }
0x8f: {  	v2 =	vld [tilespmem:s21+$0x5020];
	_ =	sdelay $0x4  }
0x90: {  	v3 =	vpop (erf)  }
0x91: {  	[tilespmem:s21+$0xD810] =	vst v3  }
0x92: {  	v1 =	vld.idx.msk [tilespmem:v1+s12+$0x0], $0xffff  }
0x93: {  	v2 =	vld.idx.msk [tilespmem:v2+s12+$0x0], $0xffff  }
0x94: {  	v3 =	vld.idx.msk [tilespmem:v40+s14+$0x0], $0xffff  }
0x95: {  	v4 =	vld.idx.msk [tilespmem:v40+s15+$0x0], $0xffff  }
0x96: {  	v5 =	vld.idx.msk [tilespmem:v41+s14+$0x0], $0xffff  }
0x97: {  	v6 =	vld.idx.msk [tilespmem:v41+s15+$0x0], $0xffff  }
0x98: {  	v7 =	vld.idx.msk [tilespmem:v42+s14+$0x0], $0xffff  }
0x99: {  	v8 =	vld.idx.msk [tilespmem:v42+s15+$0x0], $0xffff  }
0x9a: {  	v1 =	vadd.f32 v2, v1;
	v2 =	vmul.f32 v4, v3;
	v3 =	vld.idx.msk [tilespmem:v43+s14+$0x0], $0xffff  }
0x9b: {  	v4 =	vld.idx.msk [tilespmem:v43+s15+$0x0], $0xffff  }
0x9c: {  	v1 =	vadd.f32 v2, v1;
	v2 =	vmul.f32 v6, v5;
	v5 =	vld.idx.msk [tilespmem:v44+s14+$0x0], $0xffff  }
0x9d: {  	v6 =	vld.idx.msk [tilespmem:v44+s15+$0x0], $0xffff  }
0x9e: {  	v1 =	vadd.f32 v2, v1;
	v2 =	vmul.f32 v8, v7;
	v7 =	vld.idx.msk [tilespmem:v45+s14+$0x0], $0xffff  }
0x9f: {  	v8 =	vld.idx.msk [tilespmem:v45+s15+$0x0], $0xffff  }
0xa0: {  	v1 =	vadd.f32 v2, v1;
	v2 =	vmul.f32 v4, v3;
	v3 =	vld.idx.msk [tilespmem:v46+s14+$0x0], $0xffff  }
0xa1: {  	v4 =	vld.idx.msk [tilespmem:v46+s15+$0x0], $0xffff  }
0xa2: {  	v1 =	vadd.f32 v2, v1;
	v2 =	vmul.f32 v6, v5;
	v5 =	vld.idx.msk [tilespmem:v47+s14+$0x0], $0xffff  }
0xa3: {  	v6 =	vld.idx.msk [tilespmem:v47+s15+$0x0], $0xffff  }
0xa4: {  	v1 =	vadd.f32 v2, v1;
	v2 =	vmul.f32 v8, v7;
	v7 =	vld.idx.msk [tilespmem:v48+s14+$0x0], $0xffff  }
0xa5: {  	v8 =	vld.idx.msk [tilespmem:v48+s15+$0x0], $0xffff  }
0xa6: {  	v1 =	vadd.f32 v2, v1;
	v2 =	vmul.f32 v4, v3;
	v3 =	vld.idx.msk [tilespmem:v49+s14+$0x0], $0xffff  }
0xa7: {  	v4 =	vld.idx.msk [tilespmem:v49+s15+$0x0], $0xffff  }
0xa8: {  	v1 =	vadd.f32 v2, v1;
	v2 =	vmul.f32 v6, v5;
	v5 =	vld.idx.msk [tilespmem:v50+s14+$0x0], $0xffff  }
0xa9: {  	v6 =	vld.idx.msk [tilespmem:v50+s15+$0x0], $0xffff  }
0xaa: {  	v1 =	vadd.f32 v2, v1;
	v2 =	vmul.f32 v8, v7;
	v7 =	vld.idx.msk [tilespmem:v51+s14+$0x0], $0xffff  }
0xab: {  	v8 =	vld.idx.msk [tilespmem:v51+s15+$0x0], $0xffff  }
0xac: {  	v1 =	vadd.f32 v2, v1;
	v2 =	vmul.f32 v4, v3;
	v3 =	vld.idx.msk [tilespmem:v52+s14+$0x0], $0xffff  }
0xad: {  	v4 =	vld.idx.msk [tilespmem:v52+s15+$0x0], $0xffff  }
0xae: {  	v1 =	vadd.f32 v2, v1;
	v2 =	vmul.f32 v6, v5;
	v5 =	vld.idx.msk [tilespmem:v53+s14+$0x0], $0xffff  }
0xaf: {  	v6 =	vld.idx.msk [tilespmem:v53+s15+$0x0], $0xffff  }
0xb0: {  	v1 =	vadd.f32 v2, v1;
	v2 =	vmul.f32 v8, v7;
	v7 =	vld.idx.msk [tilespmem:v54+s14+$0x0], $0xffff  }
0xb1: {  	v8 =	vld.idx.msk [tilespmem:v54+s15+$0x0], $0xffff  }
0xb2: {  	v1 =	vadd.f32 v2, v1;
	v2 =	vmul.f32 v4, v3;
	v3 =	vld.idx.msk [tilespmem:v55+s14+$0x0], $0xffff  }
0xb3: {  	v4 =	vld.idx.msk [tilespmem:v55+s15+$0x0], $0xffff  }
0xb4: {  	v1 =	vadd.f32 v2, v1;
	v2 =	vmul.f32 v6, v5;
	_ =	sdelay $0x1  }
0xb5: {  	v1 =	vadd.f32 v2, v1;
	v2 =	vmul.f32 v8, v7;
	_ =	sdelay $0x1  }
0xb6: {  	v1 =	vadd.f32 v2, v1;
	v2 =	vmul.f32 v4, v3;
	_ =	sdelay $0x1  }
0xb7: {  	v1 =	vadd.f32 v2, v1;
	_ =	sdelay $0x1  }
0xb8: {  	v1 =	vsub.f32 $0.0e+00, v1;
	_ =	sdelay $0x1  }
0xb9: {  	v1 =	vmul.f32 $1.442695020e+00, v1;
	_ =	sdelay $0x1  }
0xba: {  	(erf) = vpow2.f32 v1;
	_ =	sdelay $0x8  }
0xbb: {  	v1 =	vpop (erf)  }
0xbc: {  	v1 =	vadd.f32 $1.000000000e+00, v1;
	_ =	sdelay $0x1  }
0xbd: {  	(erf) = vrcp.f32 v1;
	_ =	sdelay $0x2  }
0xbe: {  	v1 =	vld [tilespmem:s21+$0x30]  }
0xbf: {  	v2 =	vld [tilespmem:s21+$0x5030];
	_ =	sdelay $0x4  }
0xc0: {  	v3 =	vpop (erf)  }
0xc1: {  	[tilespmem:s21+$0xD820] =	vst v3  }
0xc2: {  	v1 =	vld.idx.msk [tilespmem:v1+s12+$0x0], $0xffff  }
0xc3: {  	v2 =	vld.idx.msk [tilespmem:v2+s12+$0x0], $0xffff  }
0xc4: {  	v3 =	vld.idx.msk [tilespmem:v56+s14+$0x0], $0xffff  }
0xc5: {  	v4 =	vld.idx.msk [tilespmem:v56+s15+$0x0], $0xffff  }
0xc6: {  	v5 =	vld.idx.msk [tilespmem:v57+s14+$0x0], $0xffff  }
0xc7: {  	v6 =	vld.idx.msk [tilespmem:v57+s15+$0x0], $0xffff  }
0xc8: {  	v7 =	vld.idx.msk [tilespmem:v59+s14+$0x0], $0xffff  }
0xc9: {  	v8 =	vld.idx.msk [tilespmem:v59+s15+$0x0], $0xffff  }
0xca: {  	v1 =	vadd.f32 v2, v1;
	v2 =	vmul.f32 v4, v3;
	v3 =	vld.idx.msk [tilespmem:v58+s14+$0x0], $0xffff  }
0xcb: {  	v4 =	vld.idx.msk [tilespmem:v58+s15+$0x0], $0xffff  }
0xcc: {  	v1 =	vadd.f32 v2, v1;
	v2 =	vmul.f32 v6, v5;
	v5 =	vld.idx.msk [tilespmem:v60+s14+$0x0], $0xffff  }
0xcd: {  	v6 =	vld.idx.msk [tilespmem:v60+s15+$0x0], $0xffff  }
0xce: {  	v1 =	vadd.f32 v2, v1;
	v2 =	vmul.f32 v8, v7;
	v7 =	vld.idx.msk [tilespmem:v61+s14+$0x0], $0xffff  }
0xcf: {  	v8 =	vld.idx.msk [tilespmem:v61+s15+$0x0], $0xffff  }
0xd0: {  	v1 =	vadd.f32 v2, v1;
	v2 =	vmul.f32 v4, v3;
	v3 =	vld.idx.msk [tilespmem:v12+s14+$0x0], $0xffff  }
0xd1: {  	v4 =	vld.idx.msk [tilespmem:v12+s15+$0x0], $0xffff  }
0xd2: {  	v1 =	vadd.f32 v2, v1;
	v2 =	vmul.f32 v6, v5;
	v5 =	vld.idx.msk [tilespmem:v13+s14+$0x0], $0xffff  }
0xd3: {  	v6 =	vld.idx.msk [tilespmem:v13+s15+$0x0], $0xffff  }
0xd4: {  	v1 =	vadd.f32 v2, v1;
	v2 =	vmul.f32 v8, v7;
	v7 =	vld.idx.msk [tilespmem:v63+s14+$0x0], $0xffff  }
0xd5: {  	v8 =	vld.idx.msk [tilespmem:v63+s15+$0x0], $0xffff  }
0xd6: {  	v1 =	vadd.f32 v2, v1;
	v2 =	vmul.f32 v4, v3;
	v3 =	vld.idx.msk [tilespmem:v62+s14+$0x0], $0xffff  }
0xd7: {  	v4 =	vld.idx.msk [tilespmem:v62+s15+$0x0], $0xffff  }
0xd8: {  	v1 =	vadd.f32 v2, v1;
	v2 =	vmul.f32 v6, v5;
	v6 =	vld [tilespmem:$0x1FF50];
	_ =	sdelay $0x1  }
0xd9: {  	v1 =	vadd.f32 v2, v1;
	v2 =	vmul.f32 v8, v7;
	v8 =	vld [tilespmem:$0x1FF60];
	_ =	sdelay $0x1  }
0xda: {  	v1 =	vadd.f32 v2, v1;
	v2 =	vmul.f32 v4, v3;
	v4 =	vld [tilespmem:$0x1FF70];
	_ =	sdelay $0x3  }
0xdb: {  	v5 =	vld.idx.msk [tilespmem:v6+s14+$0x0], $0xffff  }
0xdc: {  	v6 =	vld.idx.msk [tilespmem:v6+s15+$0x0], $0xffff  }
0xdd: {  	v7 =	vld.idx.msk [tilespmem:v8+s14+$0x0], $0xffff  }
0xde: {  	v8 =	vld.idx.msk [tilespmem:v8+s15+$0x0], $0xffff  }
0xdf: {  	v3 =	vld.idx.msk [tilespmem:v4+s14+$0x0], $0xffff  }
0xe0: {  	v4 =	vld.idx.msk [tilespmem:v4+s15+$0x0], $0xffff  }
0xe1: {  	v1 =	vadd.f32 v2, v1;
	v2 =	vmul.f32 v6, v5;
	v6 =	vld [tilespmem:$0x1FF80];
	_ =	sdelay $0x1  }
0xe2: {  	v1 =	vadd.f32 v2, v1;
	v2 =	vmul.f32 v8, v7;
	v8 =	vld [tilespmem:$0x1FF90];
	_ =	sdelay $0x1  }
0xe3: {  	v1 =	vadd.f32 v2, v1;
	v2 =	vmul.f32 v4, v3;
	v4 =	vld [tilespmem:$0x1FFA0];
	_ =	sdelay $0x3  }
0xe4: {  	v5 =	vld.idx.msk [tilespmem:v6+s14+$0x0], $0xffff  }
0xe5: {  	v6 =	vld.idx.msk [tilespmem:v6+s15+$0x0], $0xffff  }
0xe6: {  	v7 =	vld.idx.msk [tilespmem:v8+s14+$0x0], $0xffff  }
0xe7: {  	v8 =	vld.idx.msk [tilespmem:v8+s15+$0x0], $0xffff  }
0xe8: {  	v3 =	vld.idx.msk [tilespmem:v4+s14+$0x0], $0xffff  }
0xe9: {  	v4 =	vld.idx.msk [tilespmem:v4+s15+$0x0], $0xffff  }
0xea: {  	v1 =	vadd.f32 v2, v1;
	v2 =	vmul.f32 v6, v5;
	_ =	sdelay $0x1  }
0xeb: {  	v1 =	vadd.f32 v2, v1;
	v2 =	vmul.f32 v8, v7;
	_ =	sdelay $0x1  }
0xec: {  	v1 =	vadd.f32 v2, v1;
	v2 =	vmul.f32 v4, v3;
	_ =	sdelay $0x1  }
0xed: {  	v1 =	vadd.f32 v2, v1;
	_ =	sdelay $0x1  }
0xee: {  	v1 =	vsub.f32 $0.0e+00, v1;
	_ =	sdelay $0x1  }
0xef: {  	v1 =	vmul.f32 $1.442695020e+00, v1;
	_ =	sdelay $0x1  }
0xf0: {  	(erf) = vpow2.f32 v1;
	_ =	sdelay $0x8  }
0xf1: {  	v1 =	vpop (erf)  }
0xf2: {  	v1 =	vadd.f32 $1.000000000e+00, v1;
	_ =	sdelay $0x1  }
0xf3: {  	(erf) = vrcp.f32 v1;
	_ =	sdelay $0x2  }
0xf4: {  	v1 =	vld [tilespmem:s21+$0x40]  }
0xf5: {  	v2 =	vld [tilespmem:s21+$0x5040];
	_ =	sdelay $0x3  }
0xf6: {  	v3 =	vor.u32 $0x400, v0  }
0xf7: {  	v4 =	vpop (erf)  }
0xf8: {  	[tilespmem:s21+$0xD830] =	vst v4;
	v4 =	vor.u32 $0x401, v0  }
0xf9: {  	v1 =	vld.idx.msk [tilespmem:v1+s12+$0x0], $0xffff  }
0xfa: {  	v5 =	vor.u32 $0x402, v0;
	v2 =	vld.idx.msk [tilespmem:v2+s12+$0x0], $0xffff  }
0xfb: {  	v6 =	vld.idx.msk [tilespmem:v3+s14+$0x0], $0xffff  }
0xfc: {  	v59 =	vmov v50;
	v7 =	vor.u32 $0x403, v0;
	v3 =	vld.idx.msk [tilespmem:v3+s15+$0x0], $0xffff  }
0xfd: {  	v56 =	vmovc v47;
	v50 =	vmovc v41;
	v47 =	vmov v38;
	v41 =	vmov v32;
	v38 =	vmov v29;
	v8 =	vld.idx.msk [tilespmem:v4+s14+$0x0], $0xffff  }
0xfe: {  	v29 =	vmovc v20;
	v20 =	vmovc v9;
	v9 =	vor.u32 $0x404, v0;
	v62 =	vmov v53;
	v53 =	vmov v44;
	v4 =	vld.idx.msk [tilespmem:v4+s15+$0x0], $0xffff  }
0xff: {  	v44 =	vmovc v35;
	v35 =	vmovc v26;
	v26 =	vmov v17;
	v17 =	vmov v15;
	v15 =	vmov v10;
	v10 =	vld.idx.msk [tilespmem:v5+s14+$0x0], $0xffff  }
0x100: {  	v32 =	vmovc v23;
	v23 =	vmovc v14;
	v14 =	vmov v16;
	v16 =	vmov v11;
	v11 =	vor.u32 $0x405, v0;
	v5 =	vld.idx.msk [tilespmem:v5+s15+$0x0], $0xffff  }
0x101: {  	v1 =	vadd.f32 v2, v1;
	v2 =	vmul.f32 v3, v6;
	v3 =	vld.idx.msk [tilespmem:v7+s14+$0x0], $0xffff  }
0x102: {  	v6 =	vld.idx.msk [tilespmem:v7+s15+$0x0], $0xffff;
	v7 =	vor.u32 $0x406, v0  }
0x103: {  	v1 =	vadd.f32 v2, v1;
	v2 =	vmul.f32 v4, v8;
	v4 =	vld.idx.msk [tilespmem:v9+s14+$0x0], $0xffff  }
0x104: {  	v8 =	vld.idx.msk [tilespmem:v9+s15+$0x0], $0xffff;
	v9 =	vor.u32 $0x407, v0  }
0x105: {  	v1 =	vadd.f32 v2, v1;
	v2 =	vmul.f32 v5, v10;
	v5 =	vld.idx.msk [tilespmem:v11+s14+$0x0], $0xffff  }
0x106: {  	v10 =	vld.idx.msk [tilespmem:v11+s15+$0x0], $0xffff;
	v11 =	vor.u32 $0x408, v0  }
0x107: {  	v1 =	vadd.f32 v2, v1;
	v2 =	vmul.f32 v6, v3;
	v3 =	vld.idx.msk [tilespmem:v7+s14+$0x0], $0xffff  }
0x108: {  	v6 =	vld.idx.msk [tilespmem:v7+s15+$0x0], $0xffff;
	v7 =	vor.u32 $0x409, v0  }
0x109: {  	v1 =	vadd.f32 v2, v1;
	v2 =	vmul.f32 v8, v4;
	v4 =	vld.idx.msk [tilespmem:v9+s14+$0x0], $0xffff  }
0x10a: {  	v8 =	vld.idx.msk [tilespmem:v9+s15+$0x0], $0xffff;
	v9 =	vor.u32 $0x40A, v0  }
0x10b: {  	v1 =	vadd.f32 v2, v1;
	v2 =	vmul.f32 v10, v5;
	v5 =	vld.idx.msk [tilespmem:v11+s14+$0x0], $0xffff  }
0x10c: {  	v10 =	vld.idx.msk [tilespmem:v11+s15+$0x0], $0xffff;
	v11 =	vor.u32 $0x40B, v0  }
0x10d: {  	v1 =	vadd.f32 v2, v1;
	v2 =	vmul.f32 v6, v3;
	v3 =	vld.idx.msk [tilespmem:v7+s14+$0x0], $0xffff  }
0x10e: {  	v6 =	vld.idx.msk [tilespmem:v7+s15+$0x0], $0xffff;
	v7 =	vor.u32 $0x40C, v0  }
0x10f: {  	v1 =	vadd.f32 v2, v1;
	v2 =	vmul.f32 v8, v4;
	v4 =	vld.idx.msk [tilespmem:v9+s14+$0x0], $0xffff  }
0x110: {  	v8 =	vld.idx.msk [tilespmem:v9+s15+$0x0], $0xffff;
	v9 =	vor.u32 $0x40D, v0  }
0x111: {  	v1 =	vadd.f32 v2, v1;
	v2 =	vmul.f32 v10, v5;
	v5 =	vld.idx.msk [tilespmem:v11+s14+$0x0], $0xffff  }
0x112: {  	v10 =	vld.idx.msk [tilespmem:v11+s15+$0x0], $0xffff;
	v11 =	vor.u32 $0x40E, v0  }
0x113: {  	v1 =	vadd.f32 v2, v1;
	v2 =	vmul.f32 v6, v3;
	v3 =	vld.idx.msk [tilespmem:v7+s14+$0x0], $0xffff  }
0x114: {  	v6 =	vld.idx.msk [tilespmem:v7+s15+$0x0], $0xffff;
	v7 =	vor.u32 $0x40F, v0  }
0x115: {  	v1 =	vadd.f32 v2, v1;
	v2 =	vmul.f32 v8, v4;
	v4 =	vld.idx.msk [tilespmem:v9+s14+$0x0], $0xffff  }
0x116: {  	v8 =	vld.idx.msk [tilespmem:v9+s15+$0x0], $0xffff  }
0x117: {  	v9 =	vld.idx.msk [tilespmem:v11+s15+$0x0], $0xffff;
	v1 =	vadd.f32 v2, v1;
	v2 =	vmul.f32 v10, v5  }
0x118: {  	v5 =	vld.idx.msk [tilespmem:v11+s14+$0x0], $0xffff  }
0x119: {  	v1 =	vadd.f32 v2, v1;
	v2 =	vmul.f32 v6, v3;
	v3 =	vld.idx.msk [tilespmem:v7+s14+$0x0], $0xffff  }
0x11a: {  	v6 =	vld.idx.msk [tilespmem:v7+s15+$0x0], $0xffff  }
0x11b: {  	v1 =	vadd.f32 v2, v1;
	v2 =	vmul.f32 v8, v4;
	_ =	sdelay $0x1  }
0x11c: {  	v1 =	vadd.f32 v2, v1;
	v2 =	vmul.f32 v9, v5;
	_ =	sdelay $0x1  }
0x11d: {  	v1 =	vadd.f32 v2, v1;
	v2 =	vmul.f32 v6, v3;
	_ =	sdelay $0x1  }
0x11e: {  	v1 =	vadd.f32 v2, v1;
	_ =	sdelay $0x1  }
0x11f: {  	v1 =	vsub.f32 $0.0e+00, v1;
	_ =	sdelay $0x1  }
0x120: {  	v1 =	vmul.f32 $1.442695020e+00, v1;
	_ =	sdelay $0x1  }
0x121: {  	(erf) = vpow2.f32 v1;
	_ =	sdelay $0x8  }
0x122: {  	v1 =	vpop (erf)  }
0x123: {  	v1 =	vadd.f32 $1.000000000e+00, v1;
	_ =	sdelay $0x1  }
0x124: {  	(erf) = vrcp.f32 v1;
	_ =	sdelay $0x2  }
0x125: {  	v1 =	vld [tilespmem:s21+$0x50]  }
0x126: {  	v2 =	vld [tilespmem:s21+$0x5050];
	_ =	sdelay $0x3  }
0x127: {  	v3 =	vor.u32 $0x500, v0  }
0x128: {  	v4 =	vpop (erf)  }
0x129: {  	[tilespmem:s21+$0xD840] =	vst v4;
	v4 =	vor.u32 $0x501, v0  }
0x12a: {  	v1 =	vld.idx.msk [tilespmem:v1+s12+$0x0], $0xffff  }
0x12b: {  	v5 =	vor.u32 $0x502, v0;
	v2 =	vld.idx.msk [tilespmem:v2+s12+$0x0], $0xffff  }
0x12c: {  	v6 =	vld.idx.msk [tilespmem:v3+s14+$0x0], $0xffff  }
0x12d: {  	v7 =	vor.u32 $0x503, v0;
	v3 =	vld.idx.msk [tilespmem:v3+s15+$0x0], $0xffff  }
0x12e: {  	v8 =	vld.idx.msk [tilespmem:v4+s14+$0x0], $0xffff  }
0x12f: {  	v9 =	vor.u32 $0x504, v0;
	v4 =	vld.idx.msk [tilespmem:v4+s15+$0x0], $0xffff  }
0x130: {  	v10 =	vld.idx.msk [tilespmem:v5+s14+$0x0], $0xffff  }
0x131: {  	v11 =	vor.u32 $0x505, v0;
	v5 =	vld.idx.msk [tilespmem:v5+s15+$0x0], $0xffff  }
0x132: {  	v1 =	vadd.f32 v2, v1;
	v2 =	vmul.f32 v3, v6;
	v3 =	vld.idx.msk [tilespmem:v7+s14+$0x0], $0xffff  }
0x133: {  	v6 =	vld.idx.msk [tilespmem:v7+s15+$0x0], $0xffff;
	v7 =	vor.u32 $0x506, v0  }
0x134: {  	v1 =	vadd.f32 v2, v1;
	v2 =	vmul.f32 v4, v8;
	v4 =	vld.idx.msk [tilespmem:v9+s14+$0x0], $0xffff  }
0x135: {  	v8 =	vld.idx.msk [tilespmem:v9+s15+$0x0], $0xffff;
	v9 =	vor.u32 $0x507, v0  }
0x136: {  	v1 =	vadd.f32 v2, v1;
	v2 =	vmul.f32 v5, v10;
	v5 =	vld.idx.msk [tilespmem:v11+s14+$0x0], $0xffff  }
0x137: {  	v10 =	vld.idx.msk [tilespmem:v11+s15+$0x0], $0xffff;
	v11 =	vor.u32 $0x508, v0  }
0x138: {  	v1 =	vadd.f32 v2, v1;
	v2 =	vmul.f32 v6, v3;
	v3 =	vld.idx.msk [tilespmem:v7+s14+$0x0], $0xffff  }
0x139: {  	v6 =	vld.idx.msk [tilespmem:v7+s15+$0x0], $0xffff;
	v7 =	vor.u32 $0x509, v0  }
0x13a: {  	v1 =	vadd.f32 v2, v1;
	v2 =	vmul.f32 v8, v4;
	v4 =	vld.idx.msk [tilespmem:v9+s14+$0x0], $0xffff  }
0x13b: {  	v8 =	vld.idx.msk [tilespmem:v9+s15+$0x0], $0xffff;
	v9 =	vor.u32 $0x50A, v0  }
0x13c: {  	v1 =	vadd.f32 v2, v1;
	v2 =	vmul.f32 v10, v5;
	v5 =	vld.idx.msk [tilespmem:v11+s14+$0x0], $0xffff  }
0x13d: {  	v10 =	vld.idx.msk [tilespmem:v11+s15+$0x0], $0xffff;
	v11 =	vor.u32 $0x50B, v0  }
0x13e: {  	v1 =	vadd.f32 v2, v1;
	v2 =	vmul.f32 v6, v3;
	v3 =	vld.idx.msk [tilespmem:v7+s14+$0x0], $0xffff  }
0x13f: {  	v6 =	vld.idx.msk [tilespmem:v7+s15+$0x0], $0xffff;
	v7 =	vor.u32 $0x50C, v0  }
0x140: {  	v1 =	vadd.f32 v2, v1;
	v2 =	vmul.f32 v8, v4;
	v4 =	vld.idx.msk [tilespmem:v9+s14+$0x0], $0xffff  }
0x141: {  	v8 =	vld.idx.msk [tilespmem:v9+s15+$0x0], $0xffff;
	v9 =	vor.u32 $0x50D, v0  }
0x142: {  	v1 =	vadd.f32 v2, v1;
	v2 =	vmul.f32 v10, v5;
	v5 =	vld.idx.msk [tilespmem:v11+s14+$0x0], $0xffff  }
0x143: {  	v10 =	vld.idx.msk [tilespmem:v11+s15+$0x0], $0xffff;
	v11 =	vor.u32 $0x50E, v0  }
0x144: {  	v1 =	vadd.f32 v2, v1;
	v2 =	vmul.f32 v6, v3;
	v3 =	vld.idx.msk [tilespmem:v7+s14+$0x0], $0xffff  }
0x145: {  	v6 =	vld.idx.msk [tilespmem:v7+s15+$0x0], $0xffff;
	v7 =	vor.u32 $0x50F, v0  }
0x146: {  	v1 =	vadd.f32 v2, v1;
	v2 =	vmul.f32 v8, v4;
	v4 =	vld.idx.msk [tilespmem:v9+s14+$0x0], $0xffff  }
0x147: {  	v8 =	vld.idx.msk [tilespmem:v9+s15+$0x0], $0xffff  }
0x148: {  	v9 =	vld.idx.msk [tilespmem:v11+s15+$0x0], $0xffff;
	v1 =	vadd.f32 v2, v1;
	v2 =	vmul.f32 v10, v5  }
0x149: {  	v5 =	vld.idx.msk [tilespmem:v11+s14+$0x0], $0xffff  }
0x14a: {  	v1 =	vadd.f32 v2, v1;
	v2 =	vmul.f32 v6, v3;
	v3 =	vld.idx.msk [tilespmem:v7+s14+$0x0], $0xffff  }
0x14b: {  	v6 =	vld.idx.msk [tilespmem:v7+s15+$0x0], $0xffff  }
0x14c: {  	v1 =	vadd.f32 v2, v1;
	v2 =	vmul.f32 v8, v4;
	_ =	sdelay $0x1  }
0x14d: {  	v1 =	vadd.f32 v2, v1;
	v2 =	vmul.f32 v9, v5;
	_ =	sdelay $0x1  }
0x14e: {  	v1 =	vadd.f32 v2, v1;
	v2 =	vmul.f32 v6, v3;
	_ =	sdelay $0x1  }
0x14f: {  	v1 =	vadd.f32 v2, v1;
	_ =	sdelay $0x1  }
0x150: {  	v1 =	vsub.f32 $0.0e+00, v1;
	_ =	sdelay $0x1  }
0x151: {  	v1 =	vmul.f32 $1.442695020e+00, v1;
	_ =	sdelay $0x1  }
0x152: {  	(erf) = vpow2.f32 v1;
	_ =	sdelay $0x8  }
0x153: {  	v1 =	vpop (erf)  }
0x154: {  	v1 =	vadd.f32 $1.000000000e+00, v1;
	_ =	sdelay $0x1  }
0x155: {  	(erf) = vrcp.f32 v1;
	_ =	sdelay $0x2  }
0x156: {  	v1 =	vld [tilespmem:s21+$0x60]  }
0x157: {  	v2 =	vld [tilespmem:s21+$0x5060];
	_ =	sdelay $0x3  }
0x158: {  	v3 =	vor.u32 $0x600, v0  }
0x159: {  	v4 =	vpop (erf)  }
0x15a: {  	[tilespmem:s21+$0xD850] =	vst v4;
	v4 =	vor.u32 $0x601, v0  }
0x15b: {  	v1 =	vld.idx.msk [tilespmem:v1+s12+$0x0], $0xffff  }
0x15c: {  	v5 =	vor.u32 $0x602, v0;
	v2 =	vld.idx.msk [tilespmem:v2+s12+$0x0], $0xffff  }
0x15d: {  	v6 =	vld.idx.msk [tilespmem:v3+s14+$0x0], $0xffff  }
0x15e: {  	v7 =	vor.u32 $0x603, v0;
	v3 =	vld.idx.msk [tilespmem:v3+s15+$0x0], $0xffff  }
0x15f: {  	v8 =	vld.idx.msk [tilespmem:v4+s14+$0x0], $0xffff  }
0x160: {  	v9 =	vor.u32 $0x604, v0;
	v4 =	vld.idx.msk [tilespmem:v4+s15+$0x0], $0xffff  }
0x161: {  	v10 =	vld.idx.msk [tilespmem:v5+s14+$0x0], $0xffff  }
0x162: {  	v11 =	vor.u32 $0x605, v0;
	v5 =	vld.idx.msk [tilespmem:v5+s15+$0x0], $0xffff  }
0x163: {  	v1 =	vadd.f32 v2, v1;
	v2 =	vmul.f32 v3, v6;
	v3 =	vld.idx.msk [tilespmem:v7+s14+$0x0], $0xffff  }
0x164: {  	v6 =	vld.idx.msk [tilespmem:v7+s15+$0x0], $0xffff;
	v7 =	vor.u32 $0x606, v0  }
0x165: {  	v1 =	vadd.f32 v2, v1;
	v2 =	vmul.f32 v4, v8;
	v4 =	vld.idx.msk [tilespmem:v9+s14+$0x0], $0xffff  }
0x166: {  	v8 =	vld.idx.msk [tilespmem:v9+s15+$0x0], $0xffff;
	v9 =	vor.u32 $0x607, v0  }
0x167: {  	v1 =	vadd.f32 v2, v1;
	v2 =	vmul.f32 v5, v10;
	v5 =	vld.idx.msk [tilespmem:v11+s14+$0x0], $0xffff  }
0x168: {  	v10 =	vld.idx.msk [tilespmem:v11+s15+$0x0], $0xffff;
	v11 =	vor.u32 $0x608, v0  }
0x169: {  	v1 =	vadd.f32 v2, v1;
	v2 =	vmul.f32 v6, v3;
	v3 =	vld.idx.msk [tilespmem:v7+s14+$0x0], $0xffff  }
0x16a: {  	v6 =	vld.idx.msk [tilespmem:v7+s15+$0x0], $0xffff;
	v7 =	vor.u32 $0x609, v0  }
0x16b: {  	v1 =	vadd.f32 v2, v1;
	v2 =	vmul.f32 v8, v4;
	v4 =	vld.idx.msk [tilespmem:v9+s14+$0x0], $0xffff  }
0x16c: {  	v8 =	vld.idx.msk [tilespmem:v9+s15+$0x0], $0xffff;
	v9 =	vor.u32 $0x60A, v0  }
0x16d: {  	v1 =	vadd.f32 v2, v1;
	v2 =	vmul.f32 v10, v5;
	v5 =	vld.idx.msk [tilespmem:v11+s14+$0x0], $0xffff  }
0x16e: {  	v10 =	vld.idx.msk [tilespmem:v11+s15+$0x0], $0xffff;
	v11 =	vor.u32 $0x60B, v0  }
0x16f: {  	v1 =	vadd.f32 v2, v1;
	v2 =	vmul.f32 v6, v3;
	v3 =	vld.idx.msk [tilespmem:v7+s14+$0x0], $0xffff  }
0x170: {  	v6 =	vld.idx.msk [tilespmem:v7+s15+$0x0], $0xffff;
	v7 =	vor.u32 $0x60C, v0  }
0x171: {  	v1 =	vadd.f32 v2, v1;
	v2 =	vmul.f32 v8, v4;
	v4 =	vld.idx.msk [tilespmem:v9+s14+$0x0], $0xffff  }
0x172: {  	v8 =	vld.idx.msk [tilespmem:v9+s15+$0x0], $0xffff;
	v9 =	vor.u32 $0x60D, v0  }
0x173: {  	v1 =	vadd.f32 v2, v1;
	v2 =	vmul.f32 v10, v5;
	v5 =	vld.idx.msk [tilespmem:v11+s14+$0x0], $0xffff  }
0x174: {  	v10 =	vld.idx.msk [tilespmem:v11+s15+$0x0], $0xffff;
	v11 =	vor.u32 $0x60E, v0  }
0x175: {  	v1 =	vadd.f32 v2, v1;
	v2 =	vmul.f32 v6, v3;
	v3 =	vld.idx.msk [tilespmem:v7+s14+$0x0], $0xffff  }
0x176: {  	v6 =	vld.idx.msk [tilespmem:v7+s15+$0x0], $0xffff;
	v7 =	vor.u32 $0x60F, v0  }
0x177: {  	v1 =	vadd.f32 v2, v1;
	v2 =	vmul.f32 v8, v4;
	v4 =	vld.idx.msk [tilespmem:v9+s14+$0x0], $0xffff  }
0x178: {  	v8 =	vld.idx.msk [tilespmem:v9+s15+$0x0], $0xffff  }
0x179: {  	v9 =	vld.idx.msk [tilespmem:v11+s15+$0x0], $0xffff;
	v1 =	vadd.f32 v2, v1;
	v2 =	vmul.f32 v10, v5  }
0x17a: {  	v5 =	vld.idx.msk [tilespmem:v11+s14+$0x0], $0xffff  }
0x17b: {  	v1 =	vadd.f32 v2, v1;
	v2 =	vmul.f32 v6, v3;
	v3 =	vld.idx.msk [tilespmem:v7+s14+$0x0], $0xffff  }
0x17c: {  	v6 =	vld.idx.msk [tilespmem:v7+s15+$0x0], $0xffff  }
0x17d: {  	v1 =	vadd.f32 v2, v1;
	v2 =	vmul.f32 v8, v4;
	_ =	sdelay $0x1  }
0x17e: {  	v1 =	vadd.f32 v2, v1;
	v2 =	vmul.f32 v9, v5;
	_ =	sdelay $0x1  }
0x17f: {  	v1 =	vadd.f32 v2, v1;
	v2 =	vmul.f32 v6, v3;
	_ =	sdelay $0x1  }
0x180: {  	v1 =	vadd.f32 v2, v1;
	_ =	sdelay $0x1  }
0x181: {  	v1 =	vsub.f32 $0.0e+00, v1;
	_ =	sdelay $0x1  }
0x182: {  	v1 =	vmul.f32 $1.442695020e+00, v1;
	_ =	sdelay $0x1  }
0x183: {  	(erf) = vpow2.f32 v1;
	_ =	sdelay $0x8  }
0x184: {  	v1 =	vpop (erf)  }
0x185: {  	v1 =	vadd.f32 $1.000000000e+00, v1;
	_ =	sdelay $0x1  }
0x186: {  	(erf) = vrcp.f32 v1;
	_ =	sdelay $0x2  }
0x187: {  	v1 =	vld [tilespmem:s21+$0x70]  }
0x188: {  	v2 =	vld [tilespmem:s21+$0x5070];
	_ =	sdelay $0x3  }
0x189: {  	v3 =	vor.u32 $0x700, v0  }
0x18a: {  	v4 =	vpop (erf)  }
0x18b: {  	[tilespmem:s21+$0xD860] =	vst v4;
	v4 =	vor.u32 $0x701, v0  }
0x18c: {  	v1 =	vld.idx.msk [tilespmem:v1+s12+$0x0], $0xffff  }
0x18d: {  	v5 =	vor.u32 $0x702, v0;
	v2 =	vld.idx.msk [tilespmem:v2+s12+$0x0], $0xffff  }
0x18e: {  	v6 =	vld.idx.msk [tilespmem:v3+s14+$0x0], $0xffff  }
0x18f: {  	v7 =	vor.u32 $0x703, v0;
	v3 =	vld.idx.msk [tilespmem:v3+s15+$0x0], $0xffff  }
0x190: {  	v8 =	vld.idx.msk [tilespmem:v4+s14+$0x0], $0xffff  }
0x191: {  	v9 =	vor.u32 $0x704, v0;
	v4 =	vld.idx.msk [tilespmem:v4+s15+$0x0], $0xffff  }
0x192: {  	v10 =	vld.idx.msk [tilespmem:v5+s14+$0x0], $0xffff  }
0x193: {  	v11 =	vor.u32 $0x705, v0;
	v5 =	vld.idx.msk [tilespmem:v5+s15+$0x0], $0xffff  }
0x194: {  	v1 =	vadd.f32 v2, v1;
	v2 =	vmul.f32 v3, v6;
	v3 =	vld.idx.msk [tilespmem:v7+s14+$0x0], $0xffff  }
0x195: {  	v6 =	vld.idx.msk [tilespmem:v7+s15+$0x0], $0xffff;
	v7 =	vor.u32 $0x706, v0  }
0x196: {  	v1 =	vadd.f32 v2, v1;
	v2 =	vmul.f32 v4, v8;
	v4 =	vld.idx.msk [tilespmem:v9+s14+$0x0], $0xffff  }
0x197: {  	v8 =	vld.idx.msk [tilespmem:v9+s15+$0x0], $0xffff;
	v9 =	vor.u32 $0x707, v0  }
0x198: {  	v1 =	vadd.f32 v2, v1;
	v2 =	vmul.f32 v5, v10;
	v5 =	vld.idx.msk [tilespmem:v11+s14+$0x0], $0xffff  }
0x199: {  	v10 =	vld.idx.msk [tilespmem:v11+s15+$0x0], $0xffff;
	v11 =	vor.u32 $0x708, v0  }
0x19a: {  	v1 =	vadd.f32 v2, v1;
	v2 =	vmul.f32 v6, v3;
	v3 =	vld.idx.msk [tilespmem:v7+s14+$0x0], $0xffff  }
0x19b: {  	v6 =	vld.idx.msk [tilespmem:v7+s15+$0x0], $0xffff;
	v7 =	vor.u32 $0x709, v0  }
0x19c: {  	v1 =	vadd.f32 v2, v1;
	v2 =	vmul.f32 v8, v4;
	v4 =	vld.idx.msk [tilespmem:v9+s14+$0x0], $0xffff  }
0x19d: {  	v8 =	vld.idx.msk [tilespmem:v9+s15+$0x0], $0xffff;
	v9 =	vor.u32 $0x70A, v0  }
0x19e: {  	v1 =	vadd.f32 v2, v1;
	v2 =	vmul.f32 v10, v5;
	v5 =	vld.idx.msk [tilespmem:v11+s14+$0x0], $0xffff  }
0x19f: {  	v10 =	vld.idx.msk [tilespmem:v11+s15+$0x0], $0xffff;
	v11 =	vor.u32 $0x70B, v0  }
0x1a0: {  	v1 =	vadd.f32 v2, v1;
	v2 =	vmul.f32 v6, v3;
	v3 =	vld.idx.msk [tilespmem:v7+s14+$0x0], $0xffff  }
0x1a1: {  	v6 =	vld.idx.msk [tilespmem:v7+s15+$0x0], $0xffff;
	v7 =	vor.u32 $0x70C, v0  }
0x1a2: {  	v1 =	vadd.f32 v2, v1;
	v2 =	vmul.f32 v8, v4;
	v4 =	vld.idx.msk [tilespmem:v9+s14+$0x0], $0xffff  }
0x1a3: {  	v8 =	vld.idx.msk [tilespmem:v9+s15+$0x0], $0xffff;
	v9 =	vor.u32 $0x70D, v0  }
0x1a4: {  	v1 =	vadd.f32 v2, v1;
	v2 =	vmul.f32 v10, v5;
	v5 =	vld.idx.msk [tilespmem:v11+s14+$0x0], $0xffff  }
0x1a5: {  	v10 =	vld.idx.msk [tilespmem:v11+s15+$0x0], $0xffff;
	v11 =	vor.u32 $0x70E, v0  }
0x1a6: {  	v1 =	vadd.f32 v2, v1;
	v2 =	vmul.f32 v6, v3;
	v3 =	vld.idx.msk [tilespmem:v7+s14+$0x0], $0xffff  }
0x1a7: {  	v6 =	vld.idx.msk [tilespmem:v7+s15+$0x0], $0xffff;
	v7 =	vor.u32 $0x70F, v0  }
0x1a8: {  	v1 =	vadd.f32 v2, v1;
	v2 =	vmul.f32 v8, v4;
	v4 =	vld.idx.msk [tilespmem:v9+s14+$0x0], $0xffff  }
0x1a9: {  	v8 =	vld.idx.msk [tilespmem:v9+s15+$0x0], $0xffff  }
0x1aa: {  	v9 =	vld.idx.msk [tilespmem:v11+s15+$0x0], $0xffff;
	v1 =	vadd.f32 v2, v1;
	v2 =	vmul.f32 v10, v5  }
0x1ab: {  	v5 =	vld.idx.msk [tilespmem:v11+s14+$0x0], $0xffff  }
0x1ac: {  	v1 =	vadd.f32 v2, v1;
	v2 =	vmul.f32 v6, v3;
	v3 =	vld.idx.msk [tilespmem:v7+s14+$0x0], $0xffff  }
0x1ad: {  	v6 =	vld.idx.msk [tilespmem:v7+s15+$0x0], $0xffff  }
0x1ae: {  	v1 =	vadd.f32 v2, v1;
	v2 =	vmul.f32 v8, v4;
	_ =	sdelay $0x1  }
0x1af: {  	v1 =	vadd.f32 v2, v1;
	v2 =	vmul.f32 v9, v5;
	_ =	sdelay $0x1  }
0x1b0: {  	v1 =	vadd.f32 v2, v1;
	v2 =	vmul.f32 v6, v3;
	_ =	sdelay $0x1  }
0x1b1: {  	v1 =	vadd.f32 v2, v1;
	_ =	sdelay $0x1  }
0x1b2: {  	v1 =	vsub.f32 $0.0e+00, v1;
	_ =	sdelay $0x1  }
0x1b3: {  	v1 =	vmul.f32 $1.442695020e+00, v1;
	_ =	sdelay $0x1  }
0x1b4: {  	(erf) = vpow2.f32 v1;
	_ =	sdelay $0x8  }
0x1b5: {  	v1 =	vpop (erf)  }
0x1b6: {  	v1 =	vadd.f32 $1.000000000e+00, v1;
	_ =	sdelay $0x1  }
0x1b7: {  	(erf) = vrcp.f32 v1;
	_ =	sdelay $0x4  }
0x1b8: {  	p0 =	sne.s32 s20, $0x13E00;
	v10 =	vmovc v15;
	v15 =	vmov v17;
	v11 =	vmov v16;
	v16 =	vmov v14  }
.Ltmp0:
0x1b9: {  	v17 =	vmovc v26;
	v26 =	vmovc v35;
	v35 =	vmov v44;
	v44 =	vmov v53;
	v53 =	vmov v62;
	v62 =	vld [tilespmem:$0x1FFE0];
	(pc) =	sbr.rel @p0 .LBB2_2-.Ltmp0, $4  }
0x1ba: {  	v14 =	vmovc v23;
	v23 =	vmovc v32;
	v32 =	vmov v41;
	v41 =	vmov v50;
	v50 =	vmov v59;
	v59 =	vld [tilespmem:$0x1FFD0]  }
0x1bb: {  	v7 =	vld [tilespmem:$0x1FFC0];
	v9 =	vmov v20;
	v20 =	vmov v29  }
0x1bc: {  	v29 =	vmov v38;
	v38 =	vmov v47;
	v47 =	vmov v56;
	v56 =	vld [tilespmem:$0x1FFF0];
	v1 =	vpop (erf)  }
0x1bd: {  	s20 =	sadd.s32 $0x200, s20;
	v5 =	vld [tilespmem:$0x1FFB0];
	[tilespmem:s21+$0xD870] =	vst v1  }
0x1be: {  	s19 =	sadd.s32 $0x1, s19  }
0x1bf: {  	p0 =	sne.s32 s19, s9  }
.Ltmp1:
0x1c0: {  	_ = 	snop;
	(pc) =	sbr.rel @p0 .LBB2_1-.Ltmp1, $4  }
0x1c1: {  	[hbm4b:s8+s3] =	stream.linear.scatter [tilespmem:s18], [sflag:$0x3], $0x5000, $0x38;
	[tilespmem:$0x12800] =	vst v63  }
0x1c2: {  	_ =	swait.ge [sflag:s10], $0x5000  }
0x1c3: {  	[sflag:s10] =	ssyncset.done $0x0  }
0x1c4: {  	[sflag:s10] =	ssyncadd.s32 $0xFFFFB000  }
0x1c5: {  	_ =	sfence.sel $0x180000  }
0x1c6: {  	[bflag:$0x0] =	sbarrier.arrive $0xFFFF  }
0x1c7: {  	p0 =	sne.s32 s1, $0x0;
	_ =	strace $0x90000050  }
0x1c8: {  	s0 =	sadd.s32 @!p0 $0x100000, s2;
	[bflag:$0x2] =	sbarrier.arrive $0xFFFF  }
0x1c9: {  	[sflag:s0] =	ssyncadd.tile.s32 @!p0 $0x1;
	_ =	shalt  }
.Lfunc_end2:
_tile_overlayer_lowered:
.L_overlay_start_2:
0x1ca: {  	(tag) =	ssettag $0x2  }
0x1cb: {  	s0 =	rddreg [dreg:$0x0];
	s2 =	stileid.u32  }
0x1cc: {  	s1 =	rddreg [dreg:$0x1];
	p0 =	sne.s32 s2, $0x0  }
0x1cd: {  	s3 =	rddreg [dreg:$0x2];
	[bflag:$0x3] =	sbarrier.arrive $0xFFFF;
	s2 =	simm.s32 @!p0 $0x1C03  }
0x1ce: {  	[timem:s3], [sflag:s2] =	dma.local @!p0 [hbm:s0], s1  }
0x1cf: {  	s0 =	simm.s32 @!p0 $0x3  }
0x1d0: {  	_ =	swait.ge @!p0 [sflag:s0], s1  }
0x1d1: {  	s1 =	ssub.s32 @!p0 $0x0, s1;
	[sflag:s0] =	ssyncset.done @!p0 $0x0  }
0x1d2: {  	[sflag:s0] =	ssyncadd.s32 @!p0 s1  }
0x1d3: {  	[bflag:$0x3] =	sbarrier.arrive $0xFFFF  }
0x1d4: {  	_ =	shalt  }

// kernel: kernel.9.cloned.1.call-start
scs
__scs_entry_jumppad:
0x0: {  	(pc) =	sbr.rel $0x88, $3  }
0x1: {  	(tag) =	ssettag $0x0;
	lr =	simm.s32 $0x1  }
0x2: {  	[smem:$0x3F9A] =	sst lr;
	_ =	strace $0xD0000000  }
0x3: {  	_ = 	snop  }
0x4: {  	_ = 	snop  }
0x5: {  	_ = 	snop  }
0x6: {  	_ = 	snop  }
0x7: {  	_ = 	snop  }
__scs_overlays_trampoline_lowered:
0x8: {  	[smem:$0x3FA9] =	sst s0  }
0x9: {  	[smem:$0x3FAA] =	sst s1  }
0xa: {  	[smem:$0x3FAB] =	sst s2  }
0xb: {  	[smem:$0x3FAC] =	sst s3  }
0xc: {  	[smem:$0x3FAD] =	sst s4  }
0xd: {  	[smem:$0x3FAE] =	sst s5  }
0xe: {  	[smem:$0x3FAF] =	sst s6  }
0xf: {  	[smem:$0x3FB0] =	sst s7  }
0x10: {  	[smem:$0x3FB1] =	sst s8  }
0x11: {  	[smem:$0x3FB2] =	sst s9;
	s0 =	simm.s32 @!p0 $0x0  }
0x12: {  	s1 =	sld [smem:$0x3F98];
	s0 =	simm.s32 @p0 $0x1  }
0x13: {  	[smem:$0x3FB3] =	sst s0;
	s0 =	simm.s32 @!p1 $0x0  }
0x14: {  	s2 =	sld [smem:$0x3F97];
	s0 =	simm.s32 @p1 $0x1  }
0x15: {  	[smem:$0x3FB4] =	sst s0;
	s0 =	simm.s32 @!p2 $0x0  }
0x16: {  	s3 =	sld [smem:$0x3FDB];
	s0 =	simm.s32 @p2 $0x1  }
0x17: {  	s4 =	simm.s32 $0x1BF5;
	[smem:$0x3FB6] =	sst s0  }
0x18: {  	s0 =	sld [smem:$0x3F99];
	_ =	swait.ge [sflag:s4], $0x0  }
0x19: {  	s7 =	sld [smem:$0x3F9A]  }
0x1a: {  	s8 =	sadd.s32 $0xFFFFE003, lr  }
0x1b: {  	s9 =	sadd.s32 $0xFFFFFEF7, lr;
	s5 =	simm.s32 $0xFFFFFFFF;
	p2 =	slt.u32 s8, $0xFFFFF086  }
0x1c: {  	p1 =	slt.u32 s9, $0xF7A;
	s5 =	simm.s32 @!p2 $0x0  }
0x1d: {  	s5 =	simm.s32 @p1 $0x1;
	p0 =	seq.s32 s7, s2  }
0x1e: {  	s7 =	smul.u32 @!p0 $0xF7A, s2;
	p2 =	seq.s32 @!p0 s5, $0x0  }
0x1f: {  	s9 =	smul.u32 $0xF7A, s1;
	s8 =	simm.s32 @!p0 $0x1BF5;
	p2 =	por !p2, p0  }
0x20: {  	[sflag:s8] =	ssyncset.s32 @!p0 $0xFFFFF086;
	s6 =	sadd.s32 @!p0 s3, s7;
	s7 =	simm.s32 @!p0 $0x108  }
0x21: {  	s3 =	sadd.s32 s3, s9;
	s6 =	sadd.s32 @!p0 $0x88, s6;
	s7 =	simm.s32 @p2 $0x1082  }
0x22: {  	[simem:s7], [sflag:s8] =	dma.local @!p0 [hbm:s6], $0xF7A  }
0x23: {  	s9 =	sor.u32 $0xD0000000, s2;
	s6 =	simm.s32 $0x108;
	_ =	swait.ge @!p0 [sflag:s8], $0x0  }
0x24: {  	s3 =	sadd.s32 $0x88, s3;
	s6 =	simm.s32 @!p1 $0x1082;
	[sflag:s4] =	ssyncset.s32 $0xFFFFF086  }
0x25: {  	[simem:s6], [sflag:s4] =	dma.local [hbm:s3], $0xF7A  }
0x26: {  	[smem:$0x3F9A] =	sst s1;
	(tag) =	ssettag s2;
	_ =	strace s9  }
0x27: {  	s1 =	sld [smem:$0x3FAA]  }
0x28: {  	s2 =	sld [smem:$0x3FAB]  }
0x29: {  	s4 =	sld [smem:$0x3FAD]  }
0x2a: {  	p0 =	seq.s32 s5, $0x0;
	s5 =	sld [smem:$0x3FAE]  }
0x2b: {  	s6 =	sld [smem:$0x3FAF]  }
0x2c: {  	s7 =	sld [smem:$0x3FB0]  }
0x2d: {  	s3 =	simm.s32 $0x108;
	s8 =	sld [smem:$0x3FB1]  }
0x2e: {  	s3 =	simm.s32 @!p0 $0x1082;
	s9 =	sld [smem:$0x3FB2]  }
0x2f: {  	lr =	sadd.s32 s0, s3;
	s0 =	sld [smem:$0x3FA9]  }
0x30: {  	s3 =	sld [smem:$0x3FAC]  }
0x31: {  	[smem:$0x3FB5] =	sst s10  }
0x32: {  	s10 =	sld [smem:$0x3FB3];
	_ =	sdelay $0x3  }
0x33: {  	p0 =	seq.s32 s10, $0x1;
	s10 =	sld [smem:$0x3FB5];
	_ =	sdelay $0x3  }
0x34: {  	[smem:$0x3FB5] =	sst s10  }
0x35: {  	s10 =	sld [smem:$0x3FB4];
	_ =	sdelay $0x3  }
0x36: {  	p1 =	seq.s32 s10, $0x1;
	s10 =	sld [smem:$0x3FB5];
	_ =	sdelay $0x3  }
0x37: {  	[smem:$0x3FB5] =	sst s10  }
0x38: {  	s10 =	sld [smem:$0x3FB6]  }
0x39: {  	_ = 	snop;
	(pc) =	sbr.ind lr, $3  }
0x3a: {  	_ = 	snop  }
0x3b: {  	_ = 	snop  }
0x3c: {  	p2 =	seq.s32 s10, $0x1;
	s10 =	sld [smem:$0x3FB5]  }
0x3d: {  	_ =	shalt  }
0x3e: {  	_ =	shalt  }
0x3f: {  	_ =	shalt  }
0x40: {  	_ =	shalt  }
0x41: {  	_ =	shalt  }
0x42: {  	_ =	shalt  }
0x43: {  	_ =	shalt  }
0x44: {  	_ =	shalt  }
0x45: {  	_ =	shalt  }
0x46: {  	_ =	shalt  }
0x47: {  	_ =	shalt  }
0x48: {  	_ =	shalt  }
0x49: {  	_ =	shalt  }
0x4a: {  	_ =	shalt  }
0x4b: {  	_ =	shalt  }
0x4c: {  	_ =	shalt  }
0x4d: {  	_ =	shalt  }
0x4e: {  	_ =	shalt  }
0x4f: {  	_ =	shalt  }
0x50: {  	_ =	shalt  }
0x51: {  	_ =	shalt  }
0x52: {  	_ =	shalt  }
0x53: {  	_ =	shalt  }
0x54: {  	_ =	shalt  }
0x55: {  	_ =	shalt  }
0x56: {  	_ =	shalt  }
0x57: {  	_ =	shalt  }
0x58: {  	_ =	shalt  }
0x59: {  	_ =	shalt  }
0x5a: {  	_ =	shalt  }
0x5b: {  	_ =	shalt  }
0x5c: {  	_ =	shalt  }
0x5d: {  	_ =	shalt  }
0x5e: {  	_ =	shalt  }
0x5f: {  	_ =	shalt  }
0x60: {  	_ =	shalt  }
0x61: {  	_ =	shalt  }
0x62: {  	_ =	shalt  }
0x63: {  	_ =	shalt  }
0x64: {  	_ =	shalt  }
0x65: {  	_ =	shalt  }
0x66: {  	_ =	shalt  }
0x67: {  	_ =	shalt  }
0x68: {  	_ =	shalt  }
0x69: {  	_ =	shalt  }
0x6a: {  	_ =	shalt  }
0x6b: {  	_ =	shalt  }
0x6c: {  	_ =	shalt  }
0x6d: {  	_ =	shalt  }
0x6e: {  	_ =	shalt  }
0x6f: {  	_ =	shalt  }
0x70: {  	_ =	shalt  }
0x71: {  	_ =	shalt  }
0x72: {  	_ =	shalt  }
0x73: {  	_ =	shalt  }
0x74: {  	_ =	shalt  }
0x75: {  	_ =	shalt  }
0x76: {  	_ =	shalt  }
0x77: {  	_ =	shalt  }
0x78: {  	_ =	shalt  }
0x79: {  	_ =	shalt  }
0x7a: {  	_ =	shalt  }
0x7b: {  	_ =	shalt  }
0x7c: {  	_ =	shalt  }
0x7d: {  	_ =	shalt  }
0x7e: {  	_ =	shalt  }
0x7f: {  	_ =	shalt  }
0x80: {  	_ =	shalt  }
0x81: {  	_ =	shalt  }
0x82: {  	_ =	shalt  }
0x83: {  	_ =	shalt  }
0x84: {  	_ =	shalt  }
0x85: {  	_ =	shalt  }
0x86: {  	_ =	shalt  }
0x87: {  	_ =	shalt  }
.Lfunc_end0:
.L_simem_size_0:
called_computation_lowered:
.L_overlay_start_0:
0x88: {  	s2 =	sld [smem:$0x3FD9]  }
0x89: {  	s3 =	sld [smem:$0x3FFE];
	_ =	sdelay $0x1  }
0x8a: {  	s1 =	srdreg.scid  }
0x8b: {  	s0 =	sand.u32 $0x1, s1  }
0x8c: {  	s17 =	sshll.u32 s0, $0xA;
	s2 =	sadd.s32 s3, s2  }
0x8d: {  	s2 =	sadd.s32 s2, s17  }
0x8e: {  	[smem:$0x3FC1] =	sst s2  }
0x8f: {  	_ = 	snop  }
0x90: {  	s2 =	sld [smem:$0x3FD0];
	(tm) =	ssettm $0x1  }
0x91: {  	s18 =	sld [smem:$0x3FFB];
	_ =	sdelay $0x3  }
0x92: {  	_ =	strace s18  }
0x93: {  	s3 =	sld [smem:$0x3FFC];
	_ =	sdelay $0x3  }
0x94: {  	_ =	strace s3  }
0x95: {  	s3 =	sld [smem:$0x3FFD];
	_ =	sdelay $0x3  }
0x96: {  	_ =	strace s3  }
0x97: {  	_ =	strace $0x8FFFFFFF  }
0x98: {  	s19 =	sld [smem:$0x3FDB];
	_ =	sdelay $0x1  }
0x99: {  	s4 =	simm.s32 $_scs_section_size  }
0x9a: {  	s5 =	simm.s32 $_size__tile_overlayer_lowered;
	s6 =	simm.s32 $_tile_overlayer_lowered  }
0x9b: {  	s22 =	simm.s32 $0x1BFF;
	s21 =	sshll.u32 s6, $0x1;
	s3 =	sadd.s32 s4, s19  }
0x9c: {  	s7 =	simm.s32 $0x0;
	s20 =	sshll.u32 s5, $0x1;
	s5 =	sadd.s32 s21, s3  }
0x9d: {  	[timem:s7], [sflag:s22] =	dma.local [hbm:s5], s20  }
0x9e: {  	_ =	swait.ge [sflag:s22], s20  }
0x9f: {  	s4 =	ssub.s32 $0x0, s20;
	[sflag:s22] =	ssyncset.done $0x0  }
0xa0: {  	[sflag:s22] =	ssyncadd.s32 s4;
	_ =	sdelay $0x1  }
0xa1: {  	s23 =	simm.s32 $0x1B8B  }
0xa2: {  	_ =	swait.ge [sflag:s23], $0x1  }
0xa3: {  	[sflag:s23] =	ssyncset.done $0x0  }
0xa4: {  	s25 =	simm.s32 $0x1B8E;
	s24 =	sld [smem:$0x3FFE];
	[sflag:s23] =	ssyncadd.s32 $0xFFFFFFFF  }
0xa5: {  	s26 =	simm.s32 $execute0_lowered;
	[smem:$0x3FD2] =	sst s25  }
0xa6: {  	s5 =	sshll.u32 s26, $0x1;
	_ =	strace $0x80000046;
	[dreg:$0x1] =	wrdreg $0xFFFFFFFF  }
0xa7: {  	s28 =	simm.s32 $_size_execute0_lowered;
	s3 =	sadd.s32 s3, s5;
	[dreg:$0x0] =	wrdreg $0x0  }
0xa8: {  	s5 =	sshll.u32 s28, $0x1;
	[dreg:$0x2] =	wrdreg s3  }
0xa9: {  	[dreg:$0x3] =	wrdreg s5  }
0xaa: {  	[dreg:$0x4] =	wrdreg $0xC0  }
0xab: {  	_ =	task [dreg:s7], $0x5FFFF  }
0xac: {  	[dreg:$0x1] =	wrdreg $0xFFFFFFFF  }
0xad: {  	[dreg:$0x0] =	wrdreg $0x60  }
0xae: {  	[dreg:$0x2] =	wrdreg s2  }
0xaf: {  	[dreg:$0x3] =	wrdreg s24  }
0xb0: {  	[dreg:$0x4] =	wrdreg $0x58000  }
0xb1: {  	[dreg:$0x5] =	wrdreg $0x9  }
0xb2: {  	_ =	task.clear_ibuf [dreg:s7], $0x6FFFF;
	_ =	strace $0x90000046  }
0xb3: {  	s29 =	simm.s32 $0x9;
	_ =	strace $0x80000048  }
0xb4: {  	_ =	swait.ge [sflag:s29], $0x1  }
0xb5: {  	[sflag:s29] =	ssyncadd.s32 $0xFFFFFFFF  }
0xb6: {  	_ =	strace $0x90000048  }
0xb7: {  	_ =	sfence  }
0xb8: {  	s30 =	sld [smem:$0x0];
	_ =	sdelay $0x2  }
0xb9: {  	s31 =	sshll.u32 s1, $0xD;
	s1 =	sshrl.u32 s1, $0x2  }
0xba: {  	s3 =	sand.u32 $0x4000, s31;
	s1 =	sadd.s32 s1, s30  }
0xbb: {  	s0 =	sor.u32 s3, s0;
	s1 =	sshll.u32 s1, $0x11  }
0xbc: {  	s0 =	sor.u32 s1, s0  }
0xbd: {  	s0 =	sadd.s32 $0x8F2B, s0  }
0xbe: {  	[sflag:s0] =	ssyncadd.remote.s32 $0x1  }
0xbf: {  	_ =	sfence.sel $0xFFFF  }
0xc0: {  	[dreg:$0x0] =	wrdreg $0xFFFFFFFF;
	(pc) =	sbr.abs _section_cstart, $3  }
0xc1: {  	[dreg:$0x1] =	wrdreg $0xFFFFFFFF  }
0xc2: {  	_ =	task.clear_ibuf [dreg:s7], $0x2FFFF;
	_ =	strace $0x9FFFFFFF  }
0xc3: {  	(tm) =	ssettm $0x7FFFFFFF  }
tec
execute0_lowered:
.L_overlay_start_1:
0x0: {  	(tag) =	ssettag $0x1  }
0x1: {  	s4 =	rddreg [dreg:$0x0]  }
0x2: {  	s5 =	rddreg [dreg:$0x1];
	s1 =	srdreg.scid  }
0x3: {  	s0 =	stileid.u32;
	s2 =	rddreg [dreg:$0x2];
	s3 =	simm.s32 $0x0  }
0x4: {  	s11 =	simm.s32 $0x2800;
	s6 =	sand.u32 $0x1, s1;
	s1 =	rddreg [dreg:$0x3]  }
0x5: {  	s14 =	simm.s32 $0x0;
	s7 =	smul.u32 $0x2800, s0;
	[smem:$0x7FF] =	sst s3  }
0x6: {  	s9 =	sshll.u32 s0, $0x1;
	s12 =	sshll.u32 s0, $0x6;
	s8 =	smul.u32 $0x28000, s6  }
0x7: {  	s10 =	ssub.s32 $0x2, s6;
	s6 =	sor.u32 s6, s9;
	_ =	strace $0x80000047  }
0x8: {  	s31 =	sshrl.u32 s10, $0x1;
	s6 =	smul.u32 $0x500, s6;
	s8 =	sadd.s32 s7, s8  }
0x9: {  	s12 =	sor.u32 $0x1C01, s12;
	s9 =	ssub.s32 s10, s31;
	s8 =	sshrl.u32 s8, $0x3  }
0xa: {  	s10 =	simm.s32 $0x80;
	s4 =	sadd.s32 s4, s6;
	s8 =	sadd.s32 s8, s5  }
0xb: {  	s5 =	sadd.s32 s7, s2;
	s7 =	smax.u32 s9, $0x1;
	s9 =	simm.s32 $0x3000  }
0xc: {  	v0 =	vimm.f32 $1.000000000e+00;
	v1 =	vimm.f32 $0.0e+00;
	s6 =	sadd.s32 $0xE00, s8;
	s8 =	simm.s32 $0x1;
	s13 =	sshrl.u32 s5, $0x3  }
.LBB2_1:
0xd: {  	[tilespmem:s3], [sflag:$0x1] =	stream.linear.gather [hbm4b:s4+s3], $0x2800, $0x38;
	[tilespmem:$0x8000] =	vst v63  }
0xe: {  	_ =	swait.ge [sflag:s8], $0x2800  }
0xf: {  	[sflag:s8] =	ssyncset.done $0x0  }
0x10: {  	s15 =	simm.s32 $0x0;
	[sflag:s8] =	ssyncadd.s32 $0xFFFFD800  }
.LBB2_2:
0x11: {  	p0 =	sne.s32 s15, $0x1FC0  }
.Ltmp0:
0x12: {  	_ = 	snop;
	(pc) =	sbr.rel @p0 .LBB2_2-.Ltmp0, $3  }
0x13: {  	_ =	sdelay $0x1  }
0x14: {  	s16 =	sshra.s32 s15, $0x2  }
0x15: {  	s15 =	sadd.s32 $0x40, s15;
	[tilespmem:s16+$0x2800] =	vst v0  }
0x16: {  	s15 =	simm.s32 $0x40;
	s16 =	simm.s32 $0x0  }
.LBB2_4:
0x17: {  	p0 =	sne.s32 s15, $0x9FC0;
	[tilespmem:s16+$0x3000] =	vst v1;
	s16 =	smov.u32 s15;
	s15 =	sadd.s32 $0x40, s15  }
.Ltmp1:
0x18: {  	(pc) =	sbr.rel @p0 .LBB2_4-.Ltmp1, $2  }
0x19: {  	_ =	sdelay $0x2  }
0x1a: {  	s16 =	sshra.s32 s16, $0x2  }
0x1b: {  	[tilespmem:s16+$0x3000] =	vst v1  }
0x1c: {  	[spmem:s5] =	stream.linear.scatter [tilespmem:s9], [sflag:$0x1], $0x2800, $0x38;
	[tilespmem:$0x8000] =	vst v63  }
0x1d: {  	_ =	swait.ge [sflag:s8], $0x2800  }
0x1e: {  	[sflag:s8] =	ssyncset.done $0x0  }
0x1f: {  	[sflag:s8] =	ssyncadd.s32 $0xFFFFD800  }
0x20: {  	s15 =	simm.s32 $0x0;
	[bflag:$0x0] =	sbarrier.arrive $0xFFFF  }
0x21: {  	[spmem:s2] =	stream.indirect.scatter.add.f32 [tilespmem:s11], [sflag:$0x1], $0x10, s15, s10, $0xb8;
	[tilespmem:$0x8000] =	vst v63  }
0x22: {  	_ =	swait.ge [sflag:s8], $0x800  }
0x23: {  	s15 =	simm.s32 $0x200;
	[sflag:s8] =	ssyncset.done $0x0  }
.LBB2_6:
0x24: {  	s16 =	sshra.s32 s15, $0x2;
	[sflag:s8] =	ssyncadd.s32 $0xFFFFF800;
	p0 =	sne.s32 s15, $0x9E00  }
0x25: {  	[spmem:s2] =	stream.indirect.scatter.add.f32 [tilespmem:s11], [sflag:$0x1], $0x10, s16, s10, $0xb8;
	[tilespmem:$0x8000] =	vst v63  }
.Ltmp2:
0x26: {  	_ = 	snop;
	(pc) =	sbr.rel @p0 .LBB2_6-.Ltmp2, $4  }
0x27: {  	_ = 	snop  }
0x28: {  	s15 =	sadd.s32 $0x200, s15  }
0x29: {  	_ =	swait.ge [sflag:s8], $0x800  }
0x2a: {  	[sflag:s8] =	ssyncset.done $0x0  }
0x2b: {  	s14 =	sadd.s32 $0x1, s14  }
0x2c: {  	[sflag:s8] =	ssyncadd.s32 $0xFFFFF800;
	p0 =	sne.s32 s14, s7  }
.Ltmp3:
0x2d: {  	[bflag:$0x0] =	sbarrier.arrive $0xFFFF;
	(pc) =	sbr.rel @p0 .LBB2_1-.Ltmp3, $4  }
0x2e: {  	[hbm:s6], [sflag:s12] =	dma.local [spmem:s13], $0x500  }
0x2f: {  	_ =	swait.ge [sflag:s8], $0x500  }
0x30: {  	[sflag:s8] =	ssyncset.done $0x0  }
0x31: {  	[sflag:s8] =	ssyncadd.s32 $0xFFFFFB00  }
0x32: {  	_ =	sfence.sel $0x180000  }
0x33: {  	[bflag:$0x0] =	sbarrier.arrive $0xFFFF  }
0x34: {  	p0 =	sne.s32 s0, $0x0;
	_ =	strace $0x90000047  }
0x35: {  	s0 =	sadd.s32 @!p0 $0x100000, s1;
	[bflag:$0x2] =	sbarrier.arrive $0xFFFF  }
0x36: {  	[sflag:s0] =	ssyncadd.tile.s32 @!p0 $0x1;
	_ =	shalt  }
.Lfunc_end2:
_tile_overlayer_lowered:
.L_overlay_start_2:
0x37: {  	(tag) =	ssettag $0x2  }
0x38: {  	s0 =	rddreg [dreg:$0x0];
	s2 =	stileid.u32  }
0x39: {  	s1 =	rddreg [dreg:$0x1];
	p0 =	sne.s32 s2, $0x0  }
0x3a: {  	s3 =	rddreg [dreg:$0x2];
	[bflag:$0x3] =	sbarrier.arrive $0xFFFF;
	s2 =	simm.s32 @!p0 $0x1C01  }
0x3b: {  	[timem:s3], [sflag:s2] =	dma.local @!p0 [hbm:s0], s1  }
0x3c: {  	s0 =	simm.s32 @!p0 $0x1  }
0x3d: {  	_ =	swait.ge @!p0 [sflag:s0], s1  }
0x3e: {  	s1 =	ssub.s32 @!p0 $0x0, s1;
	[sflag:s0] =	ssyncset.done @!p0 $0x0  }
0x3f: {  	[sflag:s0] =	ssyncadd.s32 @!p0 s1  }
0x40: {  	[bflag:$0x3] =	sbarrier.arrive $0xFFFF  }
0x41: {  	_ =	shalt  }

</sc_bundles>
